<compile_context>
chip_gen: v7x
topology: tpu7x:2x2x1
jax: 0.10.2.dev20260603
libtpu: 0.0.44.dev20260713+nightly
codegen_flags: <defaults>
</compile_context>

<pallas_src>
import jax
import jax.numpy as jnp
from jax import lax
from jax.experimental import pallas as pl
from jax.experimental.pallas import tpu as pltpu
from jax.experimental.pallas import tpu_sc as plsc

N_ROWS = 100000
D = 128
NSEG = 256
NC = 2
NS = 16
NW = NC * NS
CHUNK = 160
HALF = CHUNK // 2
LANES = 16
NBUF = 3

SC_ROWS = 56000
TC_ROWS = N_ROWS - SC_ROWS
TC_BLK = 2000
TC_NBLK = TC_ROWS // TC_BLK

NCHUNK = SC_ROWS // CHUNK
MAXK = -(-NCHUNK // NW)
ROUNDS = -(-MAXK // NBUF)


def _sc_body(x_hbm, ids2_hbm, sums_hbm, counts_hbm,
             xbufs, id2bufs, cnt, zbuf, sems, ssems, shared_acc):
    cid = lax.axis_index("c")
    sid = lax.axis_index("s")
    wid = sid * NC + cid

    zeros16 = jnp.zeros((LANES,), jnp.float32)
    ones16 = jnp.ones((LANES,), jnp.float32)
    lane_iota = lax.iota(jnp.int32, LANES)
    my_acc = shared_acc.at[sid]

    for r in range(LANES):
        for c8 in range(D // LANES):
            zbuf[r, pl.ds(c8 * LANES, LANES)] = zeros16

    def zero_cnt(r, carry):
        cnt[r, :] = zeros16
        return carry

    lax.fori_loop(0, NSEG, zero_cnt, 0)
    for blk in range(NSEG // LANES):
        pltpu.sync_copy(zbuf, my_acc.at[pl.ds(blk * LANES, LANES), :])

    def start_loads(k, par):
        chunk_id = wid + NW * k

        @pl.when(chunk_id < NCHUNK)
        def _():
            base = chunk_id * CHUNK
            pltpu.async_copy(x_hbm.at[pl.ds(base, CHUNK), :], xbufs[par],
                             sems[par])
            pltpu.async_copy(ids2_hbm.at[pl.ds(2 * chunk_id, 2), :],
                             id2bufs[par], sems[par])

    def wait_loads(k, par):
        chunk_id = wid + NW * k

        @pl.when(chunk_id < NCHUNK)
        def _():
            base = chunk_id * CHUNK
            pltpu.make_async_copy(x_hbm.at[pl.ds(base, CHUNK), :],
                                  xbufs[par], sems[par]).wait()
            pltpu.make_async_copy(ids2_hbm.at[pl.ds(2 * chunk_id, 2), :],
                                  id2bufs[par], sems[par]).wait()

    def fire_scatters(k, par):
        chunk_id = wid + NW * k

        @pl.when(chunk_id < NCHUNK)
        def _():
            for j in range(CHUNK // HALF):
                pltpu.async_copy(xbufs[par].at[pl.ds(j * HALF, HALF), :],
                                 my_acc.at[id2bufs[par].at[j]], ssems[par],
                                 add=True)

    def wait_scatters(k, par):
        chunk_id = wid + NW * k

        @pl.when((k >= 0) & (chunk_id < NCHUNK))
        def _():
            for j in range(CHUNK // HALF):
                pltpu.make_async_copy(
                    xbufs[par].at[pl.ds(j * HALF, HALF), :],
                    my_acc.at[id2bufs[par].at[j]], ssems[par]).wait()

    def do_counts(k, par):
        chunk_id = wid + NW * k

        @pl.when(chunk_id < NCHUNK)
        def _():
            for j in range(CHUNK // HALF):
                def cnt_body(g, carry, j=j):
                    idv = id2bufs[par][j, pl.ds(g * LANES, LANES)]
                    plsc.addupdate_scatter(cnt, [idv, lane_iota], ones16)
                    return carry

                lax.fori_loop(0, HALF // LANES, cnt_body, 0)

    for i in range(NBUF - 1):
        start_loads(i, i)

    def round_body(k0, carry):
        for par in range(NBUF):
            k = k0 + par
            wait_loads(k, par)
            fire_scatters(k, par)
            wait_scatters(k - 1, (par - 1) % NBUF)
            start_loads(k + NBUF - 1, (par - 1) % NBUF)
            do_counts(k, par)
        return carry

    lax.fori_loop(0, ROUNDS, lambda i, c: round_body(i * NBUF, c), 0)
    wait_scatters(ROUNDS * NBUF - 1, NBUF - 1)

    pltpu.sync_copy(my_acc, sums_hbm.at[cid, sid])
    pltpu.sync_copy(cnt, counts_hbm.at[cid, sid])


def _sc_segment_partials(x, ids2):
    mesh = plsc.VectorSubcoreMesh(core_axis_name="c", subcore_axis_name="s")
    f = pl.kernel(
        _sc_body,
        out_type=(
            jax.ShapeDtypeStruct((NC, NS, NSEG, D), jnp.float32),
            jax.ShapeDtypeStruct((NC, NS, NSEG, LANES), jnp.float32),
        ),
        mesh=mesh,
        scratch_types=(
            tuple(pltpu.VMEM((CHUNK, D), jnp.float32) for _ in range(NBUF)),
            tuple(pltpu.VMEM((CHUNK // HALF, HALF), jnp.int32)
                  for _ in range(NBUF)),
            pltpu.VMEM((NSEG, LANES), jnp.float32),
            pltpu.VMEM((LANES, D), jnp.float32),
            tuple(pltpu.SemaphoreType.DMA for _ in range(NBUF)),
            tuple(pltpu.SemaphoreType.DMA for _ in range(NBUF)),
            pltpu.VMEM_SHARED((NS, NSEG, D), jnp.float32),
        ),
        compiler_params=pltpu.CompilerParams(needs_layout_passes=False),
    )
    return f(x, ids2)


def _tc_seg_body(ids_ref, x_ref, sums_ref, cnt_ref, acc, cnt):
    i = pl.program_id(0)

    @pl.when(i == 0)
    def _():
        acc[...] = jnp.zeros_like(acc)
        cnt[...] = jnp.zeros_like(cnt)

    ids = ids_ref[0, 0, :]
    oh = (ids[:, None]
          == lax.broadcasted_iota(jnp.int32, (TC_BLK, NSEG), 1)
          ).astype(jnp.float32)
    acc[...] += lax.dot_general(oh, x_ref[...], (((0,), (0,)), ((), ())),
                                preferred_element_type=jnp.float32)
    cnt[...] += jnp.sum(oh, axis=0)[None, :]

    @pl.when(i == TC_NBLK - 1)
    def _():
        sums_ref[...] = acc[...]
        cnt_ref[...] = cnt[...]


def _tc_segment_partials(x, ids3):
    base_blk = SC_ROWS // TC_BLK
    return pl.pallas_call(
        _tc_seg_body,
        grid=(TC_NBLK,),
        in_specs=[
            pl.BlockSpec((1, 1, TC_BLK), lambda i: (i, 0, 0)),
            pl.BlockSpec((TC_BLK, D), lambda i: (i + base_blk, 0)),
        ],
        out_specs=[
            pl.BlockSpec((NSEG, D), lambda i: (0, 0)),
            pl.BlockSpec((1, NSEG), lambda i: (0, 0)),
        ],
        out_shape=(
            jax.ShapeDtypeStruct((NSEG, D), jnp.float32),
            jax.ShapeDtypeStruct((1, NSEG), jnp.float32),
        ),
        scratch_shapes=[
            pltpu.VMEM((NSEG, D), jnp.float32),
            pltpu.VMEM((1, NSEG), jnp.float32),
        ],
    )(ids3, x)


def _tc_body(sums_ref, counts_ref, tsum_ref, tcnt_ref,
             u_ref, W1_ref, b1_ref, W2_ref, b2_ref, out_ref):
    seg_sum = jnp.sum(sums_ref[...], axis=0) + tsum_ref[...]
    counts = jnp.sum(counts_ref[...], axis=(0, 2)) + tcnt_ref[0, :]
    mean = seg_sum / jnp.maximum(counts, 1.0)[:, None]
    h = (
        jnp.dot(u_ref[...], W1_ref[0:D, :], preferred_element_type=jnp.float32)
        + jnp.dot(mean, W1_ref[D:2 * D, :], preferred_element_type=jnp.float32)
        + b1_ref[...]
    )
    h = jnp.where(h >= 0, h, 0.01 * h)
    out_ref[...] = (
        jnp.dot(h, W2_ref[...], preferred_element_type=jnp.float32)
        + b2_ref[...]
    )


def _tc_finalize(sums, counts, tsum, tcnt, u, W1, b1, W2, b2):
    return pl.pallas_call(
        _tc_body,
        out_shape=jax.ShapeDtypeStruct((NSEG, D), jnp.float32),
    )(sums, counts, tsum, tcnt, u, W1, b1.reshape(1, -1), W2,
      b2.reshape(1, -1))


@jax.jit
def kernel(x, edge_index, edge_attr, u, batch, W1, b1, W2, b2):
    ids = batch.astype(jnp.int32)
    ids2 = ids[:SC_ROWS].reshape(NCHUNK * (CHUNK // HALF), HALF)
    ids3 = ids[SC_ROWS:].reshape(TC_NBLK, 1, TC_BLK)
    sums, counts = _sc_segment_partials(x, ids2)
    tsum, tcnt = _tc_segment_partials(x, ids3)
    sums = sums.reshape(NW, NSEG, D)
    counts = counts.reshape(NW, NSEG, LANES)
    return _tc_finalize(sums, counts, tsum, tcnt, u, W1, b1, W2, b2)

# --- scband reference (transcript-rebuilt; emitter-appended) ---
"""Pipeline reference for scband-global-model-26396869001530 (READ-ONLY COPY).

The authoritative reference and input builder live on the scoring server;
editing this copy changes nothing except your own understanding.
"""

import jax, jax.numpy as jnp
import numpy as np

NUM_SEGMENTS = 256

def setup_inputs(seed: int = 0) -> dict:
    key = jax.random.key(seed)
    ks = jax.random.split(key, 10)
    x = jax.random.normal(ks[0], (100000, 128), dtype=jnp.float32)
    edge_index = jax.random.randint(ks[1], (2, 1600000), 0, 100000, dtype=jnp.int64)
    edge_attr = jax.random.normal(ks[2], (1600000, 4), dtype=jnp.float32)
    u = jax.random.normal(ks[3], (256, 128), dtype=jnp.float32)
    batch = jnp.sort(jax.random.randint(ks[4], (100000,), 0, 256, dtype=jnp.int64))
    # learned parameters for global_mlp: Linear(256->512), LeakyReLU, Linear(512->128)
    W1 = jax.random.normal(ks[5], (256, 512), dtype=jnp.float32) * (1.0 / np.sqrt(256))
    b1 = jnp.zeros((512,), dtype=jnp.float32)
    W2 = jax.random.normal(ks[6], (512, 128), dtype=jnp.float32) * (1.0 / np.sqrt(512))
    b2 = jnp.zeros((128,), dtype=jnp.float32)
    return {"x": x, "edge_index": edge_index, "edge_attr": edge_attr, "u": u, "batch": batch,
            "W1": W1, "b1": b1, "W2": W2, "b2": b2}

def reference(x, edge_index, edge_attr, u, batch, W1, b1, W2, b2):
    # scatter(x, batch, dim=0, reduce='mean') -> segment mean over graphs
    seg_sum = jax.ops.segment_sum(x, batch, num_segments=NUM_SEGMENTS)
    counts = jax.ops.segment_sum(jnp.ones((x.shape[0],), dtype=x.dtype), batch, num_segments=NUM_SEGMENTS)
    seg_mean = seg_sum / jnp.maximum(counts, 1.0)[:, None]
    out = jnp.concatenate([u, seg_mean], axis=1)
    # global_mlp: Linear -> LeakyReLU(0.01) -> Linear
    h = out @ W1 + b1
    h = jnp.where(h >= 0, h, 0.01 * h)
    return h @ W2 + b2

if __name__ == "__main__":
    import jax
    _d = setup_inputs()
    print(jax.jit(kernel)(*tuple(_d.values())))

</pallas_src>

<mosaic_0001>
#map = affine_map<(d0, d1) -> (0, 0)>
#map1 = affine_map<(d0, d1) -> (0, 0, 0, 0)>
module attributes {stable_mosaic.version = 14 : i64} {
  func.func @_sc_body(%arg0: i32, %arg1: i32, %arg2: memref<100000x128xf32, #tpu.memory_space<hbm>>, %arg3: memref<700x80xi32, #tpu.memory_space<hbm>>, %arg4: memref<2x16x256x128xf32, #tpu.memory_space<hbm>>, %arg5: memref<2x16x256x16xf32, #tpu.memory_space<hbm>>, %arg6: memref<160x128xf32, #tpu.memory_space<vmem>>, %arg7: memref<160x128xf32, #tpu.memory_space<vmem>>, %arg8: memref<160x128xf32, #tpu.memory_space<vmem>>, %arg9: memref<2x80xi32, #tpu.memory_space<vmem>>, %arg10: memref<2x80xi32, #tpu.memory_space<vmem>>, %arg11: memref<2x80xi32, #tpu.memory_space<vmem>>, %arg12: memref<256x16xf32, #tpu.memory_space<vmem>>, %arg13: memref<16x128xf32, #tpu.memory_space<vmem>>, %arg14: memref<!tpu.dma_semaphore, #tpu.memory_space<semaphore_mem>>, %arg15: memref<!tpu.dma_semaphore, #tpu.memory_space<semaphore_mem>>, %arg16: memref<!tpu.dma_semaphore, #tpu.memory_space<semaphore_mem>>, %arg17: memref<!tpu.dma_semaphore, #tpu.memory_space<semaphore_mem>>, %arg18: memref<!tpu.dma_semaphore, #tpu.memory_space<semaphore_mem>>, %arg19: memref<!tpu.dma_semaphore, #tpu.memory_space<semaphore_mem>>, %arg20: memref<16x256x128xf32, #tpu.memory_space<vmem_shared>>) attributes {dimension_semantics = [#tpu.dimension_semantics<core_parallel>, #tpu.dimension_semantics<subcore_parallel>], iteration_bounds = array<i64: 2, 16>, scalar_prefetch = 0 : i64, scratch_operands = 15 : i64, tpu.core_type = #tpu.core_type<sc_vector_subcore>, window_params = [{transform_indices = #map}, {transform_indices = #map}, {transform_indices = #map1}, {transform_indices = #map1}]} {
    %mul3A = arith.constant 2 : i32
    %mul3A_0 = arith.muli %arg1, %mul3A : i32
    %add3A = arith.addi %mul3A_0, %arg0 : i32
    %broadcast_in_dim3A = arith.constant 0.000000e+00 : f32
    %broadcast_in_dim3A_1 = vector.broadcast %broadcast_in_dim3A : f32 to vector<16xf32>
    %broadcast_in_dim3A_2 = arith.constant 1.000000e+00 : f32
    %broadcast_in_dim3A_3 = vector.broadcast %broadcast_in_dim3A_2 : f32 to vector<16xf32>
    %iota3A = tpu.iota {dimensions = array<i32: 0>} : vector<16xi32>
    %swap3A = arith.constant 0 : i32
    %swap3A_4 = arith.index_cast %swap3A : i32 to index
    %swap3A_5 = arith.constant 0 : index
    %swap3A_6 = tpu.vector_load %arg13[%swap3A_4, %swap3A_5] {strides = array<i32>} : memref<16x128xf32, #tpu.memory_space<vmem>>, vector<16xf32>,
    tpu.vector_store %arg13[%swap3A_4, %swap3A_5], %broadcast_in_dim3A_1 {strides = array<i32>} : memref<16x128xf32, #tpu.memory_space<vmem>>, vector<16xf32>,
    %swap3A_7 = arith.constant 0 : i32
    %swap3A_8 = arith.index_cast %swap3A_7 : i32 to index
    %swap3A_9 = arith.constant 16 : index
    %swap3A_10 = tpu.vector_load %arg13[%swap3A_8, %swap3A_9] {strides = array<i32>} : memref<16x128xf32, #tpu.memory_space<vmem>>, vector<16xf32>,
    tpu.vector_store %arg13[%swap3A_8, %swap3A_9], %broadcast_in_dim3A_1 {strides = array<i32>} : memref<16x128xf32, #tpu.memory_space<vmem>>, vector<16xf32>,
    %swap3A_11 = arith.constant 0 : i32
    %swap3A_12 = arith.index_cast %swap3A_11 : i32 to index
    %swap3A_13 = arith.constant 32 : index
    %swap3A_14 = tpu.vector_load %arg13[%swap3A_12, %swap3A_13] {strides = array<i32>} : memref<16x128xf32, #tpu.memory_space<vmem>>, vector<16xf32>,
    tpu.vector_store %arg13[%swap3A_12, %swap3A_13], %broadcast_in_dim3A_1 {strides = array<i32>} : memref<16x128xf32, #tpu.memory_space<vmem>>, vector<16xf32>,
    %swap3A_15 = arith.constant 0 : i32
    %swap3A_16 = arith.index_cast %swap3A_15 : i32 to index
    %swap3A_17 = arith.constant 48 : index
    %swap3A_18 = tpu.vector_load %arg13[%swap3A_16, %swap3A_17] {strides = array<i32>} : memref<16x128xf32, #tpu.memory_space<vmem>>, vector<16xf32>,
    tpu.vector_store %arg13[%swap3A_16, %swap3A_17], %broadcast_in_dim3A_1 {strides = array<i32>} : memref<16x128xf32, #tpu.memory_space<vmem>>, vector<16xf32>,
    %swap3A_19 = arith.constant 0 : i32
    %swap3A_20 = arith.index_cast %swap3A_19 : i32 to index
    %swap3A_21 = arith.constant 64 : index
    %swap3A_22 = tpu.vector_load %arg13[%swap3A_20, %swap3A_21] {strides = array<i32>} : memref<16x128xf32, #tpu.memory_space<vmem>>, vector<16xf32>,
    tpu.vector_store %arg13[%swap3A_20, %swap3A_21], %broadcast_in_dim3A_1 {strides = array<i32>} : memref<16x128xf32, #tpu.memory_space<vmem>>, vector<16xf32>,
    %swap3A_23 = arith.constant 0 : i32
    %swap3A_24 = arith.index_cast %swap3A_23 : i32 to index
    %swap3A_25 = arith.constant 80 : index
    %swap3A_26 = tpu.vector_load %arg13[%swap3A_24, %swap3A_25] {strides = array<i32>} : memref<16x128xf32, #tpu.memory_space<vmem>>, vector<16xf32>,
    tpu.vector_store %arg13[%swap3A_24, %swap3A_25], %broadcast_in_dim3A_1 {strides = array<i32>} : memref<16x128xf32, #tpu.memory_space<vmem>>, vector<16xf32>,
    %swap3A_27 = arith.constant 0 : i32
    %swap3A_28 = arith.index_cast %swap3A_27 : i32 to index
    %swap3A_29 = arith.constant 96 : index
    %swap3A_30 = tpu.vector_load %arg13[%swap3A_28, %swap3A_29] {strides = array<i32>} : memref<16x128xf32, #tpu.memory_space<vmem>>, vector<16xf32>,
    tpu.vector_store %arg13[%swap3A_28, %swap3A_29], %broadcast_in_dim3A_1 {strides = array<i32>} : memref<16x128xf32, #tpu.memory_space<vmem>>, vector<16xf32>,
    %swap3A_31 = arith.constant 0 : i32
    %swap3A_32 = arith.index_cast %swap3A_31 : i32 to index
    %swap3A_33 = arith.constant 112 : index
    %swap3A_34 = tpu.vector_load %arg13[%swap3A_32, %swap3A_33] {strides = array<i32>} : memref<16x128xf32, #tpu.memory_space<vmem>>, vector<16xf32>,
    tpu.vector_store %arg13[%swap3A_32, %swap3A_33], %broadcast_in_dim3A_1 {strides = array<i32>} : memref<16x128xf32, #tpu.memory_space<vmem>>, vector<16xf32>,
    %swap3A_35 = arith.constant 1 : i32
    %swap3A_36 = arith.index_cast %swap3A_35 : i32 to index
    %swap3A_37 = arith.constant 0 : index
    %swap3A_38 = tpu.vector_load %arg13[%swap3A_36, %swap3A_37] {strides = array<i32>} : memref<16x128xf32, #tpu.memory_space<vmem>>, vector<16xf32>,
    tpu.vector_store %arg13[%swap3A_36, %swap3A_37], %broadcast_in_dim3A_1 {strides = array<i32>} : memref<16x128xf32, #tpu.memory_space<vmem>>, vector<16xf32>,
    %swap3A_39 = arith.constant 1 : i32
    %swap3A_40 = arith.index_cast %swap3A_39 : i32 to index
    %swap3A_41 = arith.constant 16 : index
    %swap3A_42 = tpu.vector_load %arg13[%swap3A_40, %swap3A_41] {strides = array<i32>} : memref<16x128xf32, #tpu.memory_space<vmem>>, vector<16xf32>,
    tpu.vector_store %arg13[%swap3A_40, %swap3A_41], %broadcast_in_dim3A_1 {strides = array<i32>} : memref<16x128xf32, #tpu.memory_space<vmem>>, vector<16xf32>,
    %swap3A_43 = arith.constant 1 : i32
    %swap3A_44 = arith.index_cast %swap3A_43 : i32 to index
    %swap3A_45 = arith.constant 32 : index
    %swap3A_46 = tpu.vector_load %arg13[%swap3A_44, %swap3A_45] {strides = array<i32>} : memref<16x128xf32, #tpu.memory_space<vmem>>, vector<16xf32>,
    tpu.vector_store %arg13[%swap3A_44, %swap3A_45], %broadcast_in_dim3A_1 {strides = array<i32>} : memref<16x128xf32, #tpu.memory_space<vmem>>, vector<16xf32>,
    %swap3A_47 = arith.constant 1 : i32
    %swap3A_48 = arith.index_cast %swap3A_47 : i32 to index
    %swap3A_49 = arith.constant 48 : index
    %swap3A_50 = tpu.vector_load %arg13[%swap3A_48, %swap3A_49] {strides = array<i32>} : memref<16x128xf32, #tpu.memory_space<vmem>>, vector<16xf32>,
    tpu.vector_store %arg13[%swap3A_48, %swap3A_49], %broadcast_in_dim3A_1 {strides = array<i32>} : memref<16x128xf32, #tpu.memory_space<vmem>>, vector<16xf32>,
    %swap3A_51 = arith.constant 1 : i32
    %swap3A_52 = arith.index_cast %swap3A_51 : i32 to index
    %swap3A_53 = arith.constant 64 : index
    %swap3A_54 = tpu.vector_load %arg13[%swap3A_52, %swap3A_53] {strides = array<i32>} : memref<16x128xf32, #tpu.memory_space<vmem>>, vector<16xf32>,
    tpu.vector_store %arg13[%swap3A_52, %swap3A_53], %broadcast_in_dim3A_1 {strides = array<i32>} : memref<16x128xf32, #tpu.memory_space<vmem>>, vector<16xf32>,
    %swap3A_55 = arith.constant 1 : i32
    %swap3A_56 = arith.index_cast %swap3A_55 : i32 to index
    %swap3A_57 = arith.constant 80 : index
    %swap3A_58 = tpu.vector_load %arg13[%swap3A_56, %swap3A_57] {strides = array<i32>} : memref<16x128xf32, #tpu.memory_space<vmem>>, vector<16xf32>,
    tpu.vector_store %arg13[%swap3A_56, %swap3A_57], %broadcast_in_dim3A_1 {strides = array<i32>} : memref<16x128xf32, #tpu.memory_space<vmem>>, vector<16xf32>,
    %swap3A_59 = arith.constant 1 : i32
    %swap3A_60 = arith.index_cast %swap3A_59 : i32 to index
    %swap3A_61 = arith.constant 96 : index
    %swap3A_62 = tpu.vector_load %arg13[%swap3A_60, %swap3A_61] {strides = array<i32>} : memref<16x128xf32, #tpu.memory_space<vmem>>, vector<16xf32>,
    tpu.vector_store %arg13[%swap3A_60, %swap3A_61], %broadcast_in_dim3A_1 {strides = array<i32>} : memref<16x128xf32, #tpu.memory_space<vmem>>, vector<16xf32>,
    %swap3A_63 = arith.constant 1 : i32
    %swap3A_64 = arith.index_cast %swap3A_63 : i32 to index
    %swap3A_65 = arith.constant 112 : index
    %swap3A_66 = tpu.vector_load %arg13[%swap3A_64, %swap3A_65] {strides = array<i32>} : memref<16x128xf32, #tpu.memory_space<vmem>>, vector<16xf32>,
    tpu.vector_store %arg13[%swap3A_64, %swap3A_65], %broadcast_in_dim3A_1 {strides = array<i32>} : memref<16x128xf32, #tpu.memory_space<vmem>>, vector<16xf32>,
    %swap3A_67 = arith.constant 2 : i32
    %swap3A_68 = arith.index_cast %swap3A_67 : i32 to index
    %swap3A_69 = arith.constant 0 : index
    %swap3A_70 = tpu.vector_load %arg13[%swap3A_68, %swap3A_69] {strides = array<i32>} : memref<16x128xf32, #tpu.memory_space<vmem>>, vector<16xf32>,
    tpu.vector_store %arg13[%swap3A_68, %swap3A_69], %broadcast_in_dim3A_1 {strides = array<i32>} : memref<16x128xf32, #tpu.memory_space<vmem>>, vector<16xf32>,
    %swap3A_71 = arith.constant 2 : i32
    %swap3A_72 = arith.index_cast %swap3A_71 : i32 to index
    %swap3A_73 = arith.constant 16 : index
    %swap3A_74 = tpu.vector_load %arg13[%swap3A_72, %swap3A_73] {strides = array<i32>} : memref<16x128xf32, #tpu.memory_space<vmem>>, vector<16xf32>,
    tpu.vector_store %arg13[%swap3A_72, %swap3A_73], %broadcast_in_dim3A_1 {strides = array<i32>} : memref<16x128xf32, #tpu.memory_space<vmem>>, vector<16xf32>,
    %swap3A_75 = arith.constant 2 : i32
    %swap3A_76 = arith.index_cast %swap3A_75 : i32 to index
    %swap3A_77 = arith.constant 32 : index
    %swap3A_78 = tpu.vector_load %arg13[%swap3A_76, %swap3A_77] {strides = array<i32>} : memref<16x128xf32, #tpu.memory_space<vmem>>, vector<16xf32>,
    tpu.vector_store %arg13[%swap3A_76, %swap3A_77], %broadcast_in_dim3A_1 {strides = array<i32>} : memref<16x128xf32, #tpu.memory_space<vmem>>, vector<16xf32>,
    %swap3A_79 = arith.constant 2 : i32
    %swap3A_80 = arith.index_cast %swap3A_79 : i32 to index
    %swap3A_81 = arith.constant 48 : index
    %swap3A_82 = tpu.vector_load %arg13[%swap3A_80, %swap3A_81] {strides = array<i32>} : memref<16x128xf32, #tpu.memory_space<vmem>>, vector<16xf32>,
    tpu.vector_store %arg13[%swap3A_80, %swap3A_81], %broadcast_in_dim3A_1 {strides = array<i32>} : memref<16x128xf32, #tpu.memory_space<vmem>>, vector<16xf32>,
    %swap3A_83 = arith.constant 2 : i32
    %swap3A_84 = arith.index_cast %swap3A_83 : i32 to index
    %swap3A_85 = arith.constant 64 : index
    %swap3A_86 = tpu.vector_load %arg13[%swap3A_84, %swap3A_85] {strides = array<i32>} : memref<16x128xf32, #tpu.memory_space<vmem>>, vector<16xf32>,
    tpu.vector_store %arg13[%swap3A_84, %swap3A_85], %broadcast_in_dim3A_1 {strides = array<i32>} : memref<16x128xf32, #tpu.memory_space<vmem>>, vector<16xf32>,
    %swap3A_87 = arith.constant 2 : i32
    %swap3A_88 = arith.index_cast %swap3A_87 : i32 to index
    %swap3A_89 = arith.constant 80 : index
    %swap3A_90 = tpu.vector_load %arg13[%swap3A_88, %swap3A_89] {strides = array<i32>} : memref<16x128xf32, #tpu.memory_space<vmem>>, vector<16xf32>,
    tpu.vector_store %arg13[%swap3A_88, %swap3A_89], %broadcast_in_dim3A_1 {strides = array<i32>} : memref<16x128xf32, #tpu.memory_space<vmem>>, vector<16xf32>,
    %swap3A_91 = arith.constant 2 : i32
    %swap3A_92 = arith.index_cast %swap3A_91 : i32 to index
    %swap3A_93 = arith.constant 96 : index
    %swap3A_94 = tpu.vector_load %arg13[%swap3A_92, %swap3A_93] {strides = array<i32>} : memref<16x128xf32, #tpu.memory_space<vmem>>, vector<16xf32>,
    tpu.vector_store %arg13[%swap3A_92, %swap3A_93], %broadcast_in_dim3A_1 {strides = array<i32>} : memref<16x128xf32, #tpu.memory_space<vmem>>, vector<16xf32>,
    %swap3A_95 = arith.constant 2 : i32
    %swap3A_96 = arith.index_cast %swap3A_95 : i32 to index
    %swap3A_97 = arith.constant 112 : index
    %swap3A_98 = tpu.vector_load %arg13[%swap3A_96, %swap3A_97] {strides = array<i32>} : memref<16x128xf32, #tpu.memory_space<vmem>>, vector<16xf32>,
    tpu.vector_store %arg13[%swap3A_96, %swap3A_97], %broadcast_in_dim3A_1 {strides = array<i32>} : memref<16x128xf32, #tpu.memory_space<vmem>>, vector<16xf32>,
    %swap3A_99 = arith.constant 3 : i32
    %swap3A_100 = arith.index_cast %swap3A_99 : i32 to index
    %swap3A_101 = arith.constant 0 : index
    %swap3A_102 = tpu.vector_load %arg13[%swap3A_100, %swap3A_101] {strides = array<i32>} : memref<16x128xf32, #tpu.memory_space<vmem>>, vector<16xf32>,
    tpu.vector_store %arg13[%swap3A_100, %swap3A_101], %broadcast_in_dim3A_1 {strides = array<i32>} : memref<16x128xf32, #tpu.memory_space<vmem>>, vector<16xf32>,
    %swap3A_103 = arith.constant 3 : i32
    %swap3A_104 = arith.index_cast %swap3A_103 : i32 to index
    %swap3A_105 = arith.constant 16 : index
    %swap3A_106 = tpu.vector_load %arg13[%swap3A_104, %swap3A_105] {strides = array<i32>} : memref<16x128xf32, #tpu.memory_space<vmem>>, vector<16xf32>,
    tpu.vector_store %arg13[%swap3A_104, %swap3A_105], %broadcast_in_dim3A_1 {strides = array<i32>} : memref<16x128xf32, #tpu.memory_space<vmem>>, vector<16xf32>,
    %swap3A_107 = arith.constant 3 : i32
    %swap3A_108 = arith.index_cast %swap3A_107 : i32 to index
    %swap3A_109 = arith.constant 32 : index
    %swap3A_110 = tpu.vector_load %arg13[%swap3A_108, %swap3A_109] {strides = array<i32>} : memref<16x128xf32, #tpu.memory_space<vmem>>, vector<16xf32>,
    tpu.vector_store %arg13[%swap3A_108, %swap3A_109], %broadcast_in_dim3A_1 {strides = array<i32>} : memref<16x128xf32, #tpu.memory_space<vmem>>, vector<16xf32>,
    %swap3A_111 = arith.constant 3 : i32
    %swap3A_112 = arith.index_cast %swap3A_111 : i32 to index
    %swap3A_113 = arith.constant 48 : index
    %swap3A_114 = tpu.vector_load %arg13[%swap3A_112, %swap3A_113] {strides = array<i32>} : memref<16x128xf32, #tpu.memory_space<vmem>>, vector<16xf32>,
    tpu.vector_store %arg13[%swap3A_112, %swap3A_113], %broadcast_in_dim3A_1 {strides = array<i32>} : memref<16x128xf32, #tpu.memory_space<vmem>>, vector<16xf32>,
    %swap3A_115 = arith.constant 3 : i32
    %swap3A_116 = arith.index_cast %swap3A_115 : i32 to index
    %swap3A_117 = arith.constant 64 : index
    %swap3A_118 = tpu.vector_load %arg13[%swap3A_116, %swap3A_117] {strides = array<i32>} : memref<16x128xf32, #tpu.memory_space<vmem>>, vector<16xf32>,
    tpu.vector_store %arg13[%swap3A_116, %swap3A_117], %broadcast_in_dim3A_1 {strides = array<i32>} : memref<16x128xf32, #tpu.memory_space<vmem>>, vector<16xf32>,
    %swap3A_119 = arith.constant 3 : i32
    %swap3A_120 = arith.index_cast %swap3A_119 : i32 to index
    %swap3A_121 = arith.constant 80 : index
    %swap3A_122 = tpu.vector_load %arg13[%swap3A_120, %swap3A_121] {strides = array<i32>} : memref<16x128xf32, #tpu.memory_space<vmem>>, vector<16xf32>,
    tpu.vector_store %arg13[%swap3A_120, %swap3A_121], %broadcast_in_dim3A_1 {strides = array<i32>} : memref<16x128xf32, #tpu.memory_space<vmem>>, vector<16xf32>,
    %swap3A_123 = arith.constant 3 : i32
    %swap3A_124 = arith.index_cast %swap3A_123 : i32 to index
    %swap3A_125 = arith.constant 96 : index
    %swap3A_126 = tpu.vector_load %arg13[%swap3A_124, %swap3A_125] {strides = array<i32>} : memref<16x128xf32, #tpu.memory_space<vmem>>, vector<16xf32>,
    tpu.vector_store %arg13[%swap3A_124, %swap3A_125], %broadcast_in_dim3A_1 {strides = array<i32>} : memref<16x128xf32, #tpu.memory_space<vmem>>, vector<16xf32>,
    %swap3A_127 = arith.constant 3 : i32
    %swap3A_128 = arith.index_cast %swap3A_127 : i32 to index
    %swap3A_129 = arith.constant 112 : index
    %swap3A_130 = tpu.vector_load %arg13[%swap3A_128, %swap3A_129] {strides = array<i32>} : memref<16x128xf32, #tpu.memory_space<vmem>>, vector<16xf32>,
    tpu.vector_store %arg13[%swap3A_128, %swap3A_129], %broadcast_in_dim3A_1 {strides = array<i32>} : memref<16x128xf32, #tpu.memory_space<vmem>>, vector<16xf32>,
    %swap3A_131 = arith.constant 4 : i32
    %swap3A_132 = arith.index_cast %swap3A_131 : i32 to index
    %swap3A_133 = arith.constant 0 : index
    %swap3A_134 = tpu.vector_load %arg13[%swap3A_132, %swap3A_133] {strides = array<i32>} : memref<16x128xf32, #tpu.memory_space<vmem>>, vector<16xf32>,
    tpu.vector_store %arg13[%swap3A_132, %swap3A_133], %broadcast_in_dim3A_1 {strides = array<i32>} : memref<16x128xf32, #tpu.memory_space<vmem>>, vector<16xf32>,
    %swap3A_135 = arith.constant 4 : i32
    %swap3A_136 = arith.index_cast %swap3A_135 : i32 to index
    %swap3A_137 = arith.constant 16 : index
    %swap3A_138 = tpu.vector_load %arg13[%swap3A_136, %swap3A_137] {strides = array<i32>} : memref<16x128xf32, #tpu.memory_space<vmem>>, vector<16xf32>,
    tpu.vector_store %arg13[%swap3A_136, %swap3A_137], %broadcast_in_dim3A_1 {strides = array<i32>} : memref<16x128xf32, #tpu.memory_space<vmem>>, vector<16xf32>,
    %swap3A_139 = arith.constant 4 : i32
    %swap3A_140 = arith.index_cast %swap3A_139 : i32 to index
    %swap3A_141 = arith.constant 32 : index
    %swap3A_142 = tpu.vector_load %arg13[%swap3A_140, %swap3A_141] {strides = array<i32>} : memref<16x128xf32, #tpu.memory_space<vmem>>, vector<16xf32>,
    tpu.vector_store %arg13[%swap3A_140, %swap3A_141], %broadcast_in_dim3A_1 {strides = array<i32>} : memref<16x128xf32, #tpu.memory_space<vmem>>, vector<16xf32>,
    %swap3A_143 = arith.constant 4 : i32
    %swap3A_144 = arith.index_cast %swap3A_143 : i32 to index
    %swap3A_145 = arith.constant 48 : index
    %swap3A_146 = tpu.vector_load %arg13[%swap3A_144, %swap3A_145] {strides = array<i32>} : memref<16x128xf32, #tpu.memory_space<vmem>>, vector<16xf32>,
    tpu.vector_store %arg13[%swap3A_144, %swap3A_145], %broadcast_in_dim3A_1 {strides = array<i32>} : memref<16x128xf32, #tpu.memory_space<vmem>>, vector<16xf32>,
    %swap3A_147 = arith.constant 4 : i32
    %swap3A_148 = arith.index_cast %swap3A_147 : i32 to index
    %swap3A_149 = arith.constant 64 : index
    %swap3A_150 = tpu.vector_load %arg13[%swap3A_148, %swap3A_149] {strides = array<i32>} : memref<16x128xf32, #tpu.memory_space<vmem>>, vector<16xf32>,
    tpu.vector_store %arg13[%swap3A_148, %swap3A_149], %broadcast_in_dim3A_1 {strides = array<i32>} : memref<16x128xf32, #tpu.memory_space<vmem>>, vector<16xf32>,
    %swap3A_151 = arith.constant 4 : i32
    %swap3A_152 = arith.index_cast %swap3A_151 : i32 to index
    %swap3A_153 = arith.constant 80 : index
    %swap3A_154 = tpu.vector_load %arg13[%swap3A_152, %swap3A_153] {strides = array<i32>} : memref<16x128xf32, #tpu.memory_space<vmem>>, vector<16xf32>,
    tpu.vector_store %arg13[%swap3A_152, %swap3A_153], %broadcast_in_dim3A_1 {strides = array<i32>} : memref<16x128xf32, #tpu.memory_space<vmem>>, vector<16xf32>,
    %swap3A_155 = arith.constant 4 : i32
    %swap3A_156 = arith.index_cast %swap3A_155 : i32 to index
    %swap3A_157 = arith.constant 96 : index
    %swap3A_158 = tpu.vector_load %arg13[%swap3A_156, %swap3A_157] {strides = array<i32>} : memref<16x128xf32, #tpu.memory_space<vmem>>, vector<16xf32>,
    tpu.vector_store %arg13[%swap3A_156, %swap3A_157], %broadcast_in_dim3A_1 {strides = array<i32>} : memref<16x128xf32, #tpu.memory_space<vmem>>, vector<16xf32>,
    %swap3A_159 = arith.constant 4 : i32
    %swap3A_160 = arith.index_cast %swap3A_159 : i32 to index
    %swap3A_161 = arith.constant 112 : index
    %swap3A_162 = tpu.vector_load %arg13[%swap3A_160, %swap3A_161] {strides = array<i32>} : memref<16x128xf32, #tpu.memory_space<vmem>>, vector<16xf32>,
    tpu.vector_store %arg13[%swap3A_160, %swap3A_161], %broadcast_in_dim3A_1 {strides = array<i32>} : memref<16x128xf32, #tpu.memory_space<vmem>>, vector<16xf32>,
    %swap3A_163 = arith.constant 5 : i32
    %swap3A_164 = arith.index_cast %swap3A_163 : i32 to index
    %swap3A_165 = arith.constant 0 : index
    %swap3A_166 = tpu.vector_load %arg13[%swap3A_164, %swap3A_165] {strides = array<i32>} : memref<16x128xf32, #tpu.memory_space<vmem>>, vector<16xf32>,
    tpu.vector_store %arg13[%swap3A_164, %swap3A_165], %broadcast_in_dim3A_1 {strides = array<i32>} : memref<16x128xf32, #tpu.memory_space<vmem>>, vector<16xf32>,
    %swap3A_167 = arith.constant 5 : i32
    %swap3A_168 = arith.index_cast %swap3A_167 : i32 to index
    %swap3A_169 = arith.constant 16 : index
    %swap3A_170 = tpu.vector_load %arg13[%swap3A_168, %swap3A_169] {strides = array<i32>} : memref<16x128xf32, #tpu.memory_space<vmem>>, vector<16xf32>,
    tpu.vector_store %arg13[%swap3A_168, %swap3A_169], %broadcast_in_dim3A_1 {strides = array<i32>} : memref<16x128xf32, #tpu.memory_space<vmem>>, vector<16xf32>,
    %swap3A_171 = arith.constant 5 : i32
    %swap3A_172 = arith.index_cast %swap3A_171 : i32 to index
    %swap3A_173 = arith.constant 32 : index
    %swap3A_174 = tpu.vector_load %arg13[%swap3A_172, %swap3A_173] {strides = array<i32>} : memref<16x128xf32, #tpu.memory_space<vmem>>, vector<16xf32>,
    tpu.vector_store %arg13[%swap3A_172, %swap3A_173], %broadcast_in_dim3A_1 {strides = array<i32>} : memref<16x128xf32, #tpu.memory_space<vmem>>, vector<16xf32>,
    %swap3A_175 = arith.constant 5 : i32
    %swap3A_176 = arith.index_cast %swap3A_175 : i32 to index
    %swap3A_177 = arith.constant 48 : index
    %swap3A_178 = tpu.vector_load %arg13[%swap3A_176, %swap3A_177] {strides = array<i32>} : memref<16x128xf32, #tpu.memory_space<vmem>>, vector<16xf32>,
    tpu.vector_store %arg13[%swap3A_176, %swap3A_177], %broadcast_in_dim3A_1 {strides = array<i32>} : memref<16x128xf32, #tpu.memory_space<vmem>>, vector<16xf32>,
    %swap3A_179 = arith.constant 5 : i32
    %swap3A_180 = arith.index_cast %swap3A_179 : i32 to index
    %swap3A_181 = arith.constant 64 : index
    %swap3A_182 = tpu.vector_load %arg13[%swap3A_180, %swap3A_181] {strides = array<i32>} : memref<16x128xf32, #tpu.memory_space<vmem>>, vector<16xf32>,
    tpu.vector_store %arg13[%swap3A_180, %swap3A_181], %broadcast_in_dim3A_1 {strides = array<i32>} : memref<16x128xf32, #tpu.memory_space<vmem>>, vector<16xf32>,
    %swap3A_183 = arith.constant 5 : i32
    %swap3A_184 = arith.index_cast %swap3A_183 : i32 to index
    %swap3A_185 = arith.constant 80 : index
    %swap3A_186 = tpu.vector_load %arg13[%swap3A_184, %swap3A_185] {strides = array<i32>} : memref<16x128xf32, #tpu.memory_space<vmem>>, vector<16xf32>,
    tpu.vector_store %arg13[%swap3A_184, %swap3A_185], %broadcast_in_dim3A_1 {strides = array<i32>} : memref<16x128xf32, #tpu.memory_space<vmem>>, vector<16xf32>,
    %swap3A_187 = arith.constant 5 : i32
    %swap3A_188 = arith.index_cast %swap3A_187 : i32 to index
    %swap3A_189 = arith.constant 96 : index
    %swap3A_190 = tpu.vector_load %arg13[%swap3A_188, %swap3A_189] {strides = array<i32>} : memref<16x128xf32, #tpu.memory_space<vmem>>, vector<16xf32>,
    tpu.vector_store %arg13[%swap3A_188, %swap3A_189], %broadcast_in_dim3A_1 {strides = array<i32>} : memref<16x128xf32, #tpu.memory_space<vmem>>, vector<16xf32>,
    %swap3A_191 = arith.constant 5 : i32
    %swap3A_192 = arith.index_cast %swap3A_191 : i32 to index
    %swap3A_193 = arith.constant 112 : index
    %swap3A_194 = tpu.vector_load %arg13[%swap3A_192, %swap3A_193] {strides = array<i32>} : memref<16x128xf32, #tpu.memory_space<vmem>>, vector<16xf32>,
    tpu.vector_store %arg13[%swap3A_192, %swap3A_193], %broadcast_in_dim3A_1 {strides = array<i32>} : memref<16x128xf32, #tpu.memory_space<vmem>>, vector<16xf32>,
    %swap3A_195 = arith.constant 6 : i32
    %swap3A_196 = arith.index_cast %swap3A_195 : i32 to index
    %swap3A_197 = arith.constant 0 : index
    %swap3A_198 = tpu.vector_load %arg13[%swap3A_196, %swap3A_197] {strides = array<i32>} : memref<16x128xf32, #tpu.memory_space<vmem>>, vector<16xf32>,
    tpu.vector_store %arg13[%swap3A_196, %swap3A_197], %broadcast_in_dim3A_1 {strides = array<i32>} : memref<16x128xf32, #tpu.memory_space<vmem>>, vector<16xf32>,
    %swap3A_199 = arith.constant 6 : i32
    %swap3A_200 = arith.index_cast %swap3A_199 : i32 to index
    %swap3A_201 = arith.constant 16 : index
    %swap3A_202 = tpu.vector_load %arg13[%swap3A_200, %swap3A_201] {strides = array<i32>} : memref<16x128xf32, #tpu.memory_space<vmem>>, vector<16xf32>,
    tpu.vector_store %arg13[%swap3A_200, %swap3A_201], %broadcast_in_dim3A_1 {strides = array<i32>} : memref<16x128xf32, #tpu.memory_space<vmem>>, vector<16xf32>,
    %swap3A_203 = arith.constant 6 : i32
    %swap3A_204 = arith.index_cast %swap3A_203 : i32 to index
    %swap3A_205 = arith.constant 32 : index
    %swap3A_206 = tpu.vector_load %arg13[%swap3A_204, %swap3A_205] {strides = array<i32>} : memref<16x128xf32, #tpu.memory_space<vmem>>, vector<16xf32>,
    tpu.vector_store %arg13[%swap3A_204, %swap3A_205], %broadcast_in_dim3A_1 {strides = array<i32>} : memref<16x128xf32, #tpu.memory_space<vmem>>, vector<16xf32>,
    %swap3A_207 = arith.constant 6 : i32
    %swap3A_208 = arith.index_cast %swap3A_207 : i32 to index
    %swap3A_209 = arith.constant 48 : index
    %swap3A_210 = tpu.vector_load %arg13[%swap3A_208, %swap3A_209] {strides = array<i32>} : memref<16x128xf32, #tpu.memory_space<vmem>>, vector<16xf32>,
    tpu.vector_store %arg13[%swap3A_208, %swap3A_209], %broadcast_in_dim3A_1 {strides = array<i32>} : memref<16x128xf32, #tpu.memory_space<vmem>>, vector<16xf32>,
    %swap3A_211 = arith.constant 6 : i32
    %swap3A_212 = arith.index_cast %swap3A_211 : i32 to index
    %swap3A_213 = arith.constant 64 : index
    %swap3A_214 = tpu.vector_load %arg13[%swap3A_212, %swap3A_213] {strides = array<i32>} : memref<16x128xf32, #tpu.memory_space<vmem>>, vector<16xf32>,
    tpu.vector_store %arg13[%swap3A_212, %swap3A_213], %broadcast_in_dim3A_1 {strides = array<i32>} : memref<16x128xf32, #tpu.memory_space<vmem>>, vector<16xf32>,
    %swap3A_215 = arith.constant 6 : i32
    %swap3A_216 = arith.index_cast %swap3A_215 : i32 to index
    %swap3A_217 = arith.constant 80 : index
    %swap3A_218 = tpu.vector_load %arg13[%swap3A_216, %swap3A_217] {strides = array<i32>} : memref<16x128xf32, #tpu.memory_space<vmem>>, vector<16xf32>,
    tpu.vector_store %arg13[%swap3A_216, %swap3A_217], %broadcast_in_dim3A_1 {strides = array<i32>} : memref<16x128xf32, #tpu.memory_space<vmem>>, vector<16xf32>,
    %swap3A_219 = arith.constant 6 : i32
    %swap3A_220 = arith.index_cast %swap3A_219 : i32 to index
    %swap3A_221 = arith.constant 96 : index
    %swap3A_222 = tpu.vector_load %arg13[%swap3A_220, %swap3A_221] {strides = array<i32>} : memref<16x128xf32, #tpu.memory_space<vmem>>, vector<16xf32>,
    tpu.vector_store %arg13[%swap3A_220, %swap3A_221], %broadcast_in_dim3A_1 {strides = array<i32>} : memref<16x128xf32, #tpu.memory_space<vmem>>, vector<16xf32>,
    %swap3A_223 = arith.constant 6 : i32
    %swap3A_224 = arith.index_cast %swap3A_223 : i32 to index
    %swap3A_225 = arith.constant 112 : index
    %swap3A_226 = tpu.vector_load %arg13[%swap3A_224, %swap3A_225] {strides = array<i32>} : memref<16x128xf32, #tpu.memory_space<vmem>>, vector<16xf32>,
    tpu.vector_store %arg13[%swap3A_224, %swap3A_225], %broadcast_in_dim3A_1 {strides = array<i32>} : memref<16x128xf32, #tpu.memory_space<vmem>>, vector<16xf32>,
    %swap3A_227 = arith.constant 7 : i32
    %swap3A_228 = arith.index_cast %swap3A_227 : i32 to index
    %swap3A_229 = arith.constant 0 : index
    %swap3A_230 = tpu.vector_load %arg13[%swap3A_228, %swap3A_229] {strides = array<i32>} : memref<16x128xf32, #tpu.memory_space<vmem>>, vector<16xf32>,
    tpu.vector_store %arg13[%swap3A_228, %swap3A_229], %broadcast_in_dim3A_1 {strides = array<i32>} : memref<16x128xf32, #tpu.memory_space<vmem>>, vector<16xf32>,
    %swap3A_231 = arith.constant 7 : i32
    %swap3A_232 = arith.index_cast %swap3A_231 : i32 to index
    %swap3A_233 = arith.constant 16 : index
    %swap3A_234 = tpu.vector_load %arg13[%swap3A_232, %swap3A_233] {strides = array<i32>} : memref<16x128xf32, #tpu.memory_space<vmem>>, vector<16xf32>,
    tpu.vector_store %arg13[%swap3A_232, %swap3A_233], %broadcast_in_dim3A_1 {strides = array<i32>} : memref<16x128xf32, #tpu.memory_space<vmem>>, vector<16xf32>,
    %swap3A_235 = arith.constant 7 : i32
    %swap3A_236 = arith.index_cast %swap3A_235 : i32 to index
    %swap3A_237 = arith.constant 32 : index
    %swap3A_238 = tpu.vector_load %arg13[%swap3A_236, %swap3A_237] {strides = array<i32>} : memref<16x128xf32, #tpu.memory_space<vmem>>, vector<16xf32>,
    tpu.vector_store %arg13[%swap3A_236, %swap3A_237], %broadcast_in_dim3A_1 {strides = array<i32>} : memref<16x128xf32, #tpu.memory_space<vmem>>, vector<16xf32>,
    %swap3A_239 = arith.constant 7 : i32
    %swap3A_240 = arith.index_cast %swap3A_239 : i32 to index
    %swap3A_241 = arith.constant 48 : index
    %swap3A_242 = tpu.vector_load %arg13[%swap3A_240, %swap3A_241] {strides = array<i32>} : memref<16x128xf32, #tpu.memory_space<vmem>>, vector<16xf32>,
    tpu.vector_store %arg13[%swap3A_240, %swap3A_241], %broadcast_in_dim3A_1 {strides = array<i32>} : memref<16x128xf32, #tpu.memory_space<vmem>>, vector<16xf32>,
    %swap3A_243 = arith.constant 7 : i32
    %swap3A_244 = arith.index_cast %swap3A_243 : i32 to index
    %swap3A_245 = arith.constant 64 : index
    %swap3A_246 = tpu.vector_load %arg13[%swap3A_244, %swap3A_245] {strides = array<i32>} : memref<16x128xf32, #tpu.memory_space<vmem>>, vector<16xf32>,
    tpu.vector_store %arg13[%swap3A_244, %swap3A_245], %broadcast_in_dim3A_1 {strides = array<i32>} : memref<16x128xf32, #tpu.memory_space<vmem>>, vector<16xf32>,
    %swap3A_247 = arith.constant 7 : i32
    %swap3A_248 = arith.index_cast %swap3A_247 : i32 to index
    %swap3A_249 = arith.constant 80 : index
    %swap3A_250 = tpu.vector_load %arg13[%swap3A_248, %swap3A_249] {strides = array<i32>} : memref<16x128xf32, #tpu.memory_space<vmem>>, vector<16xf32>,
    tpu.vector_store %arg13[%swap3A_248, %swap3A_249], %broadcast_in_dim3A_1 {strides = array<i32>} : memref<16x128xf32, #tpu.memory_space<vmem>>, vector<16xf32>,
    %swap3A_251 = arith.constant 7 : i32
    %swap3A_252 = arith.index_cast %swap3A_251 : i32 to index
    %swap3A_253 = arith.constant 96 : index
    %swap3A_254 = tpu.vector_load %arg13[%swap3A_252, %swap3A_253] {strides = array<i32>} : memref<16x128xf32, #tpu.memory_space<vmem>>, vector<16xf32>,
    tpu.vector_store %arg13[%swap3A_252, %swap3A_253], %broadcast_in_dim3A_1 {strides = array<i32>} : memref<16x128xf32, #tpu.memory_space<vmem>>, vector<16xf32>,
    %swap3A_255 = arith.constant 7 : i32
    %swap3A_256 = arith.index_cast %swap3A_255 : i32 to index
    %swap3A_257 = arith.constant 112 : index
    %swap3A_258 = tpu.vector_load %arg13[%swap3A_256, %swap3A_257] {strides = array<i32>} : memref<16x128xf32, #tpu.memory_space<vmem>>, vector<16xf32>,
    tpu.vector_store %arg13[%swap3A_256, %swap3A_257], %broadcast_in_dim3A_1 {strides = array<i32>} : memref<16x128xf32, #tpu.memory_space<vmem>>, vector<16xf32>,
    %swap3A_259 = arith.constant 8 : i32
    %swap3A_260 = arith.index_cast %swap3A_259 : i32 to index
    %swap3A_261 = arith.constant 0 : index
    %swap3A_262 = tpu.vector_load %arg13[%swap3A_260, %swap3A_261] {strides = array<i32>} : memref<16x128xf32, #tpu.memory_space<vmem>>, vector<16xf32>,
    tpu.vector_store %arg13[%swap3A_260, %swap3A_261], %broadcast_in_dim3A_1 {strides = array<i32>} : memref<16x128xf32, #tpu.memory_space<vmem>>, vector<16xf32>,
    %swap3A_263 = arith.constant 8 : i32
    %swap3A_264 = arith.index_cast %swap3A_263 : i32 to index
    %swap3A_265 = arith.constant 16 : index
    %swap3A_266 = tpu.vector_load %arg13[%swap3A_264, %swap3A_265] {strides = array<i32>} : memref<16x128xf32, #tpu.memory_space<vmem>>, vector<16xf32>,
    tpu.vector_store %arg13[%swap3A_264, %swap3A_265], %broadcast_in_dim3A_1 {strides = array<i32>} : memref<16x128xf32, #tpu.memory_space<vmem>>, vector<16xf32>,
    %swap3A_267 = arith.constant 8 : i32
    %swap3A_268 = arith.index_cast %swap3A_267 : i32 to index
    %swap3A_269 = arith.constant 32 : index
    %swap3A_270 = tpu.vector_load %arg13[%swap3A_268, %swap3A_269] {strides = array<i32>} : memref<16x128xf32, #tpu.memory_space<vmem>>, vector<16xf32>,
    tpu.vector_store %arg13[%swap3A_268, %swap3A_269], %broadcast_in_dim3A_1 {strides = array<i32>} : memref<16x128xf32, #tpu.memory_space<vmem>>, vector<16xf32>,
    %swap3A_271 = arith.constant 8 : i32
    %swap3A_272 = arith.index_cast %swap3A_271 : i32 to index
    %swap3A_273 = arith.constant 48 : index
    %swap3A_274 = tpu.vector_load %arg13[%swap3A_272, %swap3A_273] {strides = array<i32>} : memref<16x128xf32, #tpu.memory_space<vmem>>, vector<16xf32>,
    tpu.vector_store %arg13[%swap3A_272, %swap3A_273], %broadcast_in_dim3A_1 {strides = array<i32>} : memref<16x128xf32, #tpu.memory_space<vmem>>, vector<16xf32>,
    %swap3A_275 = arith.constant 8 : i32
    %swap3A_276 = arith.index_cast %swap3A_275 : i32 to index
    %swap3A_277 = arith.constant 64 : index
    %swap3A_278 = tpu.vector_load %arg13[%swap3A_276, %swap3A_277] {strides = array<i32>} : memref<16x128xf32, #tpu.memory_space<vmem>>, vector<16xf32>,
    tpu.vector_store %arg13[%swap3A_276, %swap3A_277], %broadcast_in_dim3A_1 {strides = array<i32>} : memref<16x128xf32, #tpu.memory_space<vmem>>, vector<16xf32>,
    %swap3A_279 = arith.constant 8 : i32
    %swap3A_280 = arith.index_cast %swap3A_279 : i32 to index
    %swap3A_281 = arith.constant 80 : index
    %swap3A_282 = tpu.vector_load %arg13[%swap3A_280, %swap3A_281] {strides = array<i32>} : memref<16x128xf32, #tpu.memory_space<vmem>>, vector<16xf32>,
    tpu.vector_store %arg13[%swap3A_280, %swap3A_281], %broadcast_in_dim3A_1 {strides = array<i32>} : memref<16x128xf32, #tpu.memory_space<vmem>>, vector<16xf32>,
    %swap3A_283 = arith.constant 8 : i32
    %swap3A_284 = arith.index_cast %swap3A_283 : i32 to index
    %swap3A_285 = arith.constant 96 : index
    %swap3A_286 = tpu.vector_load %arg13[%swap3A_284, %swap3A_285] {strides = array<i32>} : memref<16x128xf32, #tpu.memory_space<vmem>>, vector<16xf32>,
    tpu.vector_store %arg13[%swap3A_284, %swap3A_285], %broadcast_in_dim3A_1 {strides = array<i32>} : memref<16x128xf32, #tpu.memory_space<vmem>>, vector<16xf32>,
    %swap3A_287 = arith.constant 8 : i32
    %swap3A_288 = arith.index_cast %swap3A_287 : i32 to index
    %swap3A_289 = arith.constant 112 : index
    %swap3A_290 = tpu.vector_load %arg13[%swap3A_288, %swap3A_289] {strides = array<i32>} : memref<16x128xf32, #tpu.memory_space<vmem>>, vector<16xf32>,
    tpu.vector_store %arg13[%swap3A_288, %swap3A_289], %broadcast_in_dim3A_1 {strides = array<i32>} : memref<16x128xf32, #tpu.memory_space<vmem>>, vector<16xf32>,
    %swap3A_291 = arith.constant 9 : i32
    %swap3A_292 = arith.index_cast %swap3A_291 : i32 to index
    %swap3A_293 = arith.constant 0 : index
    %swap3A_294 = tpu.vector_load %arg13[%swap3A_292, %swap3A_293] {strides = array<i32>} : memref<16x128xf32, #tpu.memory_space<vmem>>, vector<16xf32>,
    tpu.vector_store %arg13[%swap3A_292, %swap3A_293], %broadcast_in_dim3A_1 {strides = array<i32>} : memref<16x128xf32, #tpu.memory_space<vmem>>, vector<16xf32>,
    %swap3A_295 = arith.constant 9 : i32
    %swap3A_296 = arith.index_cast %swap3A_295 : i32 to index
    %swap3A_297 = arith.constant 16 : index
    %swap3A_298 = tpu.vector_load %arg13[%swap3A_296, %swap3A_297] {strides = array<i32>} : memref<16x128xf32, #tpu.memory_space<vmem>>, vector<16xf32>,
    tpu.vector_store %arg13[%swap3A_296, %swap3A_297], %broadcast_in_dim3A_1 {strides = array<i32>} : memref<16x128xf32, #tpu.memory_space<vmem>>, vector<16xf32>,
    %swap3A_299 = arith.constant 9 : i32
    %swap3A_300 = arith.index_cast %swap3A_299 : i32 to index
    %swap3A_301 = arith.constant 32 : index
    %swap3A_302 = tpu.vector_load %arg13[%swap3A_300, %swap3A_301] {strides = array<i32>} : memref<16x128xf32, #tpu.memory_space<vmem>>, vector<16xf32>,
    tpu.vector_store %arg13[%swap3A_300, %swap3A_301], %broadcast_in_dim3A_1 {strides = array<i32>} : memref<16x128xf32, #tpu.memory_space<vmem>>, vector<16xf32>,
    %swap3A_303 = arith.constant 9 : i32
    %swap3A_304 = arith.index_cast %swap3A_303 : i32 to index
    %swap3A_305 = arith.constant 48 : index
    %swap3A_306 = tpu.vector_load %arg13[%swap3A_304, %swap3A_305] {strides = array<i32>} : memref<16x128xf32, #tpu.memory_space<vmem>>, vector<16xf32>,
    tpu.vector_store %arg13[%swap3A_304, %swap3A_305], %broadcast_in_dim3A_1 {strides = array<i32>} : memref<16x128xf32, #tpu.memory_space<vmem>>, vector<16xf32>,
    %swap3A_307 = arith.constant 9 : i32
    %swap3A_308 = arith.index_cast %swap3A_307 : i32 to index
    %swap3A_309 = arith.constant 64 : index
    %swap3A_310 = tpu.vector_load %arg13[%swap3A_308, %swap3A_309] {strides = array<i32>} : memref<16x128xf32, #tpu.memory_space<vmem>>, vector<16xf32>,
    tpu.vector_store %arg13[%swap3A_308, %swap3A_309], %broadcast_in_dim3A_1 {strides = array<i32>} : memref<16x128xf32, #tpu.memory_space<vmem>>, vector<16xf32>,
    %swap3A_311 = arith.constant 9 : i32
    %swap3A_312 = arith.index_cast %swap3A_311 : i32 to index
    %swap3A_313 = arith.constant 80 : index
    %swap3A_314 = tpu.vector_load %arg13[%swap3A_312, %swap3A_313] {strides = array<i32>} : memref<16x128xf32, #tpu.memory_space<vmem>>, vector<16xf32>,
    tpu.vector_store %arg13[%swap3A_312, %swap3A_313], %broadcast_in_dim3A_1 {strides = array<i32>} : memref<16x128xf32, #tpu.memory_space<vmem>>, vector<16xf32>,
    %swap3A_315 = arith.constant 9 : i32
    %swap3A_316 = arith.index_cast %swap3A_315 : i32 to index
    %swap3A_317 = arith.constant 96 : index
    %swap3A_318 = tpu.vector_load %arg13[%swap3A_316, %swap3A_317] {strides = array<i32>} : memref<16x128xf32, #tpu.memory_space<vmem>>, vector<16xf32>,
    tpu.vector_store %arg13[%swap3A_316, %swap3A_317], %broadcast_in_dim3A_1 {strides = array<i32>} : memref<16x128xf32, #tpu.memory_space<vmem>>, vector<16xf32>,
    %swap3A_319 = arith.constant 9 : i32
    %swap3A_320 = arith.index_cast %swap3A_319 : i32 to index
    %swap3A_321 = arith.constant 112 : index
    %swap3A_322 = tpu.vector_load %arg13[%swap3A_320, %swap3A_321] {strides = array<i32>} : memref<16x128xf32, #tpu.memory_space<vmem>>, vector<16xf32>,
    tpu.vector_store %arg13[%swap3A_320, %swap3A_321], %broadcast_in_dim3A_1 {strides = array<i32>} : memref<16x128xf32, #tpu.memory_space<vmem>>, vector<16xf32>,
    %swap3A_323 = arith.constant 10 : i32
    %swap3A_324 = arith.index_cast %swap3A_323 : i32 to index
    %swap3A_325 = arith.constant 0 : index
    %swap3A_326 = tpu.vector_load %arg13[%swap3A_324, %swap3A_325] {strides = array<i32>} : memref<16x128xf32, #tpu.memory_space<vmem>>, vector<16xf32>,
    tpu.vector_store %arg13[%swap3A_324, %swap3A_325], %broadcast_in_dim3A_1 {strides = array<i32>} : memref<16x128xf32, #tpu.memory_space<vmem>>, vector<16xf32>,
    %swap3A_327 = arith.constant 10 : i32
    %swap3A_328 = arith.index_cast %swap3A_327 : i32 to index
    %swap3A_329 = arith.constant 16 : index
    %swap3A_330 = tpu.vector_load %arg13[%swap3A_328, %swap3A_329] {strides = array<i32>} : memref<16x128xf32, #tpu.memory_space<vmem>>, vector<16xf32>,
    tpu.vector_store %arg13[%swap3A_328, %swap3A_329], %broadcast_in_dim3A_1 {strides = array<i32>} : memref<16x128xf32, #tpu.memory_space<vmem>>, vector<16xf32>,
    %swap3A_331 = arith.constant 10 : i32
    %swap3A_332 = arith.index_cast %swap3A_331 : i32 to index
    %swap3A_333 = arith.constant 32 : index
    %swap3A_334 = tpu.vector_load %arg13[%swap3A_332, %swap3A_333] {strides = array<i32>} : memref<16x128xf32, #tpu.memory_space<vmem>>, vector<16xf32>,
    tpu.vector_store %arg13[%swap3A_332, %swap3A_333], %broadcast_in_dim3A_1 {strides = array<i32>} : memref<16x128xf32, #tpu.memory_space<vmem>>, vector<16xf32>,
    %swap3A_335 = arith.constant 10 : i32
    %swap3A_336 = arith.index_cast %swap3A_335 : i32 to index
    %swap3A_337 = arith.constant 48 : index
    %swap3A_338 = tpu.vector_load %arg13[%swap3A_336, %swap3A_337] {strides = array<i32>} : memref<16x128xf32, #tpu.memory_space<vmem>>, vector<16xf32>,
    tpu.vector_store %arg13[%swap3A_336, %swap3A_337], %broadcast_in_dim3A_1 {strides = array<i32>} : memref<16x128xf32, #tpu.memory_space<vmem>>, vector<16xf32>,
    %swap3A_339 = arith.constant 10 : i32
    %swap3A_340 = arith.index_cast %swap3A_339 : i32 to index
    %swap3A_341 = arith.constant 64 : index
    %swap3A_342 = tpu.vector_load %arg13[%swap3A_340, %swap3A_341] {strides = array<i32>} : memref<16x128xf32, #tpu.memory_space<vmem>>, vector<16xf32>,
    tpu.vector_store %arg13[%swap3A_340, %swap3A_341], %broadcast_in_dim3A_1 {strides = array<i32>} : memref<16x128xf32, #tpu.memory_space<vmem>>, vector<16xf32>,
    %swap3A_343 = arith.constant 10 : i32
    %swap3A_344 = arith.index_cast %swap3A_343 : i32 to index
    %swap3A_345 = arith.constant 80 : index
    %swap3A_346 = tpu.vector_load %arg13[%swap3A_344, %swap3A_345] {strides = array<i32>} : memref<16x128xf32, #tpu.memory_space<vmem>>, vector<16xf32>,
    tpu.vector_store %arg13[%swap3A_344, %swap3A_345], %broadcast_in_dim3A_1 {strides = array<i32>} : memref<16x128xf32, #tpu.memory_space<vmem>>, vector<16xf32>,
    %swap3A_347 = arith.constant 10 : i32
    %swap3A_348 = arith.index_cast %swap3A_347 : i32 to index
    %swap3A_349 = arith.constant 96 : index
    %swap3A_350 = tpu.vector_load %arg13[%swap3A_348, %swap3A_349] {strides = array<i32>} : memref<16x128xf32, #tpu.memory_space<vmem>>, vector<16xf32>,
    tpu.vector_store %arg13[%swap3A_348, %swap3A_349], %broadcast_in_dim3A_1 {strides = array<i32>} : memref<16x128xf32, #tpu.memory_space<vmem>>, vector<16xf32>,
    %swap3A_351 = arith.constant 10 : i32
    %swap3A_352 = arith.index_cast %swap3A_351 : i32 to index
    %swap3A_353 = arith.constant 112 : index
    %swap3A_354 = tpu.vector_load %arg13[%swap3A_352, %swap3A_353] {strides = array<i32>} : memref<16x128xf32, #tpu.memory_space<vmem>>, vector<16xf32>,
    tpu.vector_store %arg13[%swap3A_352, %swap3A_353], %broadcast_in_dim3A_1 {strides = array<i32>} : memref<16x128xf32, #tpu.memory_space<vmem>>, vector<16xf32>,
    %swap3A_355 = arith.constant 11 : i32
    %swap3A_356 = arith.index_cast %swap3A_355 : i32 to index
    %swap3A_357 = arith.constant 0 : index
    %swap3A_358 = tpu.vector_load %arg13[%swap3A_356, %swap3A_357] {strides = array<i32>} : memref<16x128xf32, #tpu.memory_space<vmem>>, vector<16xf32>,
    tpu.vector_store %arg13[%swap3A_356, %swap3A_357], %broadcast_in_dim3A_1 {strides = array<i32>} : memref<16x128xf32, #tpu.memory_space<vmem>>, vector<16xf32>,
    %swap3A_359 = arith.constant 11 : i32
    %swap3A_360 = arith.index_cast %swap3A_359 : i32 to index
    %swap3A_361 = arith.constant 16 : index
    %swap3A_362 = tpu.vector_load %arg13[%swap3A_360, %swap3A_361] {strides = array<i32>} : memref<16x128xf32, #tpu.memory_space<vmem>>, vector<16xf32>,
    tpu.vector_store %arg13[%swap3A_360, %swap3A_361], %broadcast_in_dim3A_1 {strides = array<i32>} : memref<16x128xf32, #tpu.memory_space<vmem>>, vector<16xf32>,
    %swap3A_363 = arith.constant 11 : i32
    %swap3A_364 = arith.index_cast %swap3A_363 : i32 to index
    %swap3A_365 = arith.constant 32 : index
    %swap3A_366 = tpu.vector_load %arg13[%swap3A_364, %swap3A_365] {strides = array<i32>} : memref<16x128xf32, #tpu.memory_space<vmem>>, vector<16xf32>,
    tpu.vector_store %arg13[%swap3A_364, %swap3A_365], %broadcast_in_dim3A_1 {strides = array<i32>} : memref<16x128xf32, #tpu.memory_space<vmem>>, vector<16xf32>,
    %swap3A_367 = arith.constant 11 : i32
    %swap3A_368 = arith.index_cast %swap3A_367 : i32 to index
    %swap3A_369 = arith.constant 48 : index
    %swap3A_370 = tpu.vector_load %arg13[%swap3A_368, %swap3A_369] {strides = array<i32>} : memref<16x128xf32, #tpu.memory_space<vmem>>, vector<16xf32>,
    tpu.vector_store %arg13[%swap3A_368, %swap3A_369], %broadcast_in_dim3A_1 {strides = array<i32>} : memref<16x128xf32, #tpu.memory_space<vmem>>, vector<16xf32>,
    %swap3A_371 = arith.constant 11 : i32
    %swap3A_372 = arith.index_cast %swap3A_371 : i32 to index
    %swap3A_373 = arith.constant 64 : index
    %swap3A_374 = tpu.vector_load %arg13[%swap3A_372, %swap3A_373] {strides = array<i32>} : memref<16x128xf32, #tpu.memory_space<vmem>>, vector<16xf32>,
    tpu.vector_store %arg13[%swap3A_372, %swap3A_373], %broadcast_in_dim3A_1 {strides = array<i32>} : memref<16x128xf32, #tpu.memory_space<vmem>>, vector<16xf32>,
    %swap3A_375 = arith.constant 11 : i32
    %swap3A_376 = arith.index_cast %swap3A_375 : i32 to index
    %swap3A_377 = arith.constant 80 : index
    %swap3A_378 = tpu.vector_load %arg13[%swap3A_376, %swap3A_377] {strides = array<i32>} : memref<16x128xf32, #tpu.memory_space<vmem>>, vector<16xf32>,
    tpu.vector_store %arg13[%swap3A_376, %swap3A_377], %broadcast_in_dim3A_1 {strides = array<i32>} : memref<16x128xf32, #tpu.memory_space<vmem>>, vector<16xf32>,
    %swap3A_379 = arith.constant 11 : i32
    %swap3A_380 = arith.index_cast %swap3A_379 : i32 to index
    %swap3A_381 = arith.constant 96 : index
    %swap3A_382 = tpu.vector_load %arg13[%swap3A_380, %swap3A_381] {strides = array<i32>} : memref<16x128xf32, #tpu.memory_space<vmem>>, vector<16xf32>,
    tpu.vector_store %arg13[%swap3A_380, %swap3A_381], %broadcast_in_dim3A_1 {strides = array<i32>} : memref<16x128xf32, #tpu.memory_space<vmem>>, vector<16xf32>,
    %swap3A_383 = arith.constant 11 : i32
    %swap3A_384 = arith.index_cast %swap3A_383 : i32 to index
    %swap3A_385 = arith.constant 112 : index
    %swap3A_386 = tpu.vector_load %arg13[%swap3A_384, %swap3A_385] {strides = array<i32>} : memref<16x128xf32, #tpu.memory_space<vmem>>, vector<16xf32>,
    tpu.vector_store %arg13[%swap3A_384, %swap3A_385], %broadcast_in_dim3A_1 {strides = array<i32>} : memref<16x128xf32, #tpu.memory_space<vmem>>, vector<16xf32>,
    %swap3A_387 = arith.constant 12 : i32
    %swap3A_388 = arith.index_cast %swap3A_387 : i32 to index
    %swap3A_389 = arith.constant 0 : index
    %swap3A_390 = tpu.vector_load %arg13[%swap3A_388, %swap3A_389] {strides = array<i32>} : memref<16x128xf32, #tpu.memory_space<vmem>>, vector<16xf32>,
    tpu.vector_store %arg13[%swap3A_388, %swap3A_389], %broadcast_in_dim3A_1 {strides = array<i32>} : memref<16x128xf32, #tpu.memory_space<vmem>>, vector<16xf32>,
    %swap3A_391 = arith.constant 12 : i32
    %swap3A_392 = arith.index_cast %swap3A_391 : i32 to index
    %swap3A_393 = arith.constant 16 : index
    %swap3A_394 = tpu.vector_load %arg13[%swap3A_392, %swap3A_393] {strides = array<i32>} : memref<16x128xf32, #tpu.memory_space<vmem>>, vector<16xf32>,
    tpu.vector_store %arg13[%swap3A_392, %swap3A_393], %broadcast_in_dim3A_1 {strides = array<i32>} : memref<16x128xf32, #tpu.memory_space<vmem>>, vector<16xf32>,
    %swap3A_395 = arith.constant 12 : i32
    %swap3A_396 = arith.index_cast %swap3A_395 : i32 to index
    %swap3A_397 = arith.constant 32 : index
    %swap3A_398 = tpu.vector_load %arg13[%swap3A_396, %swap3A_397] {strides = array<i32>} : memref<16x128xf32, #tpu.memory_space<vmem>>, vector<16xf32>,
    tpu.vector_store %arg13[%swap3A_396, %swap3A_397], %broadcast_in_dim3A_1 {strides = array<i32>} : memref<16x128xf32, #tpu.memory_space<vmem>>, vector<16xf32>,
    %swap3A_399 = arith.constant 12 : i32
    %swap3A_400 = arith.index_cast %swap3A_399 : i32 to index
    %swap3A_401 = arith.constant 48 : index
    %swap3A_402 = tpu.vector_load %arg13[%swap3A_400, %swap3A_401] {strides = array<i32>} : memref<16x128xf32, #tpu.memory_space<vmem>>, vector<16xf32>,
    tpu.vector_store %arg13[%swap3A_400, %swap3A_401], %broadcast_in_dim3A_1 {strides = array<i32>} : memref<16x128xf32, #tpu.memory_space<vmem>>, vector<16xf32>,
    %swap3A_403 = arith.constant 12 : i32
    %swap3A_404 = arith.index_cast %swap3A_403 : i32 to index
    %swap3A_405 = arith.constant 64 : index
    %swap3A_406 = tpu.vector_load %arg13[%swap3A_404, %swap3A_405] {strides = array<i32>} : memref<16x128xf32, #tpu.memory_space<vmem>>, vector<16xf32>,
    tpu.vector_store %arg13[%swap3A_404, %swap3A_405], %broadcast_in_dim3A_1 {strides = array<i32>} : memref<16x128xf32, #tpu.memory_space<vmem>>, vector<16xf32>,
    %swap3A_407 = arith.constant 12 : i32
    %swap3A_408 = arith.index_cast %swap3A_407 : i32 to index
    %swap3A_409 = arith.constant 80 : index
    %swap3A_410 = tpu.vector_load %arg13[%swap3A_408, %swap3A_409] {strides = array<i32>} : memref<16x128xf32, #tpu.memory_space<vmem>>, vector<16xf32>,
    tpu.vector_store %arg13[%swap3A_408, %swap3A_409], %broadcast_in_dim3A_1 {strides = array<i32>} : memref<16x128xf32, #tpu.memory_space<vmem>>, vector<16xf32>,
    %swap3A_411 = arith.constant 12 : i32
    %swap3A_412 = arith.index_cast %swap3A_411 : i32 to index
    %swap3A_413 = arith.constant 96 : index
    %swap3A_414 = tpu.vector_load %arg13[%swap3A_412, %swap3A_413] {strides = array<i32>} : memref<16x128xf32, #tpu.memory_space<vmem>>, vector<16xf32>,
    tpu.vector_store %arg13[%swap3A_412, %swap3A_413], %broadcast_in_dim3A_1 {strides = array<i32>} : memref<16x128xf32, #tpu.memory_space<vmem>>, vector<16xf32>,
    %swap3A_415 = arith.constant 12 : i32
    %swap3A_416 = arith.index_cast %swap3A_415 : i32 to index
    %swap3A_417 = arith.constant 112 : index
    %swap3A_418 = tpu.vector_load %arg13[%swap3A_416, %swap3A_417] {strides = array<i32>} : memref<16x128xf32, #tpu.memory_space<vmem>>, vector<16xf32>,
    tpu.vector_store %arg13[%swap3A_416, %swap3A_417], %broadcast_in_dim3A_1 {strides = array<i32>} : memref<16x128xf32, #tpu.memory_space<vmem>>, vector<16xf32>,
    %swap3A_419 = arith.constant 13 : i32
    %swap3A_420 = arith.index_cast %swap3A_419 : i32 to index
    %swap3A_421 = arith.constant 0 : index
    %swap3A_422 = tpu.vector_load %arg13[%swap3A_420, %swap3A_421] {strides = array<i32>} : memref<16x128xf32, #tpu.memory_space<vmem>>, vector<16xf32>,
    tpu.vector_store %arg13[%swap3A_420, %swap3A_421], %broadcast_in_dim3A_1 {strides = array<i32>} : memref<16x128xf32, #tpu.memory_space<vmem>>, vector<16xf32>,
    %swap3A_423 = arith.constant 13 : i32
    %swap3A_424 = arith.index_cast %swap3A_423 : i32 to index
    %swap3A_425 = arith.constant 16 : index
    %swap3A_426 = tpu.vector_load %arg13[%swap3A_424, %swap3A_425] {strides = array<i32>} : memref<16x128xf32, #tpu.memory_space<vmem>>, vector<16xf32>,
    tpu.vector_store %arg13[%swap3A_424, %swap3A_425], %broadcast_in_dim3A_1 {strides = array<i32>} : memref<16x128xf32, #tpu.memory_space<vmem>>, vector<16xf32>,
    %swap3A_427 = arith.constant 13 : i32
    %swap3A_428 = arith.index_cast %swap3A_427 : i32 to index
    %swap3A_429 = arith.constant 32 : index
    %swap3A_430 = tpu.vector_load %arg13[%swap3A_428, %swap3A_429] {strides = array<i32>} : memref<16x128xf32, #tpu.memory_space<vmem>>, vector<16xf32>,
    tpu.vector_store %arg13[%swap3A_428, %swap3A_429], %broadcast_in_dim3A_1 {strides = array<i32>} : memref<16x128xf32, #tpu.memory_space<vmem>>, vector<16xf32>,
    %swap3A_431 = arith.constant 13 : i32
    %swap3A_432 = arith.index_cast %swap3A_431 : i32 to index
    %swap3A_433 = arith.constant 48 : index
    %swap3A_434 = tpu.vector_load %arg13[%swap3A_432, %swap3A_433] {strides = array<i32>} : memref<16x128xf32, #tpu.memory_space<vmem>>, vector<16xf32>,
    tpu.vector_store %arg13[%swap3A_432, %swap3A_433], %broadcast_in_dim3A_1 {strides = array<i32>} : memref<16x128xf32, #tpu.memory_space<vmem>>, vector<16xf32>,
    %swap3A_435 = arith.constant 13 : i32
    %swap3A_436 = arith.index_cast %swap3A_435 : i32 to index
    %swap3A_437 = arith.constant 64 : index
    %swap3A_438 = tpu.vector_load %arg13[%swap3A_436, %swap3A_437] {strides = array<i32>} : memref<16x128xf32, #tpu.memory_space<vmem>>, vector<16xf32>,
    tpu.vector_store %arg13[%swap3A_436, %swap3A_437], %broadcast_in_dim3A_1 {strides = array<i32>} : memref<16x128xf32, #tpu.memory_space<vmem>>, vector<16xf32>,
    %swap3A_439 = arith.constant 13 : i32
    %swap3A_440 = arith.index_cast %swap3A_439 : i32 to index
    %swap3A_441 = arith.constant 80 : index
    %swap3A_442 = tpu.vector_load %arg13[%swap3A_440, %swap3A_441] {strides = array<i32>} : memref<16x128xf32, #tpu.memory_space<vmem>>, vector<16xf32>,
    tpu.vector_store %arg13[%swap3A_440, %swap3A_441], %broadcast_in_dim3A_1 {strides = array<i32>} : memref<16x128xf32, #tpu.memory_space<vmem>>, vector<16xf32>,
    %swap3A_443 = arith.constant 13 : i32
    %swap3A_444 = arith.index_cast %swap3A_443 : i32 to index
    %swap3A_445 = arith.constant 96 : index
    %swap3A_446 = tpu.vector_load %arg13[%swap3A_444, %swap3A_445] {strides = array<i32>} : memref<16x128xf32, #tpu.memory_space<vmem>>, vector<16xf32>,
    tpu.vector_store %arg13[%swap3A_444, %swap3A_445], %broadcast_in_dim3A_1 {strides = array<i32>} : memref<16x128xf32, #tpu.memory_space<vmem>>, vector<16xf32>,
    %swap3A_447 = arith.constant 13 : i32
    %swap3A_448 = arith.index_cast %swap3A_447 : i32 to index
    %swap3A_449 = arith.constant 112 : index
    %swap3A_450 = tpu.vector_load %arg13[%swap3A_448, %swap3A_449] {strides = array<i32>} : memref<16x128xf32, #tpu.memory_space<vmem>>, vector<16xf32>,
    tpu.vector_store %arg13[%swap3A_448, %swap3A_449], %broadcast_in_dim3A_1 {strides = array<i32>} : memref<16x128xf32, #tpu.memory_space<vmem>>, vector<16xf32>,
    %swap3A_451 = arith.constant 14 : i32
    %swap3A_452 = arith.index_cast %swap3A_451 : i32 to index
    %swap3A_453 = arith.constant 0 : index
    %swap3A_454 = tpu.vector_load %arg13[%swap3A_452, %swap3A_453] {strides = array<i32>} : memref<16x128xf32, #tpu.memory_space<vmem>>, vector<16xf32>,
    tpu.vector_store %arg13[%swap3A_452, %swap3A_453], %broadcast_in_dim3A_1 {strides = array<i32>} : memref<16x128xf32, #tpu.memory_space<vmem>>, vector<16xf32>,
    %swap3A_455 = arith.constant 14 : i32
    %swap3A_456 = arith.index_cast %swap3A_455 : i32 to index
    %swap3A_457 = arith.constant 16 : index
    %swap3A_458 = tpu.vector_load %arg13[%swap3A_456, %swap3A_457] {strides = array<i32>} : memref<16x128xf32, #tpu.memory_space<vmem>>, vector<16xf32>,
    tpu.vector_store %arg13[%swap3A_456, %swap3A_457], %broadcast_in_dim3A_1 {strides = array<i32>} : memref<16x128xf32, #tpu.memory_space<vmem>>, vector<16xf32>,
    %swap3A_459 = arith.constant 14 : i32
    %swap3A_460 = arith.index_cast %swap3A_459 : i32 to index
    %swap3A_461 = arith.constant 32 : index
    %swap3A_462 = tpu.vector_load %arg13[%swap3A_460, %swap3A_461] {strides = array<i32>} : memref<16x128xf32, #tpu.memory_space<vmem>>, vector<16xf32>,
    tpu.vector_store %arg13[%swap3A_460, %swap3A_461], %broadcast_in_dim3A_1 {strides = array<i32>} : memref<16x128xf32, #tpu.memory_space<vmem>>, vector<16xf32>,
    %swap3A_463 = arith.constant 14 : i32
    %swap3A_464 = arith.index_cast %swap3A_463 : i32 to index
    %swap3A_465 = arith.constant 48 : index
    %swap3A_466 = tpu.vector_load %arg13[%swap3A_464, %swap3A_465] {strides = array<i32>} : memref<16x128xf32, #tpu.memory_space<vmem>>, vector<16xf32>,
    tpu.vector_store %arg13[%swap3A_464, %swap3A_465], %broadcast_in_dim3A_1 {strides = array<i32>} : memref<16x128xf32, #tpu.memory_space<vmem>>, vector<16xf32>,
    %swap3A_467 = arith.constant 14 : i32
    %swap3A_468 = arith.index_cast %swap3A_467 : i32 to index
    %swap3A_469 = arith.constant 64 : index
    %swap3A_470 = tpu.vector_load %arg13[%swap3A_468, %swap3A_469] {strides = array<i32>} : memref<16x128xf32, #tpu.memory_space<vmem>>, vector<16xf32>,
    tpu.vector_store %arg13[%swap3A_468, %swap3A_469], %broadcast_in_dim3A_1 {strides = array<i32>} : memref<16x128xf32, #tpu.memory_space<vmem>>, vector<16xf32>,
    %swap3A_471 = arith.constant 14 : i32
    %swap3A_472 = arith.index_cast %swap3A_471 : i32 to index
    %swap3A_473 = arith.constant 80 : index
    %swap3A_474 = tpu.vector_load %arg13[%swap3A_472, %swap3A_473] {strides = array<i32>} : memref<16x128xf32, #tpu.memory_space<vmem>>, vector<16xf32>,
    tpu.vector_store %arg13[%swap3A_472, %swap3A_473], %broadcast_in_dim3A_1 {strides = array<i32>} : memref<16x128xf32, #tpu.memory_space<vmem>>, vector<16xf32>,
    %swap3A_475 = arith.constant 14 : i32
    %swap3A_476 = arith.index_cast %swap3A_475 : i32 to index
    %swap3A_477 = arith.constant 96 : index
    %swap3A_478 = tpu.vector_load %arg13[%swap3A_476, %swap3A_477] {strides = array<i32>} : memref<16x128xf32, #tpu.memory_space<vmem>>, vector<16xf32>,
    tpu.vector_store %arg13[%swap3A_476, %swap3A_477], %broadcast_in_dim3A_1 {strides = array<i32>} : memref<16x128xf32, #tpu.memory_space<vmem>>, vector<16xf32>,
    %swap3A_479 = arith.constant 14 : i32
    %swap3A_480 = arith.index_cast %swap3A_479 : i32 to index
    %swap3A_481 = arith.constant 112 : index
    %swap3A_482 = tpu.vector_load %arg13[%swap3A_480, %swap3A_481] {strides = array<i32>} : memref<16x128xf32, #tpu.memory_space<vmem>>, vector<16xf32>,
    tpu.vector_store %arg13[%swap3A_480, %swap3A_481], %broadcast_in_dim3A_1 {strides = array<i32>} : memref<16x128xf32, #tpu.memory_space<vmem>>, vector<16xf32>,
    %swap3A_483 = arith.constant 15 : i32
    %swap3A_484 = arith.index_cast %swap3A_483 : i32 to index
    %swap3A_485 = arith.constant 0 : index
    %swap3A_486 = tpu.vector_load %arg13[%swap3A_484, %swap3A_485] {strides = array<i32>} : memref<16x128xf32, #tpu.memory_space<vmem>>, vector<16xf32>,
    tpu.vector_store %arg13[%swap3A_484, %swap3A_485], %broadcast_in_dim3A_1 {strides = array<i32>} : memref<16x128xf32, #tpu.memory_space<vmem>>, vector<16xf32>,
    %swap3A_487 = arith.constant 15 : i32
    %swap3A_488 = arith.index_cast %swap3A_487 : i32 to index
    %swap3A_489 = arith.constant 16 : index
    %swap3A_490 = tpu.vector_load %arg13[%swap3A_488, %swap3A_489] {strides = array<i32>} : memref<16x128xf32, #tpu.memory_space<vmem>>, vector<16xf32>,
    tpu.vector_store %arg13[%swap3A_488, %swap3A_489], %broadcast_in_dim3A_1 {strides = array<i32>} : memref<16x128xf32, #tpu.memory_space<vmem>>, vector<16xf32>,
    %swap3A_491 = arith.constant 15 : i32
    %swap3A_492 = arith.index_cast %swap3A_491 : i32 to index
    %swap3A_493 = arith.constant 32 : index
    %swap3A_494 = tpu.vector_load %arg13[%swap3A_492, %swap3A_493] {strides = array<i32>} : memref<16x128xf32, #tpu.memory_space<vmem>>, vector<16xf32>,
    tpu.vector_store %arg13[%swap3A_492, %swap3A_493], %broadcast_in_dim3A_1 {strides = array<i32>} : memref<16x128xf32, #tpu.memory_space<vmem>>, vector<16xf32>,
    %swap3A_495 = arith.constant 15 : i32
    %swap3A_496 = arith.index_cast %swap3A_495 : i32 to index
    %swap3A_497 = arith.constant 48 : index
    %swap3A_498 = tpu.vector_load %arg13[%swap3A_496, %swap3A_497] {strides = array<i32>} : memref<16x128xf32, #tpu.memory_space<vmem>>, vector<16xf32>,
    tpu.vector_store %arg13[%swap3A_496, %swap3A_497], %broadcast_in_dim3A_1 {strides = array<i32>} : memref<16x128xf32, #tpu.memory_space<vmem>>, vector<16xf32>,
    %swap3A_499 = arith.constant 15 : i32
    %swap3A_500 = arith.index_cast %swap3A_499 : i32 to index
    %swap3A_501 = arith.constant 64 : index
    %swap3A_502 = tpu.vector_load %arg13[%swap3A_500, %swap3A_501] {strides = array<i32>} : memref<16x128xf32, #tpu.memory_space<vmem>>, vector<16xf32>,
    tpu.vector_store %arg13[%swap3A_500, %swap3A_501], %broadcast_in_dim3A_1 {strides = array<i32>} : memref<16x128xf32, #tpu.memory_space<vmem>>, vector<16xf32>,
    %swap3A_503 = arith.constant 15 : i32
    %swap3A_504 = arith.index_cast %swap3A_503 : i32 to index
    %swap3A_505 = arith.constant 80 : index
    %swap3A_506 = tpu.vector_load %arg13[%swap3A_504, %swap3A_505] {strides = array<i32>} : memref<16x128xf32, #tpu.memory_space<vmem>>, vector<16xf32>,
    tpu.vector_store %arg13[%swap3A_504, %swap3A_505], %broadcast_in_dim3A_1 {strides = array<i32>} : memref<16x128xf32, #tpu.memory_space<vmem>>, vector<16xf32>,
    %swap3A_507 = arith.constant 15 : i32
    %swap3A_508 = arith.index_cast %swap3A_507 : i32 to index
    %swap3A_509 = arith.constant 96 : index
    %swap3A_510 = tpu.vector_load %arg13[%swap3A_508, %swap3A_509] {strides = array<i32>} : memref<16x128xf32, #tpu.memory_space<vmem>>, vector<16xf32>,
    tpu.vector_store %arg13[%swap3A_508, %swap3A_509], %broadcast_in_dim3A_1 {strides = array<i32>} : memref<16x128xf32, #tpu.memory_space<vmem>>, vector<16xf32>,
    %swap3A_511 = arith.constant 15 : i32
    %swap3A_512 = arith.index_cast %swap3A_511 : i32 to index
    %swap3A_513 = arith.constant 112 : index
    %swap3A_514 = tpu.vector_load %arg13[%swap3A_512, %swap3A_513] {strides = array<i32>} : memref<16x128xf32, #tpu.memory_space<vmem>>, vector<16xf32>,
    tpu.vector_store %arg13[%swap3A_512, %swap3A_513], %broadcast_in_dim3A_1 {strides = array<i32>} : memref<16x128xf32, #tpu.memory_space<vmem>>, vector<16xf32>,
    %scan3A = arith.constant 0 : i32
    %scan3A_515 = arith.constant 0 : i32
    %scan3A_516 = arith.constant 256 : i32
    %scan3A_517 = arith.addi %scan3A_515, %scan3A_516 : i32
    %scan3A_518 = arith.constant 1 : i32
    scf.for %scan3A_545 = %scan3A_515 to %scan3A_517 step %scan3A_518  : i32 {
      %swap3A_546 = arith.index_cast %scan3A_545 : i32 to index
      %swap3A_547 = arith.constant 0 : index
      %swap3A_548 = tpu.vector_load %arg12[%swap3A_546, %swap3A_547] {strides = array<i32>} : memref<256x16xf32, #tpu.memory_space<vmem>>, vector<16xf32>,
      tpu.vector_store %arg12[%swap3A_546, %swap3A_547], %broadcast_in_dim3A_1 {strides = array<i32>} : memref<256x16xf32, #tpu.memory_space<vmem>>, vector<16xf32>,
    }
    %scan3A_519 = arith.constant 256 : i32
    "tpu.region"() ({
      %run_scoped3A = tpu.sem_alloc : memref<!tpu.dma_semaphore, #tpu.memory_space<semaphore_mem>>
      %dma_start3A = arith.constant 0 : i32
      %dma_start3A_545 = arith.constant 0 : i32
      %dma_start3A_546 = tpu.memref_slice %arg20[%arg1, %dma_start3A, %dma_start3A_545] : memref<16x256x128xf32, #tpu.memory_space<vmem_shared>> -> memref<1x256x128xf32, #tpu.memory_space<vmem_shared>>
      %dma_start3A_547 = tpu.memref_squeeze %dma_start3A_546 : memref<1x256x128xf32, #tpu.memory_space<vmem_shared>> -> memref<256x128xf32, #tpu.memory_space<vmem_shared>>
      %dma_start3A_548 = arith.constant 0 : i32
      %dma_start3A_549 = arith.constant 0 : i32
      %dma_start3A_550 = tpu.memref_slice %dma_start3A_547[%dma_start3A_548, %dma_start3A_549] : memref<256x128xf32, #tpu.memory_space<vmem_shared>> -> memref<16x128xf32, #tpu.memory_space<vmem_shared>>
      %dma_start3A_551 = arith.constant 0 : i32
      %dma_start3A_552 = arith.constant 0 : i32
      %dma_start3A_553 = tpu.memref_slice %arg20[%arg1, %dma_start3A_551, %dma_start3A_552] : memref<16x256x128xf32, #tpu.memory_space<vmem_shared>> -> memref<1x256x128xf32, #tpu.memory_space<vmem_shared>>
      %dma_start3A_554 = tpu.memref_squeeze %dma_start3A_553 : memref<1x256x128xf32, #tpu.memory_space<vmem_shared>> -> memref<256x128xf32, #tpu.memory_space<vmem_shared>>
      %dma_start3A_555 = arith.constant 0 : i32
      %dma_start3A_556 = arith.constant 0 : i32
      %dma_start3A_557 = tpu.memref_slice %dma_start3A_554[%dma_start3A_555, %dma_start3A_556] : memref<256x128xf32, #tpu.memory_space<vmem_shared>> -> memref<16x128xf32, #tpu.memory_space<vmem_shared>>
      tpu.enqueue_dma source(%arg13 : memref<16x128xf32, #tpu.memory_space<vmem>>) target(%dma_start3A_557 : memref<16x128xf32, #tpu.memory_space<vmem_shared>>) target_semaphore(%run_scoped3A : memref<!tpu.dma_semaphore, #tpu.memory_space<semaphore_mem>>)
      %dma_wait3A = arith.constant 0 : i32
      %dma_wait3A_558 = arith.constant 0 : i32
      %dma_wait3A_559 = tpu.memref_slice %arg20[%arg1, %dma_wait3A, %dma_wait3A_558] : memref<16x256x128xf32, #tpu.memory_space<vmem_shared>> -> memref<1x256x128xf32, #tpu.memory_space<vmem_shared>>
      %dma_wait3A_560 = tpu.memref_squeeze %dma_wait3A_559 : memref<1x256x128xf32, #tpu.memory_space<vmem_shared>> -> memref<256x128xf32, #tpu.memory_space<vmem_shared>>
      %dma_wait3A_561 = arith.constant 0 : i32
      %dma_wait3A_562 = arith.constant 0 : i32
      %dma_wait3A_563 = tpu.memref_slice %dma_wait3A_560[%dma_wait3A_561, %dma_wait3A_562] : memref<256x128xf32, #tpu.memory_space<vmem_shared>> -> memref<16x128xf32, #tpu.memory_space<vmem_shared>>
      %dma_wait3A_564 = arith.constant 0 : i32
      %dma_wait3A_565 = arith.constant 0 : i32
      %dma_wait3A_566 = tpu.memref_slice %arg20[%arg1, %dma_wait3A_564, %dma_wait3A_565] : memref<16x256x128xf32, #tpu.memory_space<vmem_shared>> -> memref<1x256x128xf32, #tpu.memory_space<vmem_shared>>
      %dma_wait3A_567 = tpu.memref_squeeze %dma_wait3A_566 : memref<1x256x128xf32, #tpu.memory_space<vmem_shared>> -> memref<256x128xf32, #tpu.memory_space<vmem_shared>>
      %dma_wait3A_568 = arith.constant 0 : i32
      %dma_wait3A_569 = arith.constant 0 : i32
      %dma_wait3A_570 = tpu.memref_slice %dma_wait3A_567[%dma_wait3A_568, %dma_wait3A_569] : memref<256x128xf32, #tpu.memory_space<vmem_shared>> -> memref<16x128xf32, #tpu.memory_space<vmem_shared>>
      tpu.wait_dma2 semaphore(%run_scoped3A : memref<!tpu.dma_semaphore, #tpu.memory_space<semaphore_mem>>) src(%arg13 : memref<16x128xf32, #tpu.memory_space<vmem>>) dst(%dma_wait3A_570 : memref<16x128xf32, #tpu.memory_space<vmem_shared>>)
      tpu.yield
    }) : () -> ()
    "tpu.region"() ({
      %run_scoped3A = tpu.sem_alloc : memref<!tpu.dma_semaphore, #tpu.memory_space<semaphore_mem>>
      %dma_start3A = arith.constant 0 : i32
      %dma_start3A_545 = arith.constant 0 : i32
      %dma_start3A_546 = tpu.memref_slice %arg20[%arg1, %dma_start3A, %dma_start3A_545] : memref<16x256x128xf32, #tpu.memory_space<vmem_shared>> -> memref<1x256x128xf32, #tpu.memory_space<vmem_shared>>
      %dma_start3A_547 = tpu.memref_squeeze %dma_start3A_546 : memref<1x256x128xf32, #tpu.memory_space<vmem_shared>> -> memref<256x128xf32, #tpu.memory_space<vmem_shared>>
      %dma_start3A_548 = arith.constant 16 : i32
      %dma_start3A_549 = arith.constant 0 : i32
      %dma_start3A_550 = tpu.memref_slice %dma_start3A_547[%dma_start3A_548, %dma_start3A_549] : memref<256x128xf32, #tpu.memory_space<vmem_shared>> -> memref<16x128xf32, #tpu.memory_space<vmem_shared>>
      %dma_start3A_551 = arith.constant 0 : i32
      %dma_start3A_552 = arith.constant 0 : i32
      %dma_start3A_553 = tpu.memref_slice %arg20[%arg1, %dma_start3A_551, %dma_start3A_552] : memref<16x256x128xf32, #tpu.memory_space<vmem_shared>> -> memref<1x256x128xf32, #tpu.memory_space<vmem_shared>>
      %dma_start3A_554 = tpu.memref_squeeze %dma_start3A_553 : memref<1x256x128xf32, #tpu.memory_space<vmem_shared>> -> memref<256x128xf32, #tpu.memory_space<vmem_shared>>
      %dma_start3A_555 = arith.constant 16 : i32
      %dma_start3A_556 = arith.constant 0 : i32
      %dma_start3A_557 = tpu.memref_slice %dma_start3A_554[%dma_start3A_555, %dma_start3A_556] : memref<256x128xf32, #tpu.memory_space<vmem_shared>> -> memref<16x128xf32, #tpu.memory_space<vmem_shared>>
      tpu.enqueue_dma source(%arg13 : memref<16x128xf32, #tpu.memory_space<vmem>>) target(%dma_start3A_557 : memref<16x128xf32, #tpu.memory_space<vmem_shared>>) target_semaphore(%run_scoped3A : memref<!tpu.dma_semaphore, #tpu.memory_space<semaphore_mem>>)
      %dma_wait3A = arith.constant 0 : i32
      %dma_wait3A_558 = arith.constant 0 : i32
      %dma_wait3A_559 = tpu.memref_slice %arg20[%arg1, %dma_wait3A, %dma_wait3A_558] : memref<16x256x128xf32, #tpu.memory_space<vmem_shared>> -> memref<1x256x128xf32, #tpu.memory_space<vmem_shared>>
      %dma_wait3A_560 = tpu.memref_squeeze %dma_wait3A_559 : memref<1x256x128xf32, #tpu.memory_space<vmem_shared>> -> memref<256x128xf32, #tpu.memory_space<vmem_shared>>
      %dma_wait3A_561 = arith.constant 16 : i32
      %dma_wait3A_562 = arith.constant 0 : i32
      %dma_wait3A_563 = tpu.memref_slice %dma_wait3A_560[%dma_wait3A_561, %dma_wait3A_562] : memref<256x128xf32, #tpu.memory_space<vmem_shared>> -> memref<16x128xf32, #tpu.memory_space<vmem_shared>>
      %dma_wait3A_564 = arith.constant 0 : i32
      %dma_wait3A_565 = arith.constant 0 : i32
      %dma_wait3A_566 = tpu.memref_slice %arg20[%arg1, %dma_wait3A_564, %dma_wait3A_565] : memref<16x256x128xf32, #tpu.memory_space<vmem_shared>> -> memref<1x256x128xf32, #tpu.memory_space<vmem_shared>>
      %dma_wait3A_567 = tpu.memref_squeeze %dma_wait3A_566 : memref<1x256x128xf32, #tpu.memory_space<vmem_shared>> -> memref<256x128xf32, #tpu.memory_space<vmem_shared>>
      %dma_wait3A_568 = arith.constant 16 : i32
      %dma_wait3A_569 = arith.constant 0 : i32
      %dma_wait3A_570 = tpu.memref_slice %dma_wait3A_567[%dma_wait3A_568, %dma_wait3A_569] : memref<256x128xf32, #tpu.memory_space<vmem_shared>> -> memref<16x128xf32, #tpu.memory_space<vmem_shared>>
      tpu.wait_dma2 semaphore(%run_scoped3A : memref<!tpu.dma_semaphore, #tpu.memory_space<semaphore_mem>>) src(%arg13 : memref<16x128xf32, #tpu.memory_space<vmem>>) dst(%dma_wait3A_570 : memref<16x128xf32, #tpu.memory_space<vmem_shared>>)
      tpu.yield
    }) : () -> ()
    "tpu.region"() ({
      %run_scoped3A = tpu.sem_alloc : memref<!tpu.dma_semaphore, #tpu.memory_space<semaphore_mem>>
      %dma_start3A = arith.constant 0 : i32
      %dma_start3A_545 = arith.constant 0 : i32
      %dma_start3A_546 = tpu.memref_slice %arg20[%arg1, %dma_start3A, %dma_start3A_545] : memref<16x256x128xf32, #tpu.memory_space<vmem_shared>> -> memref<1x256x128xf32, #tpu.memory_space<vmem_shared>>
      %dma_start3A_547 = tpu.memref_squeeze %dma_start3A_546 : memref<1x256x128xf32, #tpu.memory_space<vmem_shared>> -> memref<256x128xf32, #tpu.memory_space<vmem_shared>>
      %dma_start3A_548 = arith.constant 32 : i32
      %dma_start3A_549 = arith.constant 0 : i32
      %dma_start3A_550 = tpu.memref_slice %dma_start3A_547[%dma_start3A_548, %dma_start3A_549] : memref<256x128xf32, #tpu.memory_space<vmem_shared>> -> memref<16x128xf32, #tpu.memory_space<vmem_shared>>
      %dma_start3A_551 = arith.constant 0 : i32
      %dma_start3A_552 = arith.constant 0 : i32
      %dma_start3A_553 = tpu.memref_slice %arg20[%arg1, %dma_start3A_551, %dma_start3A_552] : memref<16x256x128xf32, #tpu.memory_space<vmem_shared>> -> memref<1x256x128xf32, #tpu.memory_space<vmem_shared>>
      %dma_start3A_554 = tpu.memref_squeeze %dma_start3A_553 : memref<1x256x128xf32, #tpu.memory_space<vmem_shared>> -> memref<256x128xf32, #tpu.memory_space<vmem_shared>>
      %dma_start3A_555 = arith.constant 32 : i32
      %dma_start3A_556 = arith.constant 0 : i32
      %dma_start3A_557 = tpu.memref_slice %dma_start3A_554[%dma_start3A_555, %dma_start3A_556] : memref<256x128xf32, #tpu.memory_space<vmem_shared>> -> memref<16x128xf32, #tpu.memory_space<vmem_shared>>
      tpu.enqueue_dma source(%arg13 : memref<16x128xf32, #tpu.memory_space<vmem>>) target(%dma_start3A_557 : memref<16x128xf32, #tpu.memory_space<vmem_shared>>) target_semaphore(%run_scoped3A : memref<!tpu.dma_semaphore, #tpu.memory_space<semaphore_mem>>)
      %dma_wait3A = arith.constant 0 : i32
      %dma_wait3A_558 = arith.constant 0 : i32
      %dma_wait3A_559 = tpu.memref_slice %arg20[%arg1, %dma_wait3A, %dma_wait3A_558] : memref<16x256x128xf32, #tpu.memory_space<vmem_shared>> -> memref<1x256x128xf32, #tpu.memory_space<vmem_shared>>
      %dma_wait3A_560 = tpu.memref_squeeze %dma_wait3A_559 : memref<1x256x128xf32, #tpu.memory_space<vmem_shared>> -> memref<256x128xf32, #tpu.memory_space<vmem_shared>>
      %dma_wait3A_561 = arith.constant 32 : i32
      %dma_wait3A_562 = arith.constant 0 : i32
      %dma_wait3A_563 = tpu.memref_slice %dma_wait3A_560[%dma_wait3A_561, %dma_wait3A_562] : memref<256x128xf32, #tpu.memory_space<vmem_shared>> -> memref<16x128xf32, #tpu.memory_space<vmem_shared>>
      %dma_wait3A_564 = arith.constant 0 : i32
      %dma_wait3A_565 = arith.constant 0 : i32
      %dma_wait3A_566 = tpu.memref_slice %arg20[%arg1, %dma_wait3A_564, %dma_wait3A_565] : memref<16x256x128xf32, #tpu.memory_space<vmem_shared>> -> memref<1x256x128xf32, #tpu.memory_space<vmem_shared>>
      %dma_wait3A_567 = tpu.memref_squeeze %dma_wait3A_566 : memref<1x256x128xf32, #tpu.memory_space<vmem_shared>> -> memref<256x128xf32, #tpu.memory_space<vmem_shared>>
      %dma_wait3A_568 = arith.constant 32 : i32
      %dma_wait3A_569 = arith.constant 0 : i32
      %dma_wait3A_570 = tpu.memref_slice %dma_wait3A_567[%dma_wait3A_568, %dma_wait3A_569] : memref<256x128xf32, #tpu.memory_space<vmem_shared>> -> memref<16x128xf32, #tpu.memory_space<vmem_shared>>
      tpu.wait_dma2 semaphore(%run_scoped3A : memref<!tpu.dma_semaphore, #tpu.memory_space<semaphore_mem>>) src(%arg13 : memref<16x128xf32, #tpu.memory_space<vmem>>) dst(%dma_wait3A_570 : memref<16x128xf32, #tpu.memory_space<vmem_shared>>)
      tpu.yield
    }) : () -> ()
    "tpu.region"() ({
      %run_scoped3A = tpu.sem_alloc : memref<!tpu.dma_semaphore, #tpu.memory_space<semaphore_mem>>
      %dma_start3A = arith.constant 0 : i32
      %dma_start3A_545 = arith.constant 0 : i32
      %dma_start3A_546 = tpu.memref_slice %arg20[%arg1, %dma_start3A, %dma_start3A_545] : memref<16x256x128xf32, #tpu.memory_space<vmem_shared>> -> memref<1x256x128xf32, #tpu.memory_space<vmem_shared>>
      %dma_start3A_547 = tpu.memref_squeeze %dma_start3A_546 : memref<1x256x128xf32, #tpu.memory_space<vmem_shared>> -> memref<256x128xf32, #tpu.memory_space<vmem_shared>>
      %dma_start3A_548 = arith.constant 48 : i32
      %dma_start3A_549 = arith.constant 0 : i32
      %dma_start3A_550 = tpu.memref_slice %dma_start3A_547[%dma_start3A_548, %dma_start3A_549] : memref<256x128xf32, #tpu.memory_space<vmem_shared>> -> memref<16x128xf32, #tpu.memory_space<vmem_shared>>
      %dma_start3A_551 = arith.constant 0 : i32
      %dma_start3A_552 = arith.constant 0 : i32
      %dma_start3A_553 = tpu.memref_slice %arg20[%arg1, %dma_start3A_551, %dma_start3A_552] : memref<16x256x128xf32, #tpu.memory_space<vmem_shared>> -> memref<1x256x128xf32, #tpu.memory_space<vmem_shared>>
      %dma_start3A_554 = tpu.memref_squeeze %dma_start3A_553 : memref<1x256x128xf32, #tpu.memory_space<vmem_shared>> -> memref<256x128xf32, #tpu.memory_space<vmem_shared>>
      %dma_start3A_555 = arith.constant 48 : i32
      %dma_start3A_556 = arith.constant 0 : i32
      %dma_start3A_557 = tpu.memref_slice %dma_start3A_554[%dma_start3A_555, %dma_start3A_556] : memref<256x128xf32, #tpu.memory_space<vmem_shared>> -> memref<16x128xf32, #tpu.memory_space<vmem_shared>>
      tpu.enqueue_dma source(%arg13 : memref<16x128xf32, #tpu.memory_space<vmem>>) target(%dma_start3A_557 : memref<16x128xf32, #tpu.memory_space<vmem_shared>>) target_semaphore(%run_scoped3A : memref<!tpu.dma_semaphore, #tpu.memory_space<semaphore_mem>>)
      %dma_wait3A = arith.constant 0 : i32
      %dma_wait3A_558 = arith.constant 0 : i32
      %dma_wait3A_559 = tpu.memref_slice %arg20[%arg1, %dma_wait3A, %dma_wait3A_558] : memref<16x256x128xf32, #tpu.memory_space<vmem_shared>> -> memref<1x256x128xf32, #tpu.memory_space<vmem_shared>>
      %dma_wait3A_560 = tpu.memref_squeeze %dma_wait3A_559 : memref<1x256x128xf32, #tpu.memory_space<vmem_shared>> -> memref<256x128xf32, #tpu.memory_space<vmem_shared>>
      %dma_wait3A_561 = arith.constant 48 : i32
      %dma_wait3A_562 = arith.constant 0 : i32
      %dma_wait3A_563 = tpu.memref_slice %dma_wait3A_560[%dma_wait3A_561, %dma_wait3A_562] : memref<256x128xf32, #tpu.memory_space<vmem_shared>> -> memref<16x128xf32, #tpu.memory_space<vmem_shared>>
      %dma_wait3A_564 = arith.constant 0 : i32
      %dma_wait3A_565 = arith.constant 0 : i32
      %dma_wait3A_566 = tpu.memref_slice %arg20[%arg1, %dma_wait3A_564, %dma_wait3A_565] : memref<16x256x128xf32, #tpu.memory_space<vmem_shared>> -> memref<1x256x128xf32, #tpu.memory_space<vmem_shared>>
      %dma_wait3A_567 = tpu.memref_squeeze %dma_wait3A_566 : memref<1x256x128xf32, #tpu.memory_space<vmem_shared>> -> memref<256x128xf32, #tpu.memory_space<vmem_shared>>
      %dma_wait3A_568 = arith.constant 48 : i32
      %dma_wait3A_569 = arith.constant 0 : i32
      %dma_wait3A_570 = tpu.memref_slice %dma_wait3A_567[%dma_wait3A_568, %dma_wait3A_569] : memref<256x128xf32, #tpu.memory_space<vmem_shared>> -> memref<16x128xf32, #tpu.memory_space<vmem_shared>>
      tpu.wait_dma2 semaphore(%run_scoped3A : memref<!tpu.dma_semaphore, #tpu.memory_space<semaphore_mem>>) src(%arg13 : memref<16x128xf32, #tpu.memory_space<vmem>>) dst(%dma_wait3A_570 : memref<16x128xf32, #tpu.memory_space<vmem_shared>>)
      tpu.yield
    }) : () -> ()
    "tpu.region"() ({
      %run_scoped3A = tpu.sem_alloc : memref<!tpu.dma_semaphore, #tpu.memory_space<semaphore_mem>>
      %dma_start3A = arith.constant 0 : i32
      %dma_start3A_545 = arith.constant 0 : i32
      %dma_start3A_546 = tpu.memref_slice %arg20[%arg1, %dma_start3A, %dma_start3A_545] : memref<16x256x128xf32, #tpu.memory_space<vmem_shared>> -> memref<1x256x128xf32, #tpu.memory_space<vmem_shared>>
      %dma_start3A_547 = tpu.memref_squeeze %dma_start3A_546 : memref<1x256x128xf32, #tpu.memory_space<vmem_shared>> -> memref<256x128xf32, #tpu.memory_space<vmem_shared>>
      %dma_start3A_548 = arith.constant 64 : i32
      %dma_start3A_549 = arith.constant 0 : i32
      %dma_start3A_550 = tpu.memref_slice %dma_start3A_547[%dma_start3A_548, %dma_start3A_549] : memref<256x128xf32, #tpu.memory_space<vmem_shared>> -> memref<16x128xf32, #tpu.memory_space<vmem_shared>>
      %dma_start3A_551 = arith.constant 0 : i32
      %dma_start3A_552 = arith.constant 0 : i32
      %dma_start3A_553 = tpu.memref_slice %arg20[%arg1, %dma_start3A_551, %dma_start3A_552] : memref<16x256x128xf32, #tpu.memory_space<vmem_shared>> -> memref<1x256x128xf32, #tpu.memory_space<vmem_shared>>
      %dma_start3A_554 = tpu.memref_squeeze %dma_start3A_553 : memref<1x256x128xf32, #tpu.memory_space<vmem_shared>> -> memref<256x128xf32, #tpu.memory_space<vmem_shared>>
      %dma_start3A_555 = arith.constant 64 : i32
      %dma_start3A_556 = arith.constant 0 : i32
      %dma_start3A_557 = tpu.memref_slice %dma_start3A_554[%dma_start3A_555, %dma_start3A_556] : memref<256x128xf32, #tpu.memory_space<vmem_shared>> -> memref<16x128xf32, #tpu.memory_space<vmem_shared>>
      tpu.enqueue_dma source(%arg13 : memref<16x128xf32, #tpu.memory_space<vmem>>) target(%dma_start3A_557 : memref<16x128xf32, #tpu.memory_space<vmem_shared>>) target_semaphore(%run_scoped3A : memref<!tpu.dma_semaphore, #tpu.memory_space<semaphore_mem>>)
      %dma_wait3A = arith.constant 0 : i32
      %dma_wait3A_558 = arith.constant 0 : i32
      %dma_wait3A_559 = tpu.memref_slice %arg20[%arg1, %dma_wait3A, %dma_wait3A_558] : memref<16x256x128xf32, #tpu.memory_space<vmem_shared>> -> memref<1x256x128xf32, #tpu.memory_space<vmem_shared>>
      %dma_wait3A_560 = tpu.memref_squeeze %dma_wait3A_559 : memref<1x256x128xf32, #tpu.memory_space<vmem_shared>> -> memref<256x128xf32, #tpu.memory_space<vmem_shared>>
      %dma_wait3A_561 = arith.constant 64 : i32
      %dma_wait3A_562 = arith.constant 0 : i32
      %dma_wait3A_563 = tpu.memref_slice %dma_wait3A_560[%dma_wait3A_561, %dma_wait3A_562] : memref<256x128xf32, #tpu.memory_space<vmem_shared>> -> memref<16x128xf32, #tpu.memory_space<vmem_shared>>
      %dma_wait3A_564 = arith.constant 0 : i32
      %dma_wait3A_565 = arith.constant 0 : i32
      %dma_wait3A_566 = tpu.memref_slice %arg20[%arg1, %dma_wait3A_564, %dma_wait3A_565] : memref<16x256x128xf32, #tpu.memory_space<vmem_shared>> -> memref<1x256x128xf32, #tpu.memory_space<vmem_shared>>
      %dma_wait3A_567 = tpu.memref_squeeze %dma_wait3A_566 : memref<1x256x128xf32, #tpu.memory_space<vmem_shared>> -> memref<256x128xf32, #tpu.memory_space<vmem_shared>>
      %dma_wait3A_568 = arith.constant 64 : i32
      %dma_wait3A_569 = arith.constant 0 : i32
      %dma_wait3A_570 = tpu.memref_slice %dma_wait3A_567[%dma_wait3A_568, %dma_wait3A_569] : memref<256x128xf32, #tpu.memory_space<vmem_shared>> -> memref<16x128xf32, #tpu.memory_space<vmem_shared>>
      tpu.wait_dma2 semaphore(%run_scoped3A : memref<!tpu.dma_semaphore, #tpu.memory_space<semaphore_mem>>) src(%arg13 : memref<16x128xf32, #tpu.memory_space<vmem>>) dst(%dma_wait3A_570 : memref<16x128xf32, #tpu.memory_space<vmem_shared>>)
      tpu.yield
    }) : () -> ()
    "tpu.region"() ({
      %run_scoped3A = tpu.sem_alloc : memref<!tpu.dma_semaphore, #tpu.memory_space<semaphore_mem>>
      %dma_start3A = arith.constant 0 : i32
      %dma_start3A_545 = arith.constant 0 : i32
      %dma_start3A_546 = tpu.memref_slice %arg20[%arg1, %dma_start3A, %dma_start3A_545] : memref<16x256x128xf32, #tpu.memory_space<vmem_shared>> -> memref<1x256x128xf32, #tpu.memory_space<vmem_shared>>
      %dma_start3A_547 = tpu.memref_squeeze %dma_start3A_546 : memref<1x256x128xf32, #tpu.memory_space<vmem_shared>> -> memref<256x128xf32, #tpu.memory_space<vmem_shared>>
      %dma_start3A_548 = arith.constant 80 : i32
      %dma_start3A_549 = arith.constant 0 : i32
      %dma_start3A_550 = tpu.memref_slice %dma_start3A_547[%dma_start3A_548, %dma_start3A_549] : memref<256x128xf32, #tpu.memory_space<vmem_shared>> -> memref<16x128xf32, #tpu.memory_space<vmem_shared>>
      %dma_start3A_551 = arith.constant 0 : i32
      %dma_start3A_552 = arith.constant 0 : i32
      %dma_start3A_553 = tpu.memref_slice %arg20[%arg1, %dma_start3A_551, %dma_start3A_552] : memref<16x256x128xf32, #tpu.memory_space<vmem_shared>> -> memref<1x256x128xf32, #tpu.memory_space<vmem_shared>>
      %dma_start3A_554 = tpu.memref_squeeze %dma_start3A_553 : memref<1x256x128xf32, #tpu.memory_space<vmem_shared>> -> memref<256x128xf32, #tpu.memory_space<vmem_shared>>
      %dma_start3A_555 = arith.constant 80 : i32
      %dma_start3A_556 = arith.constant 0 : i32
      %dma_start3A_557 = tpu.memref_slice %dma_start3A_554[%dma_start3A_555, %dma_start3A_556] : memref<256x128xf32, #tpu.memory_space<vmem_shared>> -> memref<16x128xf32, #tpu.memory_space<vmem_shared>>
      tpu.enqueue_dma source(%arg13 : memref<16x128xf32, #tpu.memory_space<vmem>>) target(%dma_start3A_557 : memref<16x128xf32, #tpu.memory_space<vmem_shared>>) target_semaphore(%run_scoped3A : memref<!tpu.dma_semaphore, #tpu.memory_space<semaphore_mem>>)
      %dma_wait3A = arith.constant 0 : i32
      %dma_wait3A_558 = arith.constant 0 : i32
      %dma_wait3A_559 = tpu.memref_slice %arg20[%arg1, %dma_wait3A, %dma_wait3A_558] : memref<16x256x128xf32, #tpu.memory_space<vmem_shared>> -> memref<1x256x128xf32, #tpu.memory_space<vmem_shared>>
      %dma_wait3A_560 = tpu.memref_squeeze %dma_wait3A_559 : memref<1x256x128xf32, #tpu.memory_space<vmem_shared>> -> memref<256x128xf32, #tpu.memory_space<vmem_shared>>
      %dma_wait3A_561 = arith.constant 80 : i32
      %dma_wait3A_562 = arith.constant 0 : i32
      %dma_wait3A_563 = tpu.memref_slice %dma_wait3A_560[%dma_wait3A_561, %dma_wait3A_562] : memref<256x128xf32, #tpu.memory_space<vmem_shared>> -> memref<16x128xf32, #tpu.memory_space<vmem_shared>>
      %dma_wait3A_564 = arith.constant 0 : i32
      %dma_wait3A_565 = arith.constant 0 : i32
      %dma_wait3A_566 = tpu.memref_slice %arg20[%arg1, %dma_wait3A_564, %dma_wait3A_565] : memref<16x256x128xf32, #tpu.memory_space<vmem_shared>> -> memref<1x256x128xf32, #tpu.memory_space<vmem_shared>>
      %dma_wait3A_567 = tpu.memref_squeeze %dma_wait3A_566 : memref<1x256x128xf32, #tpu.memory_space<vmem_shared>> -> memref<256x128xf32, #tpu.memory_space<vmem_shared>>
      %dma_wait3A_568 = arith.constant 80 : i32
      %dma_wait3A_569 = arith.constant 0 : i32
      %dma_wait3A_570 = tpu.memref_slice %dma_wait3A_567[%dma_wait3A_568, %dma_wait3A_569] : memref<256x128xf32, #tpu.memory_space<vmem_shared>> -> memref<16x128xf32, #tpu.memory_space<vmem_shared>>
      tpu.wait_dma2 semaphore(%run_scoped3A : memref<!tpu.dma_semaphore, #tpu.memory_space<semaphore_mem>>) src(%arg13 : memref<16x128xf32, #tpu.memory_space<vmem>>) dst(%dma_wait3A_570 : memref<16x128xf32, #tpu.memory_space<vmem_shared>>)
      tpu.yield
    }) : () -> ()
    "tpu.region"() ({
      %run_scoped3A = tpu.sem_alloc : memref<!tpu.dma_semaphore, #tpu.memory_space<semaphore_mem>>
      %dma_start3A = arith.constant 0 : i32
      %dma_start3A_545 = arith.constant 0 : i32
      %dma_start3A_546 = tpu.memref_slice %arg20[%arg1, %dma_start3A, %dma_start3A_545] : memref<16x256x128xf32, #tpu.memory_space<vmem_shared>> -> memref<1x256x128xf32, #tpu.memory_space<vmem_shared>>
      %dma_start3A_547 = tpu.memref_squeeze %dma_start3A_546 : memref<1x256x128xf32, #tpu.memory_space<vmem_shared>> -> memref<256x128xf32, #tpu.memory_space<vmem_shared>>
      %dma_start3A_548 = arith.constant 96 : i32
      %dma_start3A_549 = arith.constant 0 : i32
      %dma_start3A_550 = tpu.memref_slice %dma_start3A_547[%dma_start3A_548, %dma_start3A_549] : memref<256x128xf32, #tpu.memory_space<vmem_shared>> -> memref<16x128xf32, #tpu.memory_space<vmem_shared>>
      %dma_start3A_551 = arith.constant 0 : i32
      %dma_start3A_552 = arith.constant 0 : i32
      %dma_start3A_553 = tpu.memref_slice %arg20[%arg1, %dma_start3A_551, %dma_start3A_552] : memref<16x256x128xf32, #tpu.memory_space<vmem_shared>> -> memref<1x256x128xf32, #tpu.memory_space<vmem_shared>>
      %dma_start3A_554 = tpu.memref_squeeze %dma_start3A_553 : memref<1x256x128xf32, #tpu.memory_space<vmem_shared>> -> memref<256x128xf32, #tpu.memory_space<vmem_shared>>
      %dma_start3A_555 = arith.constant 96 : i32
      %dma_start3A_556 = arith.constant 0 : i32
      %dma_start3A_557 = tpu.memref_slice %dma_start3A_554[%dma_start3A_555, %dma_start3A_556] : memref<256x128xf32, #tpu.memory_space<vmem_shared>> -> memref<16x128xf32, #tpu.memory_space<vmem_shared>>
      tpu.enqueue_dma source(%arg13 : memref<16x128xf32, #tpu.memory_space<vmem>>) target(%dma_start3A_557 : memref<16x128xf32, #tpu.memory_space<vmem_shared>>) target_semaphore(%run_scoped3A : memref<!tpu.dma_semaphore, #tpu.memory_space<semaphore_mem>>)
      %dma_wait3A = arith.constant 0 : i32
      %dma_wait3A_558 = arith.constant 0 : i32
      %dma_wait3A_559 = tpu.memref_slice %arg20[%arg1, %dma_wait3A, %dma_wait3A_558] : memref<16x256x128xf32, #tpu.memory_space<vmem_shared>> -> memref<1x256x128xf32, #tpu.memory_space<vmem_shared>>
      %dma_wait3A_560 = tpu.memref_squeeze %dma_wait3A_559 : memref<1x256x128xf32, #tpu.memory_space<vmem_shared>> -> memref<256x128xf32, #tpu.memory_space<vmem_shared>>
      %dma_wait3A_561 = arith.constant 96 : i32
      %dma_wait3A_562 = arith.constant 0 : i32
      %dma_wait3A_563 = tpu.memref_slice %dma_wait3A_560[%dma_wait3A_561, %dma_wait3A_562] : memref<256x128xf32, #tpu.memory_space<vmem_shared>> -> memref<16x128xf32, #tpu.memory_space<vmem_shared>>
      %dma_wait3A_564 = arith.constant 0 : i32
      %dma_wait3A_565 = arith.constant 0 : i32
      %dma_wait3A_566 = tpu.memref_slice %arg20[%arg1, %dma_wait3A_564, %dma_wait3A_565] : memref<16x256x128xf32, #tpu.memory_space<vmem_shared>> -> memref<1x256x128xf32, #tpu.memory_space<vmem_shared>>
      %dma_wait3A_567 = tpu.memref_squeeze %dma_wait3A_566 : memref<1x256x128xf32, #tpu.memory_space<vmem_shared>> -> memref<256x128xf32, #tpu.memory_space<vmem_shared>>
      %dma_wait3A_568 = arith.constant 96 : i32
      %dma_wait3A_569 = arith.constant 0 : i32
      %dma_wait3A_570 = tpu.memref_slice %dma_wait3A_567[%dma_wait3A_568, %dma_wait3A_569] : memref<256x128xf32, #tpu.memory_space<vmem_shared>> -> memref<16x128xf32, #tpu.memory_space<vmem_shared>>
      tpu.wait_dma2 semaphore(%run_scoped3A : memref<!tpu.dma_semaphore, #tpu.memory_space<semaphore_mem>>) src(%arg13 : memref<16x128xf32, #tpu.memory_space<vmem>>) dst(%dma_wait3A_570 : memref<16x128xf32, #tpu.memory_space<vmem_shared>>)
      tpu.yield
    }) : () -> ()
    "tpu.region"() ({
      %run_scoped3A = tpu.sem_alloc : memref<!tpu.dma_semaphore, #tpu.memory_space<semaphore_mem>>
      %dma_start3A = arith.constant 0 : i32
      %dma_start3A_545 = arith.constant 0 : i32
      %dma_start3A_546 = tpu.memref_slice %arg20[%arg1, %dma_start3A, %dma_start3A_545] : memref<16x256x128xf32, #tpu.memory_space<vmem_shared>> -> memref<1x256x128xf32, #tpu.memory_space<vmem_shared>>
      %dma_start3A_547 = tpu.memref_squeeze %dma_start3A_546 : memref<1x256x128xf32, #tpu.memory_space<vmem_shared>> -> memref<256x128xf32, #tpu.memory_space<vmem_shared>>
      %dma_start3A_548 = arith.constant 112 : i32
      %dma_start3A_549 = arith.constant 0 : i32
      %dma_start3A_550 = tpu.memref_slice %dma_start3A_547[%dma_start3A_548, %dma_start3A_549] : memref<256x128xf32, #tpu.memory_space<vmem_shared>> -> memref<16x128xf32, #tpu.memory_space<vmem_shared>>
      %dma_start3A_551 = arith.constant 0 : i32
      %dma_start3A_552 = arith.constant 0 : i32
      %dma_start3A_553 = tpu.memref_slice %arg20[%arg1, %dma_start3A_551, %dma_start3A_552] : memref<16x256x128xf32, #tpu.memory_space<vmem_shared>> -> memref<1x256x128xf32, #tpu.memory_space<vmem_shared>>
      %dma_start3A_554 = tpu.memref_squeeze %dma_start3A_553 : memref<1x256x128xf32, #tpu.memory_space<vmem_shared>> -> memref<256x128xf32, #tpu.memory_space<vmem_shared>>
      %dma_start3A_555 = arith.constant 112 : i32
      %dma_start3A_556 = arith.constant 0 : i32
      %dma_start3A_557 = tpu.memref_slice %dma_start3A_554[%dma_start3A_555, %dma_start3A_556] : memref<256x128xf32, #tpu.memory_space<vmem_shared>> -> memref<16x128xf32, #tpu.memory_space<vmem_shared>>
      tpu.enqueue_dma source(%arg13 : memref<16x128xf32, #tpu.memory_space<vmem>>) target(%dma_start3A_557 : memref<16x128xf32, #tpu.memory_space<vmem_shared>>) target_semaphore(%run_scoped3A : memref<!tpu.dma_semaphore, #tpu.memory_space<semaphore_mem>>)
      %dma_wait3A = arith.constant 0 : i32
      %dma_wait3A_558 = arith.constant 0 : i32
      %dma_wait3A_559 = tpu.memref_slice %arg20[%arg1, %dma_wait3A, %dma_wait3A_558] : memref<16x256x128xf32, #tpu.memory_space<vmem_shared>> -> memref<1x256x128xf32, #tpu.memory_space<vmem_shared>>
      %dma_wait3A_560 = tpu.memref_squeeze %dma_wait3A_559 : memref<1x256x128xf32, #tpu.memory_space<vmem_shared>> -> memref<256x128xf32, #tpu.memory_space<vmem_shared>>
      %dma_wait3A_561 = arith.constant 112 : i32
      %dma_wait3A_562 = arith.constant 0 : i32
      %dma_wait3A_563 = tpu.memref_slice %dma_wait3A_560[%dma_wait3A_561, %dma_wait3A_562] : memref<256x128xf32, #tpu.memory_space<vmem_shared>> -> memref<16x128xf32, #tpu.memory_space<vmem_shared>>
      %dma_wait3A_564 = arith.constant 0 : i32
      %dma_wait3A_565 = arith.constant 0 : i32
      %dma_wait3A_566 = tpu.memref_slice %arg20[%arg1, %dma_wait3A_564, %dma_wait3A_565] : memref<16x256x128xf32, #tpu.memory_space<vmem_shared>> -> memref<1x256x128xf32, #tpu.memory_space<vmem_shared>>
      %dma_wait3A_567 = tpu.memref_squeeze %dma_wait3A_566 : memref<1x256x128xf32, #tpu.memory_space<vmem_shared>> -> memref<256x128xf32, #tpu.memory_space<vmem_shared>>
      %dma_wait3A_568 = arith.constant 112 : i32
      %dma_wait3A_569 = arith.constant 0 : i32
      %dma_wait3A_570 = tpu.memref_slice %dma_wait3A_567[%dma_wait3A_568, %dma_wait3A_569] : memref<256x128xf32, #tpu.memory_space<vmem_shared>> -> memref<16x128xf32, #tpu.memory_space<vmem_shared>>
      tpu.wait_dma2 semaphore(%run_scoped3A : memref<!tpu.dma_semaphore, #tpu.memory_space<semaphore_mem>>) src(%arg13 : memref<16x128xf32, #tpu.memory_space<vmem>>) dst(%dma_wait3A_570 : memref<16x128xf32, #tpu.memory_space<vmem_shared>>)
      tpu.yield
    }) : () -> ()
    "tpu.region"() ({
      %run_scoped3A = tpu.sem_alloc : memref<!tpu.dma_semaphore, #tpu.memory_space<semaphore_mem>>
      %dma_start3A = arith.constant 0 : i32
      %dma_start3A_545 = arith.constant 0 : i32
      %dma_start3A_546 = tpu.memref_slice %arg20[%arg1, %dma_start3A, %dma_start3A_545] : memref<16x256x128xf32, #tpu.memory_space<vmem_shared>> -> memref<1x256x128xf32, #tpu.memory_space<vmem_shared>>
      %dma_start3A_547 = tpu.memref_squeeze %dma_start3A_546 : memref<1x256x128xf32, #tpu.memory_space<vmem_shared>> -> memref<256x128xf32, #tpu.memory_space<vmem_shared>>
      %dma_start3A_548 = arith.constant 128 : i32
      %dma_start3A_549 = arith.constant 0 : i32
      %dma_start3A_550 = tpu.memref_slice %dma_start3A_547[%dma_start3A_548, %dma_start3A_549] : memref<256x128xf32, #tpu.memory_space<vmem_shared>> -> memref<16x128xf32, #tpu.memory_space<vmem_shared>>
      %dma_start3A_551 = arith.constant 0 : i32
      %dma_start3A_552 = arith.constant 0 : i32
      %dma_start3A_553 = tpu.memref_slice %arg20[%arg1, %dma_start3A_551, %dma_start3A_552] : memref<16x256x128xf32, #tpu.memory_space<vmem_shared>> -> memref<1x256x128xf32, #tpu.memory_space<vmem_shared>>
      %dma_start3A_554 = tpu.memref_squeeze %dma_start3A_553 : memref<1x256x128xf32, #tpu.memory_space<vmem_shared>> -> memref<256x128xf32, #tpu.memory_space<vmem_shared>>
      %dma_start3A_555 = arith.constant 128 : i32
      %dma_start3A_556 = arith.constant 0 : i32
      %dma_start3A_557 = tpu.memref_slice %dma_start3A_554[%dma_start3A_555, %dma_start3A_556] : memref<256x128xf32, #tpu.memory_space<vmem_shared>> -> memref<16x128xf32, #tpu.memory_space<vmem_shared>>
      tpu.enqueue_dma source(%arg13 : memref<16x128xf32, #tpu.memory_space<vmem>>) target(%dma_start3A_557 : memref<16x128xf32, #tpu.memory_space<vmem_shared>>) target_semaphore(%run_scoped3A : memref<!tpu.dma_semaphore, #tpu.memory_space<semaphore_mem>>)
      %dma_wait3A = arith.constant 0 : i32
      %dma_wait3A_558 = arith.constant 0 : i32
      %dma_wait3A_559 = tpu.memref_slice %arg20[%arg1, %dma_wait3A, %dma_wait3A_558] : memref<16x256x128xf32, #tpu.memory_space<vmem_shared>> -> memref<1x256x128xf32, #tpu.memory_space<vmem_shared>>
      %dma_wait3A_560 = tpu.memref_squeeze %dma_wait3A_559 : memref<1x256x128xf32, #tpu.memory_space<vmem_shared>> -> memref<256x128xf32, #tpu.memory_space<vmem_shared>>
      %dma_wait3A_561 = arith.constant 128 : i32
      %dma_wait3A_562 = arith.constant 0 : i32
      %dma_wait3A_563 = tpu.memref_slice %dma_wait3A_560[%dma_wait3A_561, %dma_wait3A_562] : memref<256x128xf32, #tpu.memory_space<vmem_shared>> -> memref<16x128xf32, #tpu.memory_space<vmem_shared>>
      %dma_wait3A_564 = arith.constant 0 : i32
      %dma_wait3A_565 = arith.constant 0 : i32
      %dma_wait3A_566 = tpu.memref_slice %arg20[%arg1, %dma_wait3A_564, %dma_wait3A_565] : memref<16x256x128xf32, #tpu.memory_space<vmem_shared>> -> memref<1x256x128xf32, #tpu.memory_space<vmem_shared>>
      %dma_wait3A_567 = tpu.memref_squeeze %dma_wait3A_566 : memref<1x256x128xf32, #tpu.memory_space<vmem_shared>> -> memref<256x128xf32, #tpu.memory_space<vmem_shared>>
      %dma_wait3A_568 = arith.constant 128 : i32
      %dma_wait3A_569 = arith.constant 0 : i32
      %dma_wait3A_570 = tpu.memref_slice %dma_wait3A_567[%dma_wait3A_568, %dma_wait3A_569] : memref<256x128xf32, #tpu.memory_space<vmem_shared>> -> memref<16x128xf32, #tpu.memory_space<vmem_shared>>
      tpu.wait_dma2 semaphore(%run_scoped3A : memref<!tpu.dma_semaphore, #tpu.memory_space<semaphore_mem>>) src(%arg13 : memref<16x128xf32, #tpu.memory_space<vmem>>) dst(%dma_wait3A_570 : memref<16x128xf32, #tpu.memory_space<vmem_shared>>)
      tpu.yield
    }) : () -> ()
    "tpu.region"() ({
      %run_scoped3A = tpu.sem_alloc : memref<!tpu.dma_semaphore, #tpu.memory_space<semaphore_mem>>
      %dma_start3A = arith.constant 0 : i32
      %dma_start3A_545 = arith.constant 0 : i32
      %dma_start3A_546 = tpu.memref_slice %arg20[%arg1, %dma_start3A, %dma_start3A_545] : memref<16x256x128xf32, #tpu.memory_space<vmem_shared>> -> memref<1x256x128xf32, #tpu.memory_space<vmem_shared>>
      %dma_start3A_547 = tpu.memref_squeeze %dma_start3A_546 : memref<1x256x128xf32, #tpu.memory_space<vmem_shared>> -> memref<256x128xf32, #tpu.memory_space<vmem_shared>>
      %dma_start3A_548 = arith.constant 144 : i32
      %dma_start3A_549 = arith.constant 0 : i32
      %dma_start3A_550 = tpu.memref_slice %dma_start3A_547[%dma_start3A_548, %dma_start3A_549] : memref<256x128xf32, #tpu.memory_space<vmem_shared>> -> memref<16x128xf32, #tpu.memory_space<vmem_shared>>
      %dma_start3A_551 = arith.constant 0 : i32
      %dma_start3A_552 = arith.constant 0 : i32
      %dma_start3A_553 = tpu.memref_slice %arg20[%arg1, %dma_start3A_551, %dma_start3A_552] : memref<16x256x128xf32, #tpu.memory_space<vmem_shared>> -> memref<1x256x128xf32, #tpu.memory_space<vmem_shared>>
      %dma_start3A_554 = tpu.memref_squeeze %dma_start3A_553 : memref<1x256x128xf32, #tpu.memory_space<vmem_shared>> -> memref<256x128xf32, #tpu.memory_space<vmem_shared>>
      %dma_start3A_555 = arith.constant 144 : i32
      %dma_start3A_556 = arith.constant 0 : i32
      %dma_start3A_557 = tpu.memref_slice %dma_start3A_554[%dma_start3A_555, %dma_start3A_556] : memref<256x128xf32, #tpu.memory_space<vmem_shared>> -> memref<16x128xf32, #tpu.memory_space<vmem_shared>>
      tpu.enqueue_dma source(%arg13 : memref<16x128xf32, #tpu.memory_space<vmem>>) target(%dma_start3A_557 : memref<16x128xf32, #tpu.memory_space<vmem_shared>>) target_semaphore(%run_scoped3A : memref<!tpu.dma_semaphore, #tpu.memory_space<semaphore_mem>>)
      %dma_wait3A = arith.constant 0 : i32
      %dma_wait3A_558 = arith.constant 0 : i32
      %dma_wait3A_559 = tpu.memref_slice %arg20[%arg1, %dma_wait3A, %dma_wait3A_558] : memref<16x256x128xf32, #tpu.memory_space<vmem_shared>> -> memref<1x256x128xf32, #tpu.memory_space<vmem_shared>>
      %dma_wait3A_560 = tpu.memref_squeeze %dma_wait3A_559 : memref<1x256x128xf32, #tpu.memory_space<vmem_shared>> -> memref<256x128xf32, #tpu.memory_space<vmem_shared>>
      %dma_wait3A_561 = arith.constant 144 : i32
      %dma_wait3A_562 = arith.constant 0 : i32
      %dma_wait3A_563 = tpu.memref_slice %dma_wait3A_560[%dma_wait3A_561, %dma_wait3A_562] : memref<256x128xf32, #tpu.memory_space<vmem_shared>> -> memref<16x128xf32, #tpu.memory_space<vmem_shared>>
      %dma_wait3A_564 = arith.constant 0 : i32
      %dma_wait3A_565 = arith.constant 0 : i32
      %dma_wait3A_566 = tpu.memref_slice %arg20[%arg1, %dma_wait3A_564, %dma_wait3A_565] : memref<16x256x128xf32, #tpu.memory_space<vmem_shared>> -> memref<1x256x128xf32, #tpu.memory_space<vmem_shared>>
      %dma_wait3A_567 = tpu.memref_squeeze %dma_wait3A_566 : memref<1x256x128xf32, #tpu.memory_space<vmem_shared>> -> memref<256x128xf32, #tpu.memory_space<vmem_shared>>
      %dma_wait3A_568 = arith.constant 144 : i32
      %dma_wait3A_569 = arith.constant 0 : i32
      %dma_wait3A_570 = tpu.memref_slice %dma_wait3A_567[%dma_wait3A_568, %dma_wait3A_569] : memref<256x128xf32, #tpu.memory_space<vmem_shared>> -> memref<16x128xf32, #tpu.memory_space<vmem_shared>>
      tpu.wait_dma2 semaphore(%run_scoped3A : memref<!tpu.dma_semaphore, #tpu.memory_space<semaphore_mem>>) src(%arg13 : memref<16x128xf32, #tpu.memory_space<vmem>>) dst(%dma_wait3A_570 : memref<16x128xf32, #tpu.memory_space<vmem_shared>>)
      tpu.yield
    }) : () -> ()
    "tpu.region"() ({
      %run_scoped3A = tpu.sem_alloc : memref<!tpu.dma_semaphore, #tpu.memory_space<semaphore_mem>>
      %dma_start3A = arith.constant 0 : i32
      %dma_start3A_545 = arith.constant 0 : i32
      %dma_start3A_546 = tpu.memref_slice %arg20[%arg1, %dma_start3A, %dma_start3A_545] : memref<16x256x128xf32, #tpu.memory_space<vmem_shared>> -> memref<1x256x128xf32, #tpu.memory_space<vmem_shared>>
      %dma_start3A_547 = tpu.memref_squeeze %dma_start3A_546 : memref<1x256x128xf32, #tpu.memory_space<vmem_shared>> -> memref<256x128xf32, #tpu.memory_space<vmem_shared>>
      %dma_start3A_548 = arith.constant 160 : i32
      %dma_start3A_549 = arith.constant 0 : i32
      %dma_start3A_550 = tpu.memref_slice %dma_start3A_547[%dma_start3A_548, %dma_start3A_549] : memref<256x128xf32, #tpu.memory_space<vmem_shared>> -> memref<16x128xf32, #tpu.memory_space<vmem_shared>>
      %dma_start3A_551 = arith.constant 0 : i32
      %dma_start3A_552 = arith.constant 0 : i32
      %dma_start3A_553 = tpu.memref_slice %arg20[%arg1, %dma_start3A_551, %dma_start3A_552] : memref<16x256x128xf32, #tpu.memory_space<vmem_shared>> -> memref<1x256x128xf32, #tpu.memory_space<vmem_shared>>
      %dma_start3A_554 = tpu.memref_squeeze %dma_start3A_553 : memref<1x256x128xf32, #tpu.memory_space<vmem_shared>> -> memref<256x128xf32, #tpu.memory_space<vmem_shared>>
      %dma_start3A_555 = arith.constant 160 : i32
      %dma_start3A_556 = arith.constant 0 : i32
      %dma_start3A_557 = tpu.memref_slice %dma_start3A_554[%dma_start3A_555, %dma_start3A_556] : memref<256x128xf32, #tpu.memory_space<vmem_shared>> -> memref<16x128xf32, #tpu.memory_space<vmem_shared>>
      tpu.enqueue_dma source(%arg13 : memref<16x128xf32, #tpu.memory_space<vmem>>) target(%dma_start3A_557 : memref<16x128xf32, #tpu.memory_space<vmem_shared>>) target_semaphore(%run_scoped3A : memref<!tpu.dma_semaphore, #tpu.memory_space<semaphore_mem>>)
      %dma_wait3A = arith.constant 0 : i32
      %dma_wait3A_558 = arith.constant 0 : i32
      %dma_wait3A_559 = tpu.memref_slice %arg20[%arg1, %dma_wait3A, %dma_wait3A_558] : memref<16x256x128xf32, #tpu.memory_space<vmem_shared>> -> memref<1x256x128xf32, #tpu.memory_space<vmem_shared>>
      %dma_wait3A_560 = tpu.memref_squeeze %dma_wait3A_559 : memref<1x256x128xf32, #tpu.memory_space<vmem_shared>> -> memref<256x128xf32, #tpu.memory_space<vmem_shared>>
      %dma_wait3A_561 = arith.constant 160 : i32
      %dma_wait3A_562 = arith.constant 0 : i32
      %dma_wait3A_563 = tpu.memref_slice %dma_wait3A_560[%dma_wait3A_561, %dma_wait3A_562] : memref<256x128xf32, #tpu.memory_space<vmem_shared>> -> memref<16x128xf32, #tpu.memory_space<vmem_shared>>
      %dma_wait3A_564 = arith.constant 0 : i32
      %dma_wait3A_565 = arith.constant 0 : i32
      %dma_wait3A_566 = tpu.memref_slice %arg20[%arg1, %dma_wait3A_564, %dma_wait3A_565] : memref<16x256x128xf32, #tpu.memory_space<vmem_shared>> -> memref<1x256x128xf32, #tpu.memory_space<vmem_shared>>
      %dma_wait3A_567 = tpu.memref_squeeze %dma_wait3A_566 : memref<1x256x128xf32, #tpu.memory_space<vmem_shared>> -> memref<256x128xf32, #tpu.memory_space<vmem_shared>>
      %dma_wait3A_568 = arith.constant 160 : i32
      %dma_wait3A_569 = arith.constant 0 : i32
      %dma_wait3A_570 = tpu.memref_slice %dma_wait3A_567[%dma_wait3A_568, %dma_wait3A_569] : memref<256x128xf32, #tpu.memory_space<vmem_shared>> -> memref<16x128xf32, #tpu.memory_space<vmem_shared>>
      tpu.wait_dma2 semaphore(%run_scoped3A : memref<!tpu.dma_semaphore, #tpu.memory_space<semaphore_mem>>) src(%arg13 : memref<16x128xf32, #tpu.memory_space<vmem>>) dst(%dma_wait3A_570 : memref<16x128xf32, #tpu.memory_space<vmem_shared>>)
      tpu.yield
    }) : () -> ()
    "tpu.region"() ({
      %run_scoped3A = tpu.sem_alloc : memref<!tpu.dma_semaphore, #tpu.memory_space<semaphore_mem>>
      %dma_start3A = arith.constant 0 : i32
      %dma_start3A_545 = arith.constant 0 : i32
      %dma_start3A_546 = tpu.memref_slice %arg20[%arg1, %dma_start3A, %dma_start3A_545] : memref<16x256x128xf32, #tpu.memory_space<vmem_shared>> -> memref<1x256x128xf32, #tpu.memory_space<vmem_shared>>
      %dma_start3A_547 = tpu.memref_squeeze %dma_start3A_546 : memref<1x256x128xf32, #tpu.memory_space<vmem_shared>> -> memref<256x128xf32, #tpu.memory_space<vmem_shared>>
      %dma_start3A_548 = arith.constant 176 : i32
      %dma_start3A_549 = arith.constant 0 : i32
      %dma_start3A_550 = tpu.memref_slice %dma_start3A_547[%dma_start3A_548, %dma_start3A_549] : memref<256x128xf32, #tpu.memory_space<vmem_shared>> -> memref<16x128xf32, #tpu.memory_space<vmem_shared>>
      %dma_start3A_551 = arith.constant 0 : i32
      %dma_start3A_552 = arith.constant 0 : i32
      %dma_start3A_553 = tpu.memref_slice %arg20[%arg1, %dma_start3A_551, %dma_start3A_552] : memref<16x256x128xf32, #tpu.memory_space<vmem_shared>> -> memref<1x256x128xf32, #tpu.memory_space<vmem_shared>>
      %dma_start3A_554 = tpu.memref_squeeze %dma_start3A_553 : memref<1x256x128xf32, #tpu.memory_space<vmem_shared>> -> memref<256x128xf32, #tpu.memory_space<vmem_shared>>
      %dma_start3A_555 = arith.constant 176 : i32
      %dma_start3A_556 = arith.constant 0 : i32
      %dma_start3A_557 = tpu.memref_slice %dma_start3A_554[%dma_start3A_555, %dma_start3A_556] : memref<256x128xf32, #tpu.memory_space<vmem_shared>> -> memref<16x128xf32, #tpu.memory_space<vmem_shared>>
      tpu.enqueue_dma source(%arg13 : memref<16x128xf32, #tpu.memory_space<vmem>>) target(%dma_start3A_557 : memref<16x128xf32, #tpu.memory_space<vmem_shared>>) target_semaphore(%run_scoped3A : memref<!tpu.dma_semaphore, #tpu.memory_space<semaphore_mem>>)
      %dma_wait3A = arith.constant 0 : i32
      %dma_wait3A_558 = arith.constant 0 : i32
      %dma_wait3A_559 = tpu.memref_slice %arg20[%arg1, %dma_wait3A, %dma_wait3A_558] : memref<16x256x128xf32, #tpu.memory_space<vmem_shared>> -> memref<1x256x128xf32, #tpu.memory_space<vmem_shared>>
      %dma_wait3A_560 = tpu.memref_squeeze %dma_wait3A_559 : memref<1x256x128xf32, #tpu.memory_space<vmem_shared>> -> memref<256x128xf32, #tpu.memory_space<vmem_shared>>
      %dma_wait3A_561 = arith.constant 176 : i32
      %dma_wait3A_562 = arith.constant 0 : i32
      %dma_wait3A_563 = tpu.memref_slice %dma_wait3A_560[%dma_wait3A_561, %dma_wait3A_562] : memref<256x128xf32, #tpu.memory_space<vmem_shared>> -> memref<16x128xf32, #tpu.memory_space<vmem_shared>>
      %dma_wait3A_564 = arith.constant 0 : i32
      %dma_wait3A_565 = arith.constant 0 : i32
      %dma_wait3A_566 = tpu.memref_slice %arg20[%arg1, %dma_wait3A_564, %dma_wait3A_565] : memref<16x256x128xf32, #tpu.memory_space<vmem_shared>> -> memref<1x256x128xf32, #tpu.memory_space<vmem_shared>>
      %dma_wait3A_567 = tpu.memref_squeeze %dma_wait3A_566 : memref<1x256x128xf32, #tpu.memory_space<vmem_shared>> -> memref<256x128xf32, #tpu.memory_space<vmem_shared>>
      %dma_wait3A_568 = arith.constant 176 : i32
      %dma_wait3A_569 = arith.constant 0 : i32
      %dma_wait3A_570 = tpu.memref_slice %dma_wait3A_567[%dma_wait3A_568, %dma_wait3A_569] : memref<256x128xf32, #tpu.memory_space<vmem_shared>> -> memref<16x128xf32, #tpu.memory_space<vmem_shared>>
      tpu.wait_dma2 semaphore(%run_scoped3A : memref<!tpu.dma_semaphore, #tpu.memory_space<semaphore_mem>>) src(%arg13 : memref<16x128xf32, #tpu.memory_space<vmem>>) dst(%dma_wait3A_570 : memref<16x128xf32, #tpu.memory_space<vmem_shared>>)
      tpu.yield
    }) : () -> ()
    "tpu.region"() ({
      %run_scoped3A = tpu.sem_alloc : memref<!tpu.dma_semaphore, #tpu.memory_space<semaphore_mem>>
      %dma_start3A = arith.constant 0 : i32
      %dma_start3A_545 = arith.constant 0 : i32
      %dma_start3A_546 = tpu.memref_slice %arg20[%arg1, %dma_start3A, %dma_start3A_545] : memref<16x256x128xf32, #tpu.memory_space<vmem_shared>> -> memref<1x256x128xf32, #tpu.memory_space<vmem_shared>>
      %dma_start3A_547 = tpu.memref_squeeze %dma_start3A_546 : memref<1x256x128xf32, #tpu.memory_space<vmem_shared>> -> memref<256x128xf32, #tpu.memory_space<vmem_shared>>
      %dma_start3A_548 = arith.constant 192 : i32
      %dma_start3A_549 = arith.constant 0 : i32
      %dma_start3A_550 = tpu.memref_slice %dma_start3A_547[%dma_start3A_548, %dma_start3A_549] : memref<256x128xf32, #tpu.memory_space<vmem_shared>> -> memref<16x128xf32, #tpu.memory_space<vmem_shared>>
      %dma_start3A_551 = arith.constant 0 : i32
      %dma_start3A_552 = arith.constant 0 : i32
      %dma_start3A_553 = tpu.memref_slice %arg20[%arg1, %dma_start3A_551, %dma_start3A_552] : memref<16x256x128xf32, #tpu.memory_space<vmem_shared>> -> memref<1x256x128xf32, #tpu.memory_space<vmem_shared>>
      %dma_start3A_554 = tpu.memref_squeeze %dma_start3A_553 : memref<1x256x128xf32, #tpu.memory_space<vmem_shared>> -> memref<256x128xf32, #tpu.memory_space<vmem_shared>>
      %dma_start3A_555 = arith.constant 192 : i32
      %dma_start3A_556 = arith.constant 0 : i32
      %dma_start3A_557 = tpu.memref_slice %dma_start3A_554[%dma_start3A_555, %dma_start3A_556] : memref<256x128xf32, #tpu.memory_space<vmem_shared>> -> memref<16x128xf32, #tpu.memory_space<vmem_shared>>
      tpu.enqueue_dma source(%arg13 : memref<16x128xf32, #tpu.memory_space<vmem>>) target(%dma_start3A_557 : memref<16x128xf32, #tpu.memory_space<vmem_shared>>) target_semaphore(%run_scoped3A : memref<!tpu.dma_semaphore, #tpu.memory_space<semaphore_mem>>)
      %dma_wait3A = arith.constant 0 : i32
      %dma_wait3A_558 = arith.constant 0 : i32
      %dma_wait3A_559 = tpu.memref_slice %arg20[%arg1, %dma_wait3A, %dma_wait3A_558] : memref<16x256x128xf32, #tpu.memory_space<vmem_shared>> -> memref<1x256x128xf32, #tpu.memory_space<vmem_shared>>
      %dma_wait3A_560 = tpu.memref_squeeze %dma_wait3A_559 : memref<1x256x128xf32, #tpu.memory_space<vmem_shared>> -> memref<256x128xf32, #tpu.memory_space<vmem_shared>>
      %dma_wait3A_561 = arith.constant 192 : i32
      %dma_wait3A_562 = arith.constant 0 : i32
      %dma_wait3A_563 = tpu.memref_slice %dma_wait3A_560[%dma_wait3A_561, %dma_wait3A_562] : memref<256x128xf32, #tpu.memory_space<vmem_shared>> -> memref<16x128xf32, #tpu.memory_space<vmem_shared>>
      %dma_wait3A_564 = arith.constant 0 : i32
      %dma_wait3A_565 = arith.constant 0 : i32
      %dma_wait3A_566 = tpu.memref_slice %arg20[%arg1, %dma_wait3A_564, %dma_wait3A_565] : memref<16x256x128xf32, #tpu.memory_space<vmem_shared>> -> memref<1x256x128xf32, #tpu.memory_space<vmem_shared>>
      %dma_wait3A_567 = tpu.memref_squeeze %dma_wait3A_566 : memref<1x256x128xf32, #tpu.memory_space<vmem_shared>> -> memref<256x128xf32, #tpu.memory_space<vmem_shared>>
      %dma_wait3A_568 = arith.constant 192 : i32
      %dma_wait3A_569 = arith.constant 0 : i32
      %dma_wait3A_570 = tpu.memref_slice %dma_wait3A_567[%dma_wait3A_568, %dma_wait3A_569] : memref<256x128xf32, #tpu.memory_space<vmem_shared>> -> memref<16x128xf32, #tpu.memory_space<vmem_shared>>
      tpu.wait_dma2 semaphore(%run_scoped3A : memref<!tpu.dma_semaphore, #tpu.memory_space<semaphore_mem>>) src(%arg13 : memref<16x128xf32, #tpu.memory_space<vmem>>) dst(%dma_wait3A_570 : memref<16x128xf32, #tpu.memory_space<vmem_shared>>)
      tpu.yield
    }) : () -> ()
    "tpu.region"() ({
      %run_scoped3A = tpu.sem_alloc : memref<!tpu.dma_semaphore, #tpu.memory_space<semaphore_mem>>
      %dma_start3A = arith.constant 0 : i32
      %dma_start3A_545 = arith.constant 0 : i32
      %dma_start3A_546 = tpu.memref_slice %arg20[%arg1, %dma_start3A, %dma_start3A_545] : memref<16x256x128xf32, #tpu.memory_space<vmem_shared>> -> memref<1x256x128xf32, #tpu.memory_space<vmem_shared>>
      %dma_start3A_547 = tpu.memref_squeeze %dma_start3A_546 : memref<1x256x128xf32, #tpu.memory_space<vmem_shared>> -> memref<256x128xf32, #tpu.memory_space<vmem_shared>>
      %dma_start3A_548 = arith.constant 208 : i32
      %dma_start3A_549 = arith.constant 0 : i32
      %dma_start3A_550 = tpu.memref_slice %dma_start3A_547[%dma_start3A_548, %dma_start3A_549] : memref<256x128xf32, #tpu.memory_space<vmem_shared>> -> memref<16x128xf32, #tpu.memory_space<vmem_shared>>
      %dma_start3A_551 = arith.constant 0 : i32
      %dma_start3A_552 = arith.constant 0 : i32
      %dma_start3A_553 = tpu.memref_slice %arg20[%arg1, %dma_start3A_551, %dma_start3A_552] : memref<16x256x128xf32, #tpu.memory_space<vmem_shared>> -> memref<1x256x128xf32, #tpu.memory_space<vmem_shared>>
      %dma_start3A_554 = tpu.memref_squeeze %dma_start3A_553 : memref<1x256x128xf32, #tpu.memory_space<vmem_shared>> -> memref<256x128xf32, #tpu.memory_space<vmem_shared>>
      %dma_start3A_555 = arith.constant 208 : i32
      %dma_start3A_556 = arith.constant 0 : i32
      %dma_start3A_557 = tpu.memref_slice %dma_start3A_554[%dma_start3A_555, %dma_start3A_556] : memref<256x128xf32, #tpu.memory_space<vmem_shared>> -> memref<16x128xf32, #tpu.memory_space<vmem_shared>>
      tpu.enqueue_dma source(%arg13 : memref<16x128xf32, #tpu.memory_space<vmem>>) target(%dma_start3A_557 : memref<16x128xf32, #tpu.memory_space<vmem_shared>>) target_semaphore(%run_scoped3A : memref<!tpu.dma_semaphore, #tpu.memory_space<semaphore_mem>>)
      %dma_wait3A = arith.constant 0 : i32
      %dma_wait3A_558 = arith.constant 0 : i32
      %dma_wait3A_559 = tpu.memref_slice %arg20[%arg1, %dma_wait3A, %dma_wait3A_558] : memref<16x256x128xf32, #tpu.memory_space<vmem_shared>> -> memref<1x256x128xf32, #tpu.memory_space<vmem_shared>>
      %dma_wait3A_560 = tpu.memref_squeeze %dma_wait3A_559 : memref<1x256x128xf32, #tpu.memory_space<vmem_shared>> -> memref<256x128xf32, #tpu.memory_space<vmem_shared>>
      %dma_wait3A_561 = arith.constant 208 : i32
      %dma_wait3A_562 = arith.constant 0 : i32
      %dma_wait3A_563 = tpu.memref_slice %dma_wait3A_560[%dma_wait3A_561, %dma_wait3A_562] : memref<256x128xf32, #tpu.memory_space<vmem_shared>> -> memref<16x128xf32, #tpu.memory_space<vmem_shared>>
      %dma_wait3A_564 = arith.constant 0 : i32
      %dma_wait3A_565 = arith.constant 0 : i32
      %dma_wait3A_566 = tpu.memref_slice %arg20[%arg1, %dma_wait3A_564, %dma_wait3A_565] : memref<16x256x128xf32, #tpu.memory_space<vmem_shared>> -> memref<1x256x128xf32, #tpu.memory_space<vmem_shared>>
      %dma_wait3A_567 = tpu.memref_squeeze %dma_wait3A_566 : memref<1x256x128xf32, #tpu.memory_space<vmem_shared>> -> memref<256x128xf32, #tpu.memory_space<vmem_shared>>
      %dma_wait3A_568 = arith.constant 208 : i32
      %dma_wait3A_569 = arith.constant 0 : i32
      %dma_wait3A_570 = tpu.memref_slice %dma_wait3A_567[%dma_wait3A_568, %dma_wait3A_569] : memref<256x128xf32, #tpu.memory_space<vmem_shared>> -> memref<16x128xf32, #tpu.memory_space<vmem_shared>>
      tpu.wait_dma2 semaphore(%run_scoped3A : memref<!tpu.dma_semaphore, #tpu.memory_space<semaphore_mem>>) src(%arg13 : memref<16x128xf32, #tpu.memory_space<vmem>>) dst(%dma_wait3A_570 : memref<16x128xf32, #tpu.memory_space<vmem_shared>>)
      tpu.yield
    }) : () -> ()
    "tpu.region"() ({
      %run_scoped3A = tpu.sem_alloc : memref<!tpu.dma_semaphore, #tpu.memory_space<semaphore_mem>>
      %dma_start3A = arith.constant 0 : i32
      %dma_start3A_545 = arith.constant 0 : i32
      %dma_start3A_546 = tpu.memref_slice %arg20[%arg1, %dma_start3A, %dma_start3A_545] : memref<16x256x128xf32, #tpu.memory_space<vmem_shared>> -> memref<1x256x128xf32, #tpu.memory_space<vmem_shared>>
      %dma_start3A_547 = tpu.memref_squeeze %dma_start3A_546 : memref<1x256x128xf32, #tpu.memory_space<vmem_shared>> -> memref<256x128xf32, #tpu.memory_space<vmem_shared>>
      %dma_start3A_548 = arith.constant 224 : i32
      %dma_start3A_549 = arith.constant 0 : i32
      %dma_start3A_550 = tpu.memref_slice %dma_start3A_547[%dma_start3A_548, %dma_start3A_549] : memref<256x128xf32, #tpu.memory_space<vmem_shared>> -> memref<16x128xf32, #tpu.memory_space<vmem_shared>>
      %dma_start3A_551 = arith.constant 0 : i32
      %dma_start3A_552 = arith.constant 0 : i32
      %dma_start3A_553 = tpu.memref_slice %arg20[%arg1, %dma_start3A_551, %dma_start3A_552] : memref<16x256x128xf32, #tpu.memory_space<vmem_shared>> -> memref<1x256x128xf32, #tpu.memory_space<vmem_shared>>
      %dma_start3A_554 = tpu.memref_squeeze %dma_start3A_553 : memref<1x256x128xf32, #tpu.memory_space<vmem_shared>> -> memref<256x128xf32, #tpu.memory_space<vmem_shared>>
      %dma_start3A_555 = arith.constant 224 : i32
      %dma_start3A_556 = arith.constant 0 : i32
      %dma_start3A_557 = tpu.memref_slice %dma_start3A_554[%dma_start3A_555, %dma_start3A_556] : memref<256x128xf32, #tpu.memory_space<vmem_shared>> -> memref<16x128xf32, #tpu.memory_space<vmem_shared>>
      tpu.enqueue_dma source(%arg13 : memref<16x128xf32, #tpu.memory_space<vmem>>) target(%dma_start3A_557 : memref<16x128xf32, #tpu.memory_space<vmem_shared>>) target_semaphore(%run_scoped3A : memref<!tpu.dma_semaphore, #tpu.memory_space<semaphore_mem>>)
      %dma_wait3A = arith.constant 0 : i32
      %dma_wait3A_558 = arith.constant 0 : i32
      %dma_wait3A_559 = tpu.memref_slice %arg20[%arg1, %dma_wait3A, %dma_wait3A_558] : memref<16x256x128xf32, #tpu.memory_space<vmem_shared>> -> memref<1x256x128xf32, #tpu.memory_space<vmem_shared>>
      %dma_wait3A_560 = tpu.memref_squeeze %dma_wait3A_559 : memref<1x256x128xf32, #tpu.memory_space<vmem_shared>> -> memref<256x128xf32, #tpu.memory_space<vmem_shared>>
      %dma_wait3A_561 = arith.constant 224 : i32
      %dma_wait3A_562 = arith.constant 0 : i32
      %dma_wait3A_563 = tpu.memref_slice %dma_wait3A_560[%dma_wait3A_561, %dma_wait3A_562] : memref<256x128xf32, #tpu.memory_space<vmem_shared>> -> memref<16x128xf32, #tpu.memory_space<vmem_shared>>
      %dma_wait3A_564 = arith.constant 0 : i32
      %dma_wait3A_565 = arith.constant 0 : i32
      %dma_wait3A_566 = tpu.memref_slice %arg20[%arg1, %dma_wait3A_564, %dma_wait3A_565] : memref<16x256x128xf32, #tpu.memory_space<vmem_shared>> -> memref<1x256x128xf32, #tpu.memory_space<vmem_shared>>
      %dma_wait3A_567 = tpu.memref_squeeze %dma_wait3A_566 : memref<1x256x128xf32, #tpu.memory_space<vmem_shared>> -> memref<256x128xf32, #tpu.memory_space<vmem_shared>>
      %dma_wait3A_568 = arith.constant 224 : i32
      %dma_wait3A_569 = arith.constant 0 : i32
      %dma_wait3A_570 = tpu.memref_slice %dma_wait3A_567[%dma_wait3A_568, %dma_wait3A_569] : memref<256x128xf32, #tpu.memory_space<vmem_shared>> -> memref<16x128xf32, #tpu.memory_space<vmem_shared>>
      tpu.wait_dma2 semaphore(%run_scoped3A : memref<!tpu.dma_semaphore, #tpu.memory_space<semaphore_mem>>) src(%arg13 : memref<16x128xf32, #tpu.memory_space<vmem>>) dst(%dma_wait3A_570 : memref<16x128xf32, #tpu.memory_space<vmem_shared>>)
      tpu.yield
    }) : () -> ()
    "tpu.region"() ({
      %run_scoped3A = tpu.sem_alloc : memref<!tpu.dma_semaphore, #tpu.memory_space<semaphore_mem>>
      %dma_start3A = arith.constant 0 : i32
      %dma_start3A_545 = arith.constant 0 : i32
      %dma_start3A_546 = tpu.memref_slice %arg20[%arg1, %dma_start3A, %dma_start3A_545] : memref<16x256x128xf32, #tpu.memory_space<vmem_shared>> -> memref<1x256x128xf32, #tpu.memory_space<vmem_shared>>
      %dma_start3A_547 = tpu.memref_squeeze %dma_start3A_546 : memref<1x256x128xf32, #tpu.memory_space<vmem_shared>> -> memref<256x128xf32, #tpu.memory_space<vmem_shared>>
      %dma_start3A_548 = arith.constant 240 : i32
      %dma_start3A_549 = arith.constant 0 : i32
      %dma_start3A_550 = tpu.memref_slice %dma_start3A_547[%dma_start3A_548, %dma_start3A_549] : memref<256x128xf32, #tpu.memory_space<vmem_shared>> -> memref<16x128xf32, #tpu.memory_space<vmem_shared>>
      %dma_start3A_551 = arith.constant 0 : i32
      %dma_start3A_552 = arith.constant 0 : i32
      %dma_start3A_553 = tpu.memref_slice %arg20[%arg1, %dma_start3A_551, %dma_start3A_552] : memref<16x256x128xf32, #tpu.memory_space<vmem_shared>> -> memref<1x256x128xf32, #tpu.memory_space<vmem_shared>>
      %dma_start3A_554 = tpu.memref_squeeze %dma_start3A_553 : memref<1x256x128xf32, #tpu.memory_space<vmem_shared>> -> memref<256x128xf32, #tpu.memory_space<vmem_shared>>
      %dma_start3A_555 = arith.constant 240 : i32
      %dma_start3A_556 = arith.constant 0 : i32
      %dma_start3A_557 = tpu.memref_slice %dma_start3A_554[%dma_start3A_555, %dma_start3A_556] : memref<256x128xf32, #tpu.memory_space<vmem_shared>> -> memref<16x128xf32, #tpu.memory_space<vmem_shared>>
      tpu.enqueue_dma source(%arg13 : memref<16x128xf32, #tpu.memory_space<vmem>>) target(%dma_start3A_557 : memref<16x128xf32, #tpu.memory_space<vmem_shared>>) target_semaphore(%run_scoped3A : memref<!tpu.dma_semaphore, #tpu.memory_space<semaphore_mem>>)
      %dma_wait3A = arith.constant 0 : i32
      %dma_wait3A_558 = arith.constant 0 : i32
      %dma_wait3A_559 = tpu.memref_slice %arg20[%arg1, %dma_wait3A, %dma_wait3A_558] : memref<16x256x128xf32, #tpu.memory_space<vmem_shared>> -> memref<1x256x128xf32, #tpu.memory_space<vmem_shared>>
      %dma_wait3A_560 = tpu.memref_squeeze %dma_wait3A_559 : memref<1x256x128xf32, #tpu.memory_space<vmem_shared>> -> memref<256x128xf32, #tpu.memory_space<vmem_shared>>
      %dma_wait3A_561 = arith.constant 240 : i32
      %dma_wait3A_562 = arith.constant 0 : i32
      %dma_wait3A_563 = tpu.memref_slice %dma_wait3A_560[%dma_wait3A_561, %dma_wait3A_562] : memref<256x128xf32, #tpu.memory_space<vmem_shared>> -> memref<16x128xf32, #tpu.memory_space<vmem_shared>>
      %dma_wait3A_564 = arith.constant 0 : i32
      %dma_wait3A_565 = arith.constant 0 : i32
      %dma_wait3A_566 = tpu.memref_slice %arg20[%arg1, %dma_wait3A_564, %dma_wait3A_565] : memref<16x256x128xf32, #tpu.memory_space<vmem_shared>> -> memref<1x256x128xf32, #tpu.memory_space<vmem_shared>>
      %dma_wait3A_567 = tpu.memref_squeeze %dma_wait3A_566 : memref<1x256x128xf32, #tpu.memory_space<vmem_shared>> -> memref<256x128xf32, #tpu.memory_space<vmem_shared>>
      %dma_wait3A_568 = arith.constant 240 : i32
      %dma_wait3A_569 = arith.constant 0 : i32
      %dma_wait3A_570 = tpu.memref_slice %dma_wait3A_567[%dma_wait3A_568, %dma_wait3A_569] : memref<256x128xf32, #tpu.memory_space<vmem_shared>> -> memref<16x128xf32, #tpu.memory_space<vmem_shared>>
      tpu.wait_dma2 semaphore(%run_scoped3A : memref<!tpu.dma_semaphore, #tpu.memory_space<semaphore_mem>>) src(%arg13 : memref<16x128xf32, #tpu.memory_space<vmem>>) dst(%dma_wait3A_570 : memref<16x128xf32, #tpu.memory_space<vmem_shared>>)
      tpu.yield
    }) : () -> ()
    %add3A_520 = arith.constant 0 : i32
    %add3A_521 = arith.addi %add3A, %add3A_520 : i32
    %lt3A = arith.constant 350 : i32
    %lt3A_522 = arith.cmpi slt, %add3A_521, %lt3A : i32
    %convert_element_type3A = arith.extui %lt3A_522 : i1 to i32
    %cond3A = arith.constant 0 : i32
    %cond3A_523 = arith.cmpi ne, %convert_element_type3A, %cond3A : i32
    scf.if %cond3A_523 {
      %mul3A_545 = arith.constant 160 : i32
      %mul3A_546 = arith.muli %add3A_521, %mul3A_545 : i32
      %dma_start3A = arith.constant 0 : i32
      %dma_start3A_547 = tpu.memref_slice %arg2[%mul3A_546, %dma_start3A] : memref<100000x128xf32, #tpu.memory_space<hbm>> -> memref<160x128xf32, #tpu.memory_space<hbm>>
      %dma_start3A_548 = arith.constant 0 : i32
      %dma_start3A_549 = tpu.memref_slice %arg2[%mul3A_546, %dma_start3A_548] : memref<100000x128xf32, #tpu.memory_space<hbm>> -> memref<160x128xf32, #tpu.memory_space<hbm>>
      tpu.enqueue_dma source(%dma_start3A_549 : memref<160x128xf32, #tpu.memory_space<hbm>>) target(%arg6 : memref<160x128xf32, #tpu.memory_space<vmem>>) target_semaphore(%arg14 : memref<!tpu.dma_semaphore, #tpu.memory_space<semaphore_mem>>)
      %mul3A_550 = arith.constant 2 : i32
      %mul3A_551 = arith.muli %mul3A_550, %add3A_521 : i32
      %dma_start3A_552 = arith.constant 0 : i32
      %dma_start3A_553 = tpu.memref_slice %arg3[%mul3A_551, %dma_start3A_552] : memref<700x80xi32, #tpu.memory_space<hbm>> -> memref<2x80xi32, #tpu.memory_space<hbm>>
      %dma_start3A_554 = arith.constant 0 : i32
      %dma_start3A_555 = tpu.memref_slice %arg3[%mul3A_551, %dma_start3A_554] : memref<700x80xi32, #tpu.memory_space<hbm>> -> memref<2x80xi32, #tpu.memory_space<hbm>>
      tpu.enqueue_dma source(%dma_start3A_555 : memref<2x80xi32, #tpu.memory_space<hbm>>) target(%arg9 : memref<2x80xi32, #tpu.memory_space<vmem>>) target_semaphore(%arg14 : memref<!tpu.dma_semaphore, #tpu.memory_space<semaphore_mem>>)
    } else {
    }
    %add3A_524 = arith.constant 32 : i32
    %add3A_525 = arith.addi %add3A, %add3A_524 : i32
    %lt3A_526 = arith.constant 350 : i32
    %lt3A_527 = arith.cmpi slt, %add3A_525, %lt3A_526 : i32
    %convert_element_type3A_528 = arith.extui %lt3A_527 : i1 to i32
    %cond3A_529 = arith.constant 0 : i32
    %cond3A_530 = arith.cmpi ne, %convert_element_type3A_528, %cond3A_529 : i32
    scf.if %cond3A_530 {
      %mul3A_545 = arith.constant 160 : i32
      %mul3A_546 = arith.muli %add3A_525, %mul3A_545 : i32
      %dma_start3A = arith.constant 0 : i32
      %dma_start3A_547 = tpu.memref_slice %arg2[%mul3A_546, %dma_start3A] : memref<100000x128xf32, #tpu.memory_space<hbm>> -> memref<160x128xf32, #tpu.memory_space<hbm>>
      %dma_start3A_548 = arith.constant 0 : i32
      %dma_start3A_549 = tpu.memref_slice %arg2[%mul3A_546, %dma_start3A_548] : memref<100000x128xf32, #tpu.memory_space<hbm>> -> memref<160x128xf32, #tpu.memory_space<hbm>>
      tpu.enqueue_dma source(%dma_start3A_549 : memref<160x128xf32, #tpu.memory_space<hbm>>) target(%arg7 : memref<160x128xf32, #tpu.memory_space<vmem>>) target_semaphore(%arg15 : memref<!tpu.dma_semaphore, #tpu.memory_space<semaphore_mem>>)
      %mul3A_550 = arith.constant 2 : i32
      %mul3A_551 = arith.muli %mul3A_550, %add3A_525 : i32
      %dma_start3A_552 = arith.constant 0 : i32
      %dma_start3A_553 = tpu.memref_slice %arg3[%mul3A_551, %dma_start3A_552] : memref<700x80xi32, #tpu.memory_space<hbm>> -> memref<2x80xi32, #tpu.memory_space<hbm>>
      %dma_start3A_554 = arith.constant 0 : i32
      %dma_start3A_555 = tpu.memref_slice %arg3[%mul3A_551, %dma_start3A_554] : memref<700x80xi32, #tpu.memory_space<hbm>> -> memref<2x80xi32, #tpu.memory_space<hbm>>
      tpu.enqueue_dma source(%dma_start3A_555 : memref<2x80xi32, #tpu.memory_space<hbm>>) target(%arg10 : memref<2x80xi32, #tpu.memory_space<vmem>>) target_semaphore(%arg15 : memref<!tpu.dma_semaphore, #tpu.memory_space<semaphore_mem>>)
    } else {
    }
    %scan3A_531 = arith.constant 0 : i32
    %scan3A_532 = arith.constant 0 : i32
    %scan3A_533 = arith.constant 4 : i32
    %scan3A_534 = arith.addi %scan3A_532, %scan3A_533 : i32
    %scan3A_535 = arith.constant 1 : i32
    scf.for %scan3A_545 = %scan3A_532 to %scan3A_534 step %scan3A_535  : i32 {
      %mul3A_546 = arith.constant 3 : i32
      %mul3A_547 = arith.muli %scan3A_545, %mul3A_546 : i32
      %add3A_548 = arith.constant 0 : i32
      %add3A_549 = arith.addi %mul3A_547, %add3A_548 : i32
      %mul3A_550 = arith.constant 32 : i32
      %mul3A_551 = arith.muli %mul3A_550, %add3A_549 : i32
      %add3A_552 = arith.addi %add3A, %mul3A_551 : i32
      %lt3A_553 = arith.constant 350 : i32
      %lt3A_554 = arith.cmpi slt, %add3A_552, %lt3A_553 : i32
      %convert_element_type3A_555 = arith.extui %lt3A_554 : i1 to i32
      %cond3A_556 = arith.constant 0 : i32
      %cond3A_557 = arith.cmpi ne, %convert_element_type3A_555, %cond3A_556 : i32
      scf.if %cond3A_557 {
        %mul3A_699 = arith.constant 160 : i32
        %mul3A_700 = arith.muli %add3A_552, %mul3A_699 : i32
        %dma_wait3A = arith.constant 0 : i32
        %dma_wait3A_701 = tpu.memref_slice %arg2[%mul3A_700, %dma_wait3A] : memref<100000x128xf32, #tpu.memory_space<hbm>> -> memref<160x128xf32, #tpu.memory_space<hbm>>
        %dma_wait3A_702 = arith.constant 0 : i32
        %dma_wait3A_703 = tpu.memref_slice %arg2[%mul3A_700, %dma_wait3A_702] : memref<100000x128xf32, #tpu.memory_space<hbm>> -> memref<160x128xf32, #tpu.memory_space<hbm>>
        tpu.wait_dma2 semaphore(%arg14 : memref<!tpu.dma_semaphore, #tpu.memory_space<semaphore_mem>>) src(%dma_wait3A_703 : memref<160x128xf32, #tpu.memory_space<hbm>>) dst(%arg6 : memref<160x128xf32, #tpu.memory_space<vmem>>)
        %mul3A_704 = arith.constant 2 : i32
        %mul3A_705 = arith.muli %mul3A_704, %add3A_552 : i32
        %dma_wait3A_706 = arith.constant 0 : i32
        %dma_wait3A_707 = tpu.memref_slice %arg3[%mul3A_705, %dma_wait3A_706] : memref<700x80xi32, #tpu.memory_space<hbm>> -> memref<2x80xi32, #tpu.memory_space<hbm>>
        %dma_wait3A_708 = arith.constant 0 : i32
        %dma_wait3A_709 = tpu.memref_slice %arg3[%mul3A_705, %dma_wait3A_708] : memref<700x80xi32, #tpu.memory_space<hbm>> -> memref<2x80xi32, #tpu.memory_space<hbm>>
        tpu.wait_dma2 semaphore(%arg14 : memref<!tpu.dma_semaphore, #tpu.memory_space<semaphore_mem>>) src(%dma_wait3A_709 : memref<2x80xi32, #tpu.memory_space<hbm>>) dst(%arg9 : memref<2x80xi32, #tpu.memory_space<vmem>>)
      } else {
      }
      %mul3A_558 = arith.constant 32 : i32
      %mul3A_559 = arith.muli %mul3A_558, %add3A_549 : i32
      %add3A_560 = arith.addi %add3A, %mul3A_559 : i32
      %lt3A_561 = arith.constant 350 : i32
      %lt3A_562 = arith.cmpi slt, %add3A_560, %lt3A_561 : i32
      %convert_element_type3A_563 = arith.extui %lt3A_562 : i1 to i32
      %cond3A_564 = arith.constant 0 : i32
      %cond3A_565 = arith.cmpi ne, %convert_element_type3A_563, %cond3A_564 : i32
      scf.if %cond3A_565 {
        %dma_start3A = arith.constant 0 : i32
        %dma_start3A_699 = arith.constant 0 : i32
        %dma_start3A_700 = arith.constant 0 : i32
        %dma_start3A_701 = tpu.memref_slice %arg6[%dma_start3A_699, %dma_start3A_700] : memref<160x128xf32, #tpu.memory_space<vmem>> -> memref<80x128xf32, #tpu.memory_space<vmem>>
        %dma_start3A_702 = arith.constant 0 : i32
        %dma_start3A_703 = tpu.memref_slice %arg9[%dma_start3A, %dma_start3A_702] : memref<2x80xi32, #tpu.memory_space<vmem>> -> memref<1x80xi32, #tpu.memory_space<vmem>>
        %dma_start3A_704 = tpu.memref_squeeze %dma_start3A_703 : memref<1x80xi32, #tpu.memory_space<vmem>> -> memref<80xi32, #tpu.memory_space<vmem>>
        %dma_start3A_705 = arith.constant 0 : i32
        %dma_start3A_706 = arith.constant 0 : i32
        %dma_start3A_707 = tpu.memref_slice %arg20[%arg1, %dma_start3A_705, %dma_start3A_706] : memref<16x256x128xf32, #tpu.memory_space<vmem_shared>> -> memref<1x256x128xf32, #tpu.memory_space<vmem_shared>>
        %dma_start3A_708 = tpu.memref_squeeze %dma_start3A_707 : memref<1x256x128xf32, #tpu.memory_space<vmem_shared>> -> memref<256x128xf32, #tpu.memory_space<vmem_shared>>
        %dma_start3A_709 = arith.constant 0 : i32
        %dma_start3A_710 = arith.constant 0 : i32
        %dma_start3A_711 = tpu.memref_slice %dma_start3A_708[%dma_start3A_709, %dma_start3A_710] : memref<256x128xf32, #tpu.memory_space<vmem_shared>> -> memref<256x128xf32, #tpu.memory_space<vmem_shared>>
        tpu.enqueue_indirect_dma source(%dma_start3A_701 : memref<80x128xf32, #tpu.memory_space<vmem>>) target(%dma_start3A_711 : memref<256x128xf32, #tpu.memory_space<vmem_shared>>) offsets(%dma_start3A_704 : memref<80xi32, #tpu.memory_space<vmem>>) semaphore(%arg17 : memref<!tpu.dma_semaphore, #tpu.memory_space<semaphore_mem>>) {add = true}
        %dma_start3A_712 = arith.constant 1 : i32
        %dma_start3A_713 = arith.constant 80 : i32
        %dma_start3A_714 = arith.constant 0 : i32
        %dma_start3A_715 = tpu.memref_slice %arg6[%dma_start3A_713, %dma_start3A_714] : memref<160x128xf32, #tpu.memory_space<vmem>> -> memref<80x128xf32, #tpu.memory_space<vmem>>
        %dma_start3A_716 = arith.constant 0 : i32
        %dma_start3A_717 = tpu.memref_slice %arg9[%dma_start3A_712, %dma_start3A_716] : memref<2x80xi32, #tpu.memory_space<vmem>> -> memref<1x80xi32, #tpu.memory_space<vmem>>
        %dma_start3A_718 = tpu.memref_squeeze %dma_start3A_717 : memref<1x80xi32, #tpu.memory_space<vmem>> -> memref<80xi32, #tpu.memory_space<vmem>>
        %dma_start3A_719 = arith.constant 0 : i32
        %dma_start3A_720 = arith.constant 0 : i32
        %dma_start3A_721 = tpu.memref_slice %arg20[%arg1, %dma_start3A_719, %dma_start3A_720] : memref<16x256x128xf32, #tpu.memory_space<vmem_shared>> -> memref<1x256x128xf32, #tpu.memory_space<vmem_shared>>
        %dma_start3A_722 = tpu.memref_squeeze %dma_start3A_721 : memref<1x256x128xf32, #tpu.memory_space<vmem_shared>> -> memref<256x128xf32, #tpu.memory_space<vmem_shared>>
        %dma_start3A_723 = arith.constant 0 : i32
        %dma_start3A_724 = arith.constant 0 : i32
        %dma_start3A_725 = tpu.memref_slice %dma_start3A_722[%dma_start3A_723, %dma_start3A_724] : memref<256x128xf32, #tpu.memory_space<vmem_shared>> -> memref<256x128xf32, #tpu.memory_space<vmem_shared>>
        tpu.enqueue_indirect_dma source(%dma_start3A_715 : memref<80x128xf32, #tpu.memory_space<vmem>>) target(%dma_start3A_725 : memref<256x128xf32, #tpu.memory_space<vmem_shared>>) offsets(%dma_start3A_718 : memref<80xi32, #tpu.memory_space<vmem>>) semaphore(%arg17 : memref<!tpu.dma_semaphore, #tpu.memory_space<semaphore_mem>>) {add = true}
      } else {
      }
      %sub3A = arith.constant 1 : i32
      %sub3A_566 = arith.subi %add3A_549, %sub3A : i32
      %mul3A_567 = arith.constant 32 : i32
      %mul3A_568 = arith.muli %mul3A_567, %sub3A_566 : i32
      %add3A_569 = arith.addi %add3A, %mul3A_568 : i32
      %ge3A = arith.constant 0 : i32
      %ge3A_570 = arith.cmpi sge, %sub3A_566, %ge3A : i32
      %lt3A_571 = arith.constant 350 : i32
      %lt3A_572 = arith.cmpi slt, %add3A_569, %lt3A_571 : i32
      %and3A_573 = arith.andi %ge3A_570, %lt3A_572 : i1
      %convert_element_type3A_574 = arith.extui %and3A_573 : i1 to i32
      %cond3A_575 = arith.constant 0 : i32
      %cond3A_576 = arith.cmpi ne, %convert_element_type3A_574, %cond3A_575 : i32
      scf.if %cond3A_576 {
        %dma_wait3A = arith.constant 0 : i32
        %dma_wait3A_699 = arith.constant 0 : i32
        %dma_wait3A_700 = arith.constant 0 : i32
        %dma_wait3A_701 = tpu.memref_slice %arg8[%dma_wait3A_699, %dma_wait3A_700] : memref<160x128xf32, #tpu.memory_space<vmem>> -> memref<80x128xf32, #tpu.memory_space<vmem>>
        %dma_wait3A_702 = arith.constant 0 : i32
        %dma_wait3A_703 = tpu.memref_slice %arg11[%dma_wait3A, %dma_wait3A_702] : memref<2x80xi32, #tpu.memory_space<vmem>> -> memref<1x80xi32, #tpu.memory_space<vmem>>
        %dma_wait3A_704 = tpu.memref_squeeze %dma_wait3A_703 : memref<1x80xi32, #tpu.memory_space<vmem>> -> memref<80xi32, #tpu.memory_space<vmem>>
        %dma_wait3A_705 = arith.constant 0 : i32
        %dma_wait3A_706 = arith.constant 0 : i32
        %dma_wait3A_707 = tpu.memref_slice %arg20[%arg1, %dma_wait3A_705, %dma_wait3A_706] : memref<16x256x128xf32, #tpu.memory_space<vmem_shared>> -> memref<1x256x128xf32, #tpu.memory_space<vmem_shared>>
        %dma_wait3A_708 = tpu.memref_squeeze %dma_wait3A_707 : memref<1x256x128xf32, #tpu.memory_space<vmem_shared>> -> memref<256x128xf32, #tpu.memory_space<vmem_shared>>
        %dma_wait3A_709 = arith.constant 0 : i32
        %dma_wait3A_710 = arith.constant 0 : i32
        %dma_wait3A_711 = tpu.memref_slice %dma_wait3A_708[%dma_wait3A_709, %dma_wait3A_710] : memref<256x128xf32, #tpu.memory_space<vmem_shared>> -> memref<256x128xf32, #tpu.memory_space<vmem_shared>>
        tpu.wait_indirect_dma semaphore(%arg19 : memref<!tpu.dma_semaphore, #tpu.memory_space<semaphore_mem>>) src(%dma_wait3A_701 : memref<80x128xf32, #tpu.memory_space<vmem>>) dst(%dma_wait3A_711 : memref<256x128xf32, #tpu.memory_space<vmem_shared>>)
        %dma_wait3A_712 = arith.constant 1 : i32
        %dma_wait3A_713 = arith.constant 80 : i32
        %dma_wait3A_714 = arith.constant 0 : i32
        %dma_wait3A_715 = tpu.memref_slice %arg8[%dma_wait3A_713, %dma_wait3A_714] : memref<160x128xf32, #tpu.memory_space<vmem>> -> memref<80x128xf32, #tpu.memory_space<vmem>>
        %dma_wait3A_716 = arith.constant 0 : i32
        %dma_wait3A_717 = tpu.memref_slice %arg11[%dma_wait3A_712, %dma_wait3A_716] : memref<2x80xi32, #tpu.memory_space<vmem>> -> memref<1x80xi32, #tpu.memory_space<vmem>>
        %dma_wait3A_718 = tpu.memref_squeeze %dma_wait3A_717 : memref<1x80xi32, #tpu.memory_space<vmem>> -> memref<80xi32, #tpu.memory_space<vmem>>
        %dma_wait3A_719 = arith.constant 0 : i32
        %dma_wait3A_720 = arith.constant 0 : i32
        %dma_wait3A_721 = tpu.memref_slice %arg20[%arg1, %dma_wait3A_719, %dma_wait3A_720] : memref<16x256x128xf32, #tpu.memory_space<vmem_shared>> -> memref<1x256x128xf32, #tpu.memory_space<vmem_shared>>
        %dma_wait3A_722 = tpu.memref_squeeze %dma_wait3A_721 : memref<1x256x128xf32, #tpu.memory_space<vmem_shared>> -> memref<256x128xf32, #tpu.memory_space<vmem_shared>>
        %dma_wait3A_723 = arith.constant 0 : i32
        %dma_wait3A_724 = arith.constant 0 : i32
        %dma_wait3A_725 = tpu.memref_slice %dma_wait3A_722[%dma_wait3A_723, %dma_wait3A_724] : memref<256x128xf32, #tpu.memory_space<vmem_shared>> -> memref<256x128xf32, #tpu.memory_space<vmem_shared>>
        tpu.wait_indirect_dma semaphore(%arg19 : memref<!tpu.dma_semaphore, #tpu.memory_space<semaphore_mem>>) src(%dma_wait3A_715 : memref<80x128xf32, #tpu.memory_space<vmem>>) dst(%dma_wait3A_725 : memref<256x128xf32, #tpu.memory_space<vmem_shared>>)
      } else {
      }
      %add3A_577 = arith.constant 3 : i32
      %add3A_578 = arith.addi %add3A_549, %add3A_577 : i32
      %sub3A_579 = arith.constant 1 : i32
      %sub3A_580 = arith.subi %add3A_578, %sub3A_579 : i32
      %mul3A_581 = arith.constant 32 : i32
      %mul3A_582 = arith.muli %mul3A_581, %sub3A_580 : i32
      %add3A_583 = arith.addi %add3A, %mul3A_582 : i32
      %lt3A_584 = arith.constant 350 : i32
      %lt3A_585 = arith.cmpi slt, %add3A_583, %lt3A_584 : i32
      %convert_element_type3A_586 = arith.extui %lt3A_585 : i1 to i32
      %cond3A_587 = arith.constant 0 : i32
      %cond3A_588 = arith.cmpi ne, %convert_element_type3A_586, %cond3A_587 : i32
      scf.if %cond3A_588 {
        %mul3A_699 = arith.constant 160 : i32
        %mul3A_700 = arith.muli %add3A_583, %mul3A_699 : i32
        %dma_start3A = arith.constant 0 : i32
        %dma_start3A_701 = tpu.memref_slice %arg2[%mul3A_700, %dma_start3A] : memref<100000x128xf32, #tpu.memory_space<hbm>> -> memref<160x128xf32, #tpu.memory_space<hbm>>
        %dma_start3A_702 = arith.constant 0 : i32
        %dma_start3A_703 = tpu.memref_slice %arg2[%mul3A_700, %dma_start3A_702] : memref<100000x128xf32, #tpu.memory_space<hbm>> -> memref<160x128xf32, #tpu.memory_space<hbm>>
        tpu.enqueue_dma source(%dma_start3A_703 : memref<160x128xf32, #tpu.memory_space<hbm>>) target(%arg8 : memref<160x128xf32, #tpu.memory_space<vmem>>) target_semaphore(%arg16 : memref<!tpu.dma_semaphore, #tpu.memory_space<semaphore_mem>>)
        %mul3A_704 = arith.constant 2 : i32
        %mul3A_705 = arith.muli %mul3A_704, %add3A_583 : i32
        %dma_start3A_706 = arith.constant 0 : i32
        %dma_start3A_707 = tpu.memref_slice %arg3[%mul3A_705, %dma_start3A_706] : memref<700x80xi32, #tpu.memory_space<hbm>> -> memref<2x80xi32, #tpu.memory_space<hbm>>
        %dma_start3A_708 = arith.constant 0 : i32
        %dma_start3A_709 = tpu.memref_slice %arg3[%mul3A_705, %dma_start3A_708] : memref<700x80xi32, #tpu.memory_space<hbm>> -> memref<2x80xi32, #tpu.memory_space<hbm>>
        tpu.enqueue_dma source(%dma_start3A_709 : memref<2x80xi32, #tpu.memory_space<hbm>>) target(%arg11 : memref<2x80xi32, #tpu.memory_space<vmem>>) target_semaphore(%arg16 : memref<!tpu.dma_semaphore, #tpu.memory_space<semaphore_mem>>)
      } else {
      }
      %mul3A_589 = arith.constant 32 : i32
      %mul3A_590 = arith.muli %mul3A_589, %add3A_549 : i32
      %add3A_591 = arith.addi %add3A, %mul3A_590 : i32
      %lt3A_592 = arith.constant 350 : i32
      %lt3A_593 = arith.cmpi slt, %add3A_591, %lt3A_592 : i32
      %convert_element_type3A_594 = arith.extui %lt3A_593 : i1 to i32
      %cond3A_595 = arith.constant 0 : i32
      %cond3A_596 = arith.cmpi ne, %convert_element_type3A_594, %cond3A_595 : i32
      scf.if %cond3A_596 {
        %scan3A_699 = arith.constant 0 : i32
        %scan3A_700 = arith.constant 0 : i32
        %scan3A_701 = arith.constant 5 : i32
        %scan3A_702 = arith.addi %scan3A_700, %scan3A_701 : i32
        %scan3A_703 = arith.constant 1 : i32
        scf.for %scan3A_711 = %scan3A_700 to %scan3A_702 step %scan3A_703  : i32 {
          %mul3A_712 = arith.constant 16 : i32
          %mul3A_713 = arith.muli %scan3A_711, %mul3A_712 : i32
          %get3A = arith.constant 0 : i32
          %get3A_714 = arith.index_cast %get3A : i32 to index
          %get3A_715 = arith.index_cast %mul3A_713 : i32 to index
          %get3A_716 = tpu.vector_load %arg9[%get3A_714, %get3A_715] {strides = array<i32>} : memref<2x80xi32, #tpu.memory_space<vmem>>, vector<16xi32>,
          tpu.vector_store_idx %arg12[%get3A_716, %iota3A], %broadcast_in_dim3A_3 {add = true} : memref<256x16xf32, #tpu.memory_space<vmem>>[vector<16xi32>, vector<16xi32>], vector<16xf32>,
        }
        %scan3A_704 = arith.constant 5 : i32
        %scan3A_705 = arith.constant 0 : i32
        %scan3A_706 = arith.constant 0 : i32
        %scan3A_707 = arith.constant 5 : i32
        %scan3A_708 = arith.addi %scan3A_706, %scan3A_707 : i32
        %scan3A_709 = arith.constant 1 : i32
        scf.for %scan3A_711 = %scan3A_706 to %scan3A_708 step %scan3A_709  : i32 {
          %mul3A_712 = arith.constant 16 : i32
          %mul3A_713 = arith.muli %scan3A_711, %mul3A_712 : i32
          %get3A = arith.constant 1 : i32
          %get3A_714 = arith.index_cast %get3A : i32 to index
          %get3A_715 = arith.index_cast %mul3A_713 : i32 to index
          %get3A_716 = tpu.vector_load %arg9[%get3A_714, %get3A_715] {strides = array<i32>} : memref<2x80xi32, #tpu.memory_space<vmem>>, vector<16xi32>,
          tpu.vector_store_idx %arg12[%get3A_716, %iota3A], %broadcast_in_dim3A_3 {add = true} : memref<256x16xf32, #tpu.memory_space<vmem>>[vector<16xi32>, vector<16xi32>], vector<16xf32>,
        }
        %scan3A_710 = arith.constant 5 : i32
      } else {
      }
      %add3A_597 = arith.constant 1 : i32
      %add3A_598 = arith.addi %mul3A_547, %add3A_597 : i32
      %mul3A_599 = arith.constant 32 : i32
      %mul3A_600 = arith.muli %mul3A_599, %add3A_598 : i32
      %add3A_601 = arith.addi %add3A, %mul3A_600 : i32
      %lt3A_602 = arith.constant 350 : i32
      %lt3A_603 = arith.cmpi slt, %add3A_601, %lt3A_602 : i32
      %convert_element_type3A_604 = arith.extui %lt3A_603 : i1 to i32
      %cond3A_605 = arith.constant 0 : i32
      %cond3A_606 = arith.cmpi ne, %convert_element_type3A_604, %cond3A_605 : i32
      scf.if %cond3A_606 {
        %mul3A_699 = arith.constant 160 : i32
        %mul3A_700 = arith.muli %add3A_601, %mul3A_699 : i32
        %dma_wait3A = arith.constant 0 : i32
        %dma_wait3A_701 = tpu.memref_slice %arg2[%mul3A_700, %dma_wait3A] : memref<100000x128xf32, #tpu.memory_space<hbm>> -> memref<160x128xf32, #tpu.memory_space<hbm>>
        %dma_wait3A_702 = arith.constant 0 : i32
        %dma_wait3A_703 = tpu.memref_slice %arg2[%mul3A_700, %dma_wait3A_702] : memref<100000x128xf32, #tpu.memory_space<hbm>> -> memref<160x128xf32, #tpu.memory_space<hbm>>
        tpu.wait_dma2 semaphore(%arg15 : memref<!tpu.dma_semaphore, #tpu.memory_space<semaphore_mem>>) src(%dma_wait3A_703 : memref<160x128xf32, #tpu.memory_space<hbm>>) dst(%arg7 : memref<160x128xf32, #tpu.memory_space<vmem>>)
        %mul3A_704 = arith.constant 2 : i32
        %mul3A_705 = arith.muli %mul3A_704, %add3A_601 : i32
        %dma_wait3A_706 = arith.constant 0 : i32
        %dma_wait3A_707 = tpu.memref_slice %arg3[%mul3A_705, %dma_wait3A_706] : memref<700x80xi32, #tpu.memory_space<hbm>> -> memref<2x80xi32, #tpu.memory_space<hbm>>
        %dma_wait3A_708 = arith.constant 0 : i32
        %dma_wait3A_709 = tpu.memref_slice %arg3[%mul3A_705, %dma_wait3A_708] : memref<700x80xi32, #tpu.memory_space<hbm>> -> memref<2x80xi32, #tpu.memory_space<hbm>>
        tpu.wait_dma2 semaphore(%arg15 : memref<!tpu.dma_semaphore, #tpu.memory_space<semaphore_mem>>) src(%dma_wait3A_709 : memref<2x80xi32, #tpu.memory_space<hbm>>) dst(%arg10 : memref<2x80xi32, #tpu.memory_space<vmem>>)
      } else {
      }
      %mul3A_607 = arith.constant 32 : i32
      %mul3A_608 = arith.muli %mul3A_607, %add3A_598 : i32
      %add3A_609 = arith.addi %add3A, %mul3A_608 : i32
      %lt3A_610 = arith.constant 350 : i32
      %lt3A_611 = arith.cmpi slt, %add3A_609, %lt3A_610 : i32
      %convert_element_type3A_612 = arith.extui %lt3A_611 : i1 to i32
      %cond3A_613 = arith.constant 0 : i32
      %cond3A_614 = arith.cmpi ne, %convert_element_type3A_612, %cond3A_613 : i32
      scf.if %cond3A_614 {
        %dma_start3A = arith.constant 0 : i32
        %dma_start3A_699 = arith.constant 0 : i32
        %dma_start3A_700 = arith.constant 0 : i32
        %dma_start3A_701 = tpu.memref_slice %arg7[%dma_start3A_699, %dma_start3A_700] : memref<160x128xf32, #tpu.memory_space<vmem>> -> memref<80x128xf32, #tpu.memory_space<vmem>>
        %dma_start3A_702 = arith.constant 0 : i32
        %dma_start3A_703 = tpu.memref_slice %arg10[%dma_start3A, %dma_start3A_702] : memref<2x80xi32, #tpu.memory_space<vmem>> -> memref<1x80xi32, #tpu.memory_space<vmem>>
        %dma_start3A_704 = tpu.memref_squeeze %dma_start3A_703 : memref<1x80xi32, #tpu.memory_space<vmem>> -> memref<80xi32, #tpu.memory_space<vmem>>
        %dma_start3A_705 = arith.constant 0 : i32
        %dma_start3A_706 = arith.constant 0 : i32
        %dma_start3A_707 = tpu.memref_slice %arg20[%arg1, %dma_start3A_705, %dma_start3A_706] : memref<16x256x128xf32, #tpu.memory_space<vmem_shared>> -> memref<1x256x128xf32, #tpu.memory_space<vmem_shared>>
        %dma_start3A_708 = tpu.memref_squeeze %dma_start3A_707 : memref<1x256x128xf32, #tpu.memory_space<vmem_shared>> -> memref<256x128xf32, #tpu.memory_space<vmem_shared>>
        %dma_start3A_709 = arith.constant 0 : i32
        %dma_start3A_710 = arith.constant 0 : i32
        %dma_start3A_711 = tpu.memref_slice %dma_start3A_708[%dma_start3A_709, %dma_start3A_710] : memref<256x128xf32, #tpu.memory_space<vmem_shared>> -> memref<256x128xf32, #tpu.memory_space<vmem_shared>>
        tpu.enqueue_indirect_dma source(%dma_start3A_701 : memref<80x128xf32, #tpu.memory_space<vmem>>) target(%dma_start3A_711 : memref<256x128xf32, #tpu.memory_space<vmem_shared>>) offsets(%dma_start3A_704 : memref<80xi32, #tpu.memory_space<vmem>>) semaphore(%arg18 : memref<!tpu.dma_semaphore, #tpu.memory_space<semaphore_mem>>) {add = true}
        %dma_start3A_712 = arith.constant 1 : i32
        %dma_start3A_713 = arith.constant 80 : i32
        %dma_start3A_714 = arith.constant 0 : i32
        %dma_start3A_715 = tpu.memref_slice %arg7[%dma_start3A_713, %dma_start3A_714] : memref<160x128xf32, #tpu.memory_space<vmem>> -> memref<80x128xf32, #tpu.memory_space<vmem>>
        %dma_start3A_716 = arith.constant 0 : i32
        %dma_start3A_717 = tpu.memref_slice %arg10[%dma_start3A_712, %dma_start3A_716] : memref<2x80xi32, #tpu.memory_space<vmem>> -> memref<1x80xi32, #tpu.memory_space<vmem>>
        %dma_start3A_718 = tpu.memref_squeeze %dma_start3A_717 : memref<1x80xi32, #tpu.memory_space<vmem>> -> memref<80xi32, #tpu.memory_space<vmem>>
        %dma_start3A_719 = arith.constant 0 : i32
        %dma_start3A_720 = arith.constant 0 : i32
        %dma_start3A_721 = tpu.memref_slice %arg20[%arg1, %dma_start3A_719, %dma_start3A_720] : memref<16x256x128xf32, #tpu.memory_space<vmem_shared>> -> memref<1x256x128xf32, #tpu.memory_space<vmem_shared>>
        %dma_start3A_722 = tpu.memref_squeeze %dma_start3A_721 : memref<1x256x128xf32, #tpu.memory_space<vmem_shared>> -> memref<256x128xf32, #tpu.memory_space<vmem_shared>>
        %dma_start3A_723 = arith.constant 0 : i32
        %dma_start3A_724 = arith.constant 0 : i32
        %dma_start3A_725 = tpu.memref_slice %dma_start3A_722[%dma_start3A_723, %dma_start3A_724] : memref<256x128xf32, #tpu.memory_space<vmem_shared>> -> memref<256x128xf32, #tpu.memory_space<vmem_shared>>
        tpu.enqueue_indirect_dma source(%dma_start3A_715 : memref<80x128xf32, #tpu.memory_space<vmem>>) target(%dma_start3A_725 : memref<256x128xf32, #tpu.memory_space<vmem_shared>>) offsets(%dma_start3A_718 : memref<80xi32, #tpu.memory_space<vmem>>) semaphore(%arg18 : memref<!tpu.dma_semaphore, #tpu.memory_space<semaphore_mem>>) {add = true}
      } else {
      }
      %sub3A_615 = arith.constant 1 : i32
      %sub3A_616 = arith.subi %add3A_598, %sub3A_615 : i32
      %mul3A_617 = arith.constant 32 : i32
      %mul3A_618 = arith.muli %mul3A_617, %sub3A_616 : i32
      %add3A_619 = arith.addi %add3A, %mul3A_618 : i32
      %ge3A_620 = arith.constant 0 : i32
      %ge3A_621 = arith.cmpi sge, %sub3A_616, %ge3A_620 : i32
      %lt3A_622 = arith.constant 350 : i32
      %lt3A_623 = arith.cmpi slt, %add3A_619, %lt3A_622 : i32
      %and3A_624 = arith.andi %ge3A_621, %lt3A_623 : i1
      %convert_element_type3A_625 = arith.extui %and3A_624 : i1 to i32
      %cond3A_626 = arith.constant 0 : i32
      %cond3A_627 = arith.cmpi ne, %convert_element_type3A_625, %cond3A_626 : i32
      scf.if %cond3A_627 {
        %dma_wait3A = arith.constant 0 : i32
        %dma_wait3A_699 = arith.constant 0 : i32
        %dma_wait3A_700 = arith.constant 0 : i32
        %dma_wait3A_701 = tpu.memref_slice %arg6[%dma_wait3A_699, %dma_wait3A_700] : memref<160x128xf32, #tpu.memory_space<vmem>> -> memref<80x128xf32, #tpu.memory_space<vmem>>
        %dma_wait3A_702 = arith.constant 0 : i32
        %dma_wait3A_703 = tpu.memref_slice %arg9[%dma_wait3A, %dma_wait3A_702] : memref<2x80xi32, #tpu.memory_space<vmem>> -> memref<1x80xi32, #tpu.memory_space<vmem>>
        %dma_wait3A_704 = tpu.memref_squeeze %dma_wait3A_703 : memref<1x80xi32, #tpu.memory_space<vmem>> -> memref<80xi32, #tpu.memory_space<vmem>>
        %dma_wait3A_705 = arith.constant 0 : i32
        %dma_wait3A_706 = arith.constant 0 : i32
        %dma_wait3A_707 = tpu.memref_slice %arg20[%arg1, %dma_wait3A_705, %dma_wait3A_706] : memref<16x256x128xf32, #tpu.memory_space<vmem_shared>> -> memref<1x256x128xf32, #tpu.memory_space<vmem_shared>>
        %dma_wait3A_708 = tpu.memref_squeeze %dma_wait3A_707 : memref<1x256x128xf32, #tpu.memory_space<vmem_shared>> -> memref<256x128xf32, #tpu.memory_space<vmem_shared>>
        %dma_wait3A_709 = arith.constant 0 : i32
        %dma_wait3A_710 = arith.constant 0 : i32
        %dma_wait3A_711 = tpu.memref_slice %dma_wait3A_708[%dma_wait3A_709, %dma_wait3A_710] : memref<256x128xf32, #tpu.memory_space<vmem_shared>> -> memref<256x128xf32, #tpu.memory_space<vmem_shared>>
        tpu.wait_indirect_dma semaphore(%arg17 : memref<!tpu.dma_semaphore, #tpu.memory_space<semaphore_mem>>) src(%dma_wait3A_701 : memref<80x128xf32, #tpu.memory_space<vmem>>) dst(%dma_wait3A_711 : memref<256x128xf32, #tpu.memory_space<vmem_shared>>)
        %dma_wait3A_712 = arith.constant 1 : i32
        %dma_wait3A_713 = arith.constant 80 : i32
        %dma_wait3A_714 = arith.constant 0 : i32
        %dma_wait3A_715 = tpu.memref_slice %arg6[%dma_wait3A_713, %dma_wait3A_714] : memref<160x128xf32, #tpu.memory_space<vmem>> -> memref<80x128xf32, #tpu.memory_space<vmem>>
        %dma_wait3A_716 = arith.constant 0 : i32
        %dma_wait3A_717 = tpu.memref_slice %arg9[%dma_wait3A_712, %dma_wait3A_716] : memref<2x80xi32, #tpu.memory_space<vmem>> -> memref<1x80xi32, #tpu.memory_space<vmem>>
        %dma_wait3A_718 = tpu.memref_squeeze %dma_wait3A_717 : memref<1x80xi32, #tpu.memory_space<vmem>> -> memref<80xi32, #tpu.memory_space<vmem>>
        %dma_wait3A_719 = arith.constant 0 : i32
        %dma_wait3A_720 = arith.constant 0 : i32
        %dma_wait3A_721 = tpu.memref_slice %arg20[%arg1, %dma_wait3A_719, %dma_wait3A_720] : memref<16x256x128xf32, #tpu.memory_space<vmem_shared>> -> memref<1x256x128xf32, #tpu.memory_space<vmem_shared>>
        %dma_wait3A_722 = tpu.memref_squeeze %dma_wait3A_721 : memref<1x256x128xf32, #tpu.memory_space<vmem_shared>> -> memref<256x128xf32, #tpu.memory_space<vmem_shared>>
        %dma_wait3A_723 = arith.constant 0 : i32
        %dma_wait3A_724 = arith.constant 0 : i32
        %dma_wait3A_725 = tpu.memref_slice %dma_wait3A_722[%dma_wait3A_723, %dma_wait3A_724] : memref<256x128xf32, #tpu.memory_space<vmem_shared>> -> memref<256x128xf32, #tpu.memory_space<vmem_shared>>
        tpu.wait_indirect_dma semaphore(%arg17 : memref<!tpu.dma_semaphore, #tpu.memory_space<semaphore_mem>>) src(%dma_wait3A_715 : memref<80x128xf32, #tpu.memory_space<vmem>>) dst(%dma_wait3A_725 : memref<256x128xf32, #tpu.memory_space<vmem_shared>>)
      } else {
      }
      %add3A_628 = arith.constant 3 : i32
      %add3A_629 = arith.addi %add3A_598, %add3A_628 : i32
      %sub3A_630 = arith.constant 1 : i32
      %sub3A_631 = arith.subi %add3A_629, %sub3A_630 : i32
      %mul3A_632 = arith.constant 32 : i32
      %mul3A_633 = arith.muli %mul3A_632, %sub3A_631 : i32
      %add3A_634 = arith.addi %add3A, %mul3A_633 : i32
      %lt3A_635 = arith.constant 350 : i32
      %lt3A_636 = arith.cmpi slt, %add3A_634, %lt3A_635 : i32
      %convert_element_type3A_637 = arith.extui %lt3A_636 : i1 to i32
      %cond3A_638 = arith.constant 0 : i32
      %cond3A_639 = arith.cmpi ne, %convert_element_type3A_637, %cond3A_638 : i32
      scf.if %cond3A_639 {
        %mul3A_699 = arith.constant 160 : i32
        %mul3A_700 = arith.muli %add3A_634, %mul3A_699 : i32
        %dma_start3A = arith.constant 0 : i32
        %dma_start3A_701 = tpu.memref_slice %arg2[%mul3A_700, %dma_start3A] : memref<100000x128xf32, #tpu.memory_space<hbm>> -> memref<160x128xf32, #tpu.memory_space<hbm>>
        %dma_start3A_702 = arith.constant 0 : i32
        %dma_start3A_703 = tpu.memref_slice %arg2[%mul3A_700, %dma_start3A_702] : memref<100000x128xf32, #tpu.memory_space<hbm>> -> memref<160x128xf32, #tpu.memory_space<hbm>>
        tpu.enqueue_dma source(%dma_start3A_703 : memref<160x128xf32, #tpu.memory_space<hbm>>) target(%arg6 : memref<160x128xf32, #tpu.memory_space<vmem>>) target_semaphore(%arg14 : memref<!tpu.dma_semaphore, #tpu.memory_space<semaphore_mem>>)
        %mul3A_704 = arith.constant 2 : i32
        %mul3A_705 = arith.muli %mul3A_704, %add3A_634 : i32
        %dma_start3A_706 = arith.constant 0 : i32
        %dma_start3A_707 = tpu.memref_slice %arg3[%mul3A_705, %dma_start3A_706] : memref<700x80xi32, #tpu.memory_space<hbm>> -> memref<2x80xi32, #tpu.memory_space<hbm>>
        %dma_start3A_708 = arith.constant 0 : i32
        %dma_start3A_709 = tpu.memref_slice %arg3[%mul3A_705, %dma_start3A_708] : memref<700x80xi32, #tpu.memory_space<hbm>> -> memref<2x80xi32, #tpu.memory_space<hbm>>
        tpu.enqueue_dma source(%dma_start3A_709 : memref<2x80xi32, #tpu.memory_space<hbm>>) target(%arg9 : memref<2x80xi32, #tpu.memory_space<vmem>>) target_semaphore(%arg14 : memref<!tpu.dma_semaphore, #tpu.memory_space<semaphore_mem>>)
      } else {
      }
      %mul3A_640 = arith.constant 32 : i32
      %mul3A_641 = arith.muli %mul3A_640, %add3A_598 : i32
      %add3A_642 = arith.addi %add3A, %mul3A_641 : i32
      %lt3A_643 = arith.constant 350 : i32
      %lt3A_644 = arith.cmpi slt, %add3A_642, %lt3A_643 : i32
      %convert_element_type3A_645 = arith.extui %lt3A_644 : i1 to i32
      %cond3A_646 = arith.constant 0 : i32
      %cond3A_647 = arith.cmpi ne, %convert_element_type3A_645, %cond3A_646 : i32
      scf.if %cond3A_647 {
        %scan3A_699 = arith.constant 0 : i32
        %scan3A_700 = arith.constant 0 : i32
        %scan3A_701 = arith.constant 5 : i32
        %scan3A_702 = arith.addi %scan3A_700, %scan3A_701 : i32
        %scan3A_703 = arith.constant 1 : i32
        scf.for %scan3A_711 = %scan3A_700 to %scan3A_702 step %scan3A_703  : i32 {
          %mul3A_712 = arith.constant 16 : i32
          %mul3A_713 = arith.muli %scan3A_711, %mul3A_712 : i32
          %get3A = arith.constant 0 : i32
          %get3A_714 = arith.index_cast %get3A : i32 to index
          %get3A_715 = arith.index_cast %mul3A_713 : i32 to index
          %get3A_716 = tpu.vector_load %arg10[%get3A_714, %get3A_715] {strides = array<i32>} : memref<2x80xi32, #tpu.memory_space<vmem>>, vector<16xi32>,
          tpu.vector_store_idx %arg12[%get3A_716, %iota3A], %broadcast_in_dim3A_3 {add = true} : memref<256x16xf32, #tpu.memory_space<vmem>>[vector<16xi32>, vector<16xi32>], vector<16xf32>,
        }
        %scan3A_704 = arith.constant 5 : i32
        %scan3A_705 = arith.constant 0 : i32
        %scan3A_706 = arith.constant 0 : i32
        %scan3A_707 = arith.constant 5 : i32
        %scan3A_708 = arith.addi %scan3A_706, %scan3A_707 : i32
        %scan3A_709 = arith.constant 1 : i32
        scf.for %scan3A_711 = %scan3A_706 to %scan3A_708 step %scan3A_709  : i32 {
          %mul3A_712 = arith.constant 16 : i32
          %mul3A_713 = arith.muli %scan3A_711, %mul3A_712 : i32
          %get3A = arith.constant 1 : i32
          %get3A_714 = arith.index_cast %get3A : i32 to index
          %get3A_715 = arith.index_cast %mul3A_713 : i32 to index
          %get3A_716 = tpu.vector_load %arg10[%get3A_714, %get3A_715] {strides = array<i32>} : memref<2x80xi32, #tpu.memory_space<vmem>>, vector<16xi32>,
          tpu.vector_store_idx %arg12[%get3A_716, %iota3A], %broadcast_in_dim3A_3 {add = true} : memref<256x16xf32, #tpu.memory_space<vmem>>[vector<16xi32>, vector<16xi32>], vector<16xf32>,
        }
        %scan3A_710 = arith.constant 5 : i32
      } else {
      }
      %add3A_648 = arith.constant 2 : i32
      %add3A_649 = arith.addi %mul3A_547, %add3A_648 : i32
      %mul3A_650 = arith.constant 32 : i32
      %mul3A_651 = arith.muli %mul3A_650, %add3A_649 : i32
      %add3A_652 = arith.addi %add3A, %mul3A_651 : i32
      %lt3A_653 = arith.constant 350 : i32
      %lt3A_654 = arith.cmpi slt, %add3A_652, %lt3A_653 : i32
      %convert_element_type3A_655 = arith.extui %lt3A_654 : i1 to i32
      %cond3A_656 = arith.constant 0 : i32
      %cond3A_657 = arith.cmpi ne, %convert_element_type3A_655, %cond3A_656 : i32
      scf.if %cond3A_657 {
        %mul3A_699 = arith.constant 160 : i32
        %mul3A_700 = arith.muli %add3A_652, %mul3A_699 : i32
        %dma_wait3A = arith.constant 0 : i32
        %dma_wait3A_701 = tpu.memref_slice %arg2[%mul3A_700, %dma_wait3A] : memref<100000x128xf32, #tpu.memory_space<hbm>> -> memref<160x128xf32, #tpu.memory_space<hbm>>
        %dma_wait3A_702 = arith.constant 0 : i32
        %dma_wait3A_703 = tpu.memref_slice %arg2[%mul3A_700, %dma_wait3A_702] : memref<100000x128xf32, #tpu.memory_space<hbm>> -> memref<160x128xf32, #tpu.memory_space<hbm>>
        tpu.wait_dma2 semaphore(%arg16 : memref<!tpu.dma_semaphore, #tpu.memory_space<semaphore_mem>>) src(%dma_wait3A_703 : memref<160x128xf32, #tpu.memory_space<hbm>>) dst(%arg8 : memref<160x128xf32, #tpu.memory_space<vmem>>)
        %mul3A_704 = arith.constant 2 : i32
        %mul3A_705 = arith.muli %mul3A_704, %add3A_652 : i32
        %dma_wait3A_706 = arith.constant 0 : i32
        %dma_wait3A_707 = tpu.memref_slice %arg3[%mul3A_705, %dma_wait3A_706] : memref<700x80xi32, #tpu.memory_space<hbm>> -> memref<2x80xi32, #tpu.memory_space<hbm>>
        %dma_wait3A_708 = arith.constant 0 : i32
        %dma_wait3A_709 = tpu.memref_slice %arg3[%mul3A_705, %dma_wait3A_708] : memref<700x80xi32, #tpu.memory_space<hbm>> -> memref<2x80xi32, #tpu.memory_space<hbm>>
        tpu.wait_dma2 semaphore(%arg16 : memref<!tpu.dma_semaphore, #tpu.memory_space<semaphore_mem>>) src(%dma_wait3A_709 : memref<2x80xi32, #tpu.memory_space<hbm>>) dst(%arg11 : memref<2x80xi32, #tpu.memory_space<vmem>>)
      } else {
      }
      %mul3A_658 = arith.constant 32 : i32
      %mul3A_659 = arith.muli %mul3A_658, %add3A_649 : i32
      %add3A_660 = arith.addi %add3A, %mul3A_659 : i32
      %lt3A_661 = arith.constant 350 : i32
      %lt3A_662 = arith.cmpi slt, %add3A_660, %lt3A_661 : i32
      %convert_element_type3A_663 = arith.extui %lt3A_662 : i1 to i32
      %cond3A_664 = arith.constant 0 : i32
      %cond3A_665 = arith.cmpi ne, %convert_element_type3A_663, %cond3A_664 : i32
      scf.if %cond3A_665 {
        %dma_start3A = arith.constant 0 : i32
        %dma_start3A_699 = arith.constant 0 : i32
        %dma_start3A_700 = arith.constant 0 : i32
        %dma_start3A_701 = tpu.memref_slice %arg8[%dma_start3A_699, %dma_start3A_700] : memref<160x128xf32, #tpu.memory_space<vmem>> -> memref<80x128xf32, #tpu.memory_space<vmem>>
        %dma_start3A_702 = arith.constant 0 : i32
        %dma_start3A_703 = tpu.memref_slice %arg11[%dma_start3A, %dma_start3A_702] : memref<2x80xi32, #tpu.memory_space<vmem>> -> memref<1x80xi32, #tpu.memory_space<vmem>>
        %dma_start3A_704 = tpu.memref_squeeze %dma_start3A_703 : memref<1x80xi32, #tpu.memory_space<vmem>> -> memref<80xi32, #tpu.memory_space<vmem>>
        %dma_start3A_705 = arith.constant 0 : i32
        %dma_start3A_706 = arith.constant 0 : i32
        %dma_start3A_707 = tpu.memref_slice %arg20[%arg1, %dma_start3A_705, %dma_start3A_706] : memref<16x256x128xf32, #tpu.memory_space<vmem_shared>> -> memref<1x256x128xf32, #tpu.memory_space<vmem_shared>>
        %dma_start3A_708 = tpu.memref_squeeze %dma_start3A_707 : memref<1x256x128xf32, #tpu.memory_space<vmem_shared>> -> memref<256x128xf32, #tpu.memory_space<vmem_shared>>
        %dma_start3A_709 = arith.constant 0 : i32
        %dma_start3A_710 = arith.constant 0 : i32
        %dma_start3A_711 = tpu.memref_slice %dma_start3A_708[%dma_start3A_709, %dma_start3A_710] : memref<256x128xf32, #tpu.memory_space<vmem_shared>> -> memref<256x128xf32, #tpu.memory_space<vmem_shared>>
        tpu.enqueue_indirect_dma source(%dma_start3A_701 : memref<80x128xf32, #tpu.memory_space<vmem>>) target(%dma_start3A_711 : memref<256x128xf32, #tpu.memory_space<vmem_shared>>) offsets(%dma_start3A_704 : memref<80xi32, #tpu.memory_space<vmem>>) semaphore(%arg19 : memref<!tpu.dma_semaphore, #tpu.memory_space<semaphore_mem>>) {add = true}
        %dma_start3A_712 = arith.constant 1 : i32
        %dma_start3A_713 = arith.constant 80 : i32
        %dma_start3A_714 = arith.constant 0 : i32
        %dma_start3A_715 = tpu.memref_slice %arg8[%dma_start3A_713, %dma_start3A_714] : memref<160x128xf32, #tpu.memory_space<vmem>> -> memref<80x128xf32, #tpu.memory_space<vmem>>
        %dma_start3A_716 = arith.constant 0 : i32
        %dma_start3A_717 = tpu.memref_slice %arg11[%dma_start3A_712, %dma_start3A_716] : memref<2x80xi32, #tpu.memory_space<vmem>> -> memref<1x80xi32, #tpu.memory_space<vmem>>
        %dma_start3A_718 = tpu.memref_squeeze %dma_start3A_717 : memref<1x80xi32, #tpu.memory_space<vmem>> -> memref<80xi32, #tpu.memory_space<vmem>>
        %dma_start3A_719 = arith.constant 0 : i32
        %dma_start3A_720 = arith.constant 0 : i32
        %dma_start3A_721 = tpu.memref_slice %arg20[%arg1, %dma_start3A_719, %dma_start3A_720] : memref<16x256x128xf32, #tpu.memory_space<vmem_shared>> -> memref<1x256x128xf32, #tpu.memory_space<vmem_shared>>
        %dma_start3A_722 = tpu.memref_squeeze %dma_start3A_721 : memref<1x256x128xf32, #tpu.memory_space<vmem_shared>> -> memref<256x128xf32, #tpu.memory_space<vmem_shared>>
        %dma_start3A_723 = arith.constant 0 : i32
        %dma_start3A_724 = arith.constant 0 : i32
        %dma_start3A_725 = tpu.memref_slice %dma_start3A_722[%dma_start3A_723, %dma_start3A_724] : memref<256x128xf32, #tpu.memory_space<vmem_shared>> -> memref<256x128xf32, #tpu.memory_space<vmem_shared>>
        tpu.enqueue_indirect_dma source(%dma_start3A_715 : memref<80x128xf32, #tpu.memory_space<vmem>>) target(%dma_start3A_725 : memref<256x128xf32, #tpu.memory_space<vmem_shared>>) offsets(%dma_start3A_718 : memref<80xi32, #tpu.memory_space<vmem>>) semaphore(%arg19 : memref<!tpu.dma_semaphore, #tpu.memory_space<semaphore_mem>>) {add = true}
      } else {
      }
      %sub3A_666 = arith.constant 1 : i32
      %sub3A_667 = arith.subi %add3A_649, %sub3A_666 : i32
      %mul3A_668 = arith.constant 32 : i32
      %mul3A_669 = arith.muli %mul3A_668, %sub3A_667 : i32
      %add3A_670 = arith.addi %add3A, %mul3A_669 : i32
      %ge3A_671 = arith.constant 0 : i32
      %ge3A_672 = arith.cmpi sge, %sub3A_667, %ge3A_671 : i32
      %lt3A_673 = arith.constant 350 : i32
      %lt3A_674 = arith.cmpi slt, %add3A_670, %lt3A_673 : i32
      %and3A_675 = arith.andi %ge3A_672, %lt3A_674 : i1
      %convert_element_type3A_676 = arith.extui %and3A_675 : i1 to i32
      %cond3A_677 = arith.constant 0 : i32
      %cond3A_678 = arith.cmpi ne, %convert_element_type3A_676, %cond3A_677 : i32
      scf.if %cond3A_678 {
        %dma_wait3A = arith.constant 0 : i32
        %dma_wait3A_699 = arith.constant 0 : i32
        %dma_wait3A_700 = arith.constant 0 : i32
        %dma_wait3A_701 = tpu.memref_slice %arg7[%dma_wait3A_699, %dma_wait3A_700] : memref<160x128xf32, #tpu.memory_space<vmem>> -> memref<80x128xf32, #tpu.memory_space<vmem>>
        %dma_wait3A_702 = arith.constant 0 : i32
        %dma_wait3A_703 = tpu.memref_slice %arg10[%dma_wait3A, %dma_wait3A_702] : memref<2x80xi32, #tpu.memory_space<vmem>> -> memref<1x80xi32, #tpu.memory_space<vmem>>
        %dma_wait3A_704 = tpu.memref_squeeze %dma_wait3A_703 : memref<1x80xi32, #tpu.memory_space<vmem>> -> memref<80xi32, #tpu.memory_space<vmem>>
        %dma_wait3A_705 = arith.constant 0 : i32
        %dma_wait3A_706 = arith.constant 0 : i32
        %dma_wait3A_707 = tpu.memref_slice %arg20[%arg1, %dma_wait3A_705, %dma_wait3A_706] : memref<16x256x128xf32, #tpu.memory_space<vmem_shared>> -> memref<1x256x128xf32, #tpu.memory_space<vmem_shared>>
        %dma_wait3A_708 = tpu.memref_squeeze %dma_wait3A_707 : memref<1x256x128xf32, #tpu.memory_space<vmem_shared>> -> memref<256x128xf32, #tpu.memory_space<vmem_shared>>
        %dma_wait3A_709 = arith.constant 0 : i32
        %dma_wait3A_710 = arith.constant 0 : i32
        %dma_wait3A_711 = tpu.memref_slice %dma_wait3A_708[%dma_wait3A_709, %dma_wait3A_710] : memref<256x128xf32, #tpu.memory_space<vmem_shared>> -> memref<256x128xf32, #tpu.memory_space<vmem_shared>>
        tpu.wait_indirect_dma semaphore(%arg18 : memref<!tpu.dma_semaphore, #tpu.memory_space<semaphore_mem>>) src(%dma_wait3A_701 : memref<80x128xf32, #tpu.memory_space<vmem>>) dst(%dma_wait3A_711 : memref<256x128xf32, #tpu.memory_space<vmem_shared>>)
        %dma_wait3A_712 = arith.constant 1 : i32
        %dma_wait3A_713 = arith.constant 80 : i32
        %dma_wait3A_714 = arith.constant 0 : i32
        %dma_wait3A_715 = tpu.memref_slice %arg7[%dma_wait3A_713, %dma_wait3A_714] : memref<160x128xf32, #tpu.memory_space<vmem>> -> memref<80x128xf32, #tpu.memory_space<vmem>>
        %dma_wait3A_716 = arith.constant 0 : i32
        %dma_wait3A_717 = tpu.memref_slice %arg10[%dma_wait3A_712, %dma_wait3A_716] : memref<2x80xi32, #tpu.memory_space<vmem>> -> memref<1x80xi32, #tpu.memory_space<vmem>>
        %dma_wait3A_718 = tpu.memref_squeeze %dma_wait3A_717 : memref<1x80xi32, #tpu.memory_space<vmem>> -> memref<80xi32, #tpu.memory_space<vmem>>
        %dma_wait3A_719 = arith.constant 0 : i32
        %dma_wait3A_720 = arith.constant 0 : i32
        %dma_wait3A_721 = tpu.memref_slice %arg20[%arg1, %dma_wait3A_719, %dma_wait3A_720] : memref<16x256x128xf32, #tpu.memory_space<vmem_shared>> -> memref<1x256x128xf32, #tpu.memory_space<vmem_shared>>
        %dma_wait3A_722 = tpu.memref_squeeze %dma_wait3A_721 : memref<1x256x128xf32, #tpu.memory_space<vmem_shared>> -> memref<256x128xf32, #tpu.memory_space<vmem_shared>>
        %dma_wait3A_723 = arith.constant 0 : i32
        %dma_wait3A_724 = arith.constant 0 : i32
        %dma_wait3A_725 = tpu.memref_slice %dma_wait3A_722[%dma_wait3A_723, %dma_wait3A_724] : memref<256x128xf32, #tpu.memory_space<vmem_shared>> -> memref<256x128xf32, #tpu.memory_space<vmem_shared>>
        tpu.wait_indirect_dma semaphore(%arg18 : memref<!tpu.dma_semaphore, #tpu.memory_space<semaphore_mem>>) src(%dma_wait3A_715 : memref<80x128xf32, #tpu.memory_space<vmem>>) dst(%dma_wait3A_725 : memref<256x128xf32, #tpu.memory_space<vmem_shared>>)
      } else {
      }
      %add3A_679 = arith.constant 3 : i32
      %add3A_680 = arith.addi %add3A_649, %add3A_679 : i32
      %sub3A_681 = arith.constant 1 : i32
      %sub3A_682 = arith.subi %add3A_680, %sub3A_681 : i32
      %mul3A_683 = arith.constant 32 : i32
      %mul3A_684 = arith.muli %mul3A_683, %sub3A_682 : i32
      %add3A_685 = arith.addi %add3A, %mul3A_684 : i32
      %lt3A_686 = arith.constant 350 : i32
      %lt3A_687 = arith.cmpi slt, %add3A_685, %lt3A_686 : i32
      %convert_element_type3A_688 = arith.extui %lt3A_687 : i1 to i32
      %cond3A_689 = arith.constant 0 : i32
      %cond3A_690 = arith.cmpi ne, %convert_element_type3A_688, %cond3A_689 : i32
      scf.if %cond3A_690 {
        %mul3A_699 = arith.constant 160 : i32
        %mul3A_700 = arith.muli %add3A_685, %mul3A_699 : i32
        %dma_start3A = arith.constant 0 : i32
        %dma_start3A_701 = tpu.memref_slice %arg2[%mul3A_700, %dma_start3A] : memref<100000x128xf32, #tpu.memory_space<hbm>> -> memref<160x128xf32, #tpu.memory_space<hbm>>
        %dma_start3A_702 = arith.constant 0 : i32
        %dma_start3A_703 = tpu.memref_slice %arg2[%mul3A_700, %dma_start3A_702] : memref<100000x128xf32, #tpu.memory_space<hbm>> -> memref<160x128xf32, #tpu.memory_space<hbm>>
        tpu.enqueue_dma source(%dma_start3A_703 : memref<160x128xf32, #tpu.memory_space<hbm>>) target(%arg7 : memref<160x128xf32, #tpu.memory_space<vmem>>) target_semaphore(%arg15 : memref<!tpu.dma_semaphore, #tpu.memory_space<semaphore_mem>>)
        %mul3A_704 = arith.constant 2 : i32
        %mul3A_705 = arith.muli %mul3A_704, %add3A_685 : i32
        %dma_start3A_706 = arith.constant 0 : i32
        %dma_start3A_707 = tpu.memref_slice %arg3[%mul3A_705, %dma_start3A_706] : memref<700x80xi32, #tpu.memory_space<hbm>> -> memref<2x80xi32, #tpu.memory_space<hbm>>
        %dma_start3A_708 = arith.constant 0 : i32
        %dma_start3A_709 = tpu.memref_slice %arg3[%mul3A_705, %dma_start3A_708] : memref<700x80xi32, #tpu.memory_space<hbm>> -> memref<2x80xi32, #tpu.memory_space<hbm>>
        tpu.enqueue_dma source(%dma_start3A_709 : memref<2x80xi32, #tpu.memory_space<hbm>>) target(%arg10 : memref<2x80xi32, #tpu.memory_space<vmem>>) target_semaphore(%arg15 : memref<!tpu.dma_semaphore, #tpu.memory_space<semaphore_mem>>)
      } else {
      }
      %mul3A_691 = arith.constant 32 : i32
      %mul3A_692 = arith.muli %mul3A_691, %add3A_649 : i32
      %add3A_693 = arith.addi %add3A, %mul3A_692 : i32
      %lt3A_694 = arith.constant 350 : i32
      %lt3A_695 = arith.cmpi slt, %add3A_693, %lt3A_694 : i32
      %convert_element_type3A_696 = arith.extui %lt3A_695 : i1 to i32
      %cond3A_697 = arith.constant 0 : i32
      %cond3A_698 = arith.cmpi ne, %convert_element_type3A_696, %cond3A_697 : i32
      scf.if %cond3A_698 {
        %scan3A_699 = arith.constant 0 : i32
        %scan3A_700 = arith.constant 0 : i32
        %scan3A_701 = arith.constant 5 : i32
        %scan3A_702 = arith.addi %scan3A_700, %scan3A_701 : i32
        %scan3A_703 = arith.constant 1 : i32
        scf.for %scan3A_711 = %scan3A_700 to %scan3A_702 step %scan3A_703  : i32 {
          %mul3A_712 = arith.constant 16 : i32
          %mul3A_713 = arith.muli %scan3A_711, %mul3A_712 : i32
          %get3A = arith.constant 0 : i32
          %get3A_714 = arith.index_cast %get3A : i32 to index
          %get3A_715 = arith.index_cast %mul3A_713 : i32 to index
          %get3A_716 = tpu.vector_load %arg11[%get3A_714, %get3A_715] {strides = array<i32>} : memref<2x80xi32, #tpu.memory_space<vmem>>, vector<16xi32>,
          tpu.vector_store_idx %arg12[%get3A_716, %iota3A], %broadcast_in_dim3A_3 {add = true} : memref<256x16xf32, #tpu.memory_space<vmem>>[vector<16xi32>, vector<16xi32>], vector<16xf32>,
        }
        %scan3A_704 = arith.constant 5 : i32
        %scan3A_705 = arith.constant 0 : i32
        %scan3A_706 = arith.constant 0 : i32
        %scan3A_707 = arith.constant 5 : i32
        %scan3A_708 = arith.addi %scan3A_706, %scan3A_707 : i32
        %scan3A_709 = arith.constant 1 : i32
        scf.for %scan3A_711 = %scan3A_706 to %scan3A_708 step %scan3A_709  : i32 {
          %mul3A_712 = arith.constant 16 : i32
          %mul3A_713 = arith.muli %scan3A_711, %mul3A_712 : i32
          %get3A = arith.constant 1 : i32
          %get3A_714 = arith.index_cast %get3A : i32 to index
          %get3A_715 = arith.index_cast %mul3A_713 : i32 to index
          %get3A_716 = tpu.vector_load %arg11[%get3A_714, %get3A_715] {strides = array<i32>} : memref<2x80xi32, #tpu.memory_space<vmem>>, vector<16xi32>,
          tpu.vector_store_idx %arg12[%get3A_716, %iota3A], %broadcast_in_dim3A_3 {add = true} : memref<256x16xf32, #tpu.memory_space<vmem>>[vector<16xi32>, vector<16xi32>], vector<16xf32>,
        }
        %scan3A_710 = arith.constant 5 : i32
      } else {
      }
    }
    %scan3A_536 = arith.constant 4 : i32
    %add3A_537 = arith.constant 352 : i32
    %add3A_538 = arith.addi %add3A, %add3A_537 : i32
    %lt3A_539 = arith.constant 350 : i32
    %lt3A_540 = arith.cmpi slt, %add3A_538, %lt3A_539 : i32
    %and3A = arith.constant true
    %and3A_541 = arith.andi %and3A, %lt3A_540 : i1
    %convert_element_type3A_542 = arith.extui %and3A_541 : i1 to i32
    %cond3A_543 = arith.constant 0 : i32
    %cond3A_544 = arith.cmpi ne, %convert_element_type3A_542, %cond3A_543 : i32
    scf.if %cond3A_544 {
      %dma_wait3A = arith.constant 0 : i32
      %dma_wait3A_545 = arith.constant 0 : i32
      %dma_wait3A_546 = arith.constant 0 : i32
      %dma_wait3A_547 = tpu.memref_slice %arg8[%dma_wait3A_545, %dma_wait3A_546] : memref<160x128xf32, #tpu.memory_space<vmem>> -> memref<80x128xf32, #tpu.memory_space<vmem>>
      %dma_wait3A_548 = arith.constant 0 : i32
      %dma_wait3A_549 = tpu.memref_slice %arg11[%dma_wait3A, %dma_wait3A_548] : memref<2x80xi32, #tpu.memory_space<vmem>> -> memref<1x80xi32, #tpu.memory_space<vmem>>
      %dma_wait3A_550 = tpu.memref_squeeze %dma_wait3A_549 : memref<1x80xi32, #tpu.memory_space<vmem>> -> memref<80xi32, #tpu.memory_space<vmem>>
      %dma_wait3A_551 = arith.constant 0 : i32
      %dma_wait3A_552 = arith.constant 0 : i32
      %dma_wait3A_553 = tpu.memref_slice %arg20[%arg1, %dma_wait3A_551, %dma_wait3A_552] : memref<16x256x128xf32, #tpu.memory_space<vmem_shared>> -> memref<1x256x128xf32, #tpu.memory_space<vmem_shared>>
      %dma_wait3A_554 = tpu.memref_squeeze %dma_wait3A_553 : memref<1x256x128xf32, #tpu.memory_space<vmem_shared>> -> memref<256x128xf32, #tpu.memory_space<vmem_shared>>
      %dma_wait3A_555 = arith.constant 0 : i32
      %dma_wait3A_556 = arith.constant 0 : i32
      %dma_wait3A_557 = tpu.memref_slice %dma_wait3A_554[%dma_wait3A_555, %dma_wait3A_556] : memref<256x128xf32, #tpu.memory_space<vmem_shared>> -> memref<256x128xf32, #tpu.memory_space<vmem_shared>>
      tpu.wait_indirect_dma semaphore(%arg19 : memref<!tpu.dma_semaphore, #tpu.memory_space<semaphore_mem>>) src(%dma_wait3A_547 : memref<80x128xf32, #tpu.memory_space<vmem>>) dst(%dma_wait3A_557 : memref<256x128xf32, #tpu.memory_space<vmem_shared>>)
      %dma_wait3A_558 = arith.constant 1 : i32
      %dma_wait3A_559 = arith.constant 80 : i32
      %dma_wait3A_560 = arith.constant 0 : i32
      %dma_wait3A_561 = tpu.memref_slice %arg8[%dma_wait3A_559, %dma_wait3A_560] : memref<160x128xf32, #tpu.memory_space<vmem>> -> memref<80x128xf32, #tpu.memory_space<vmem>>
      %dma_wait3A_562 = arith.constant 0 : i32
      %dma_wait3A_563 = tpu.memref_slice %arg11[%dma_wait3A_558, %dma_wait3A_562] : memref<2x80xi32, #tpu.memory_space<vmem>> -> memref<1x80xi32, #tpu.memory_space<vmem>>
      %dma_wait3A_564 = tpu.memref_squeeze %dma_wait3A_563 : memref<1x80xi32, #tpu.memory_space<vmem>> -> memref<80xi32, #tpu.memory_space<vmem>>
      %dma_wait3A_565 = arith.constant 0 : i32
      %dma_wait3A_566 = arith.constant 0 : i32
      %dma_wait3A_567 = tpu.memref_slice %arg20[%arg1, %dma_wait3A_565, %dma_wait3A_566] : memref<16x256x128xf32, #tpu.memory_space<vmem_shared>> -> memref<1x256x128xf32, #tpu.memory_space<vmem_shared>>
      %dma_wait3A_568 = tpu.memref_squeeze %dma_wait3A_567 : memref<1x256x128xf32, #tpu.memory_space<vmem_shared>> -> memref<256x128xf32, #tpu.memory_space<vmem_shared>>
      %dma_wait3A_569 = arith.constant 0 : i32
      %dma_wait3A_570 = arith.constant 0 : i32
      %dma_wait3A_571 = tpu.memref_slice %dma_wait3A_568[%dma_wait3A_569, %dma_wait3A_570] : memref<256x128xf32, #tpu.memory_space<vmem_shared>> -> memref<256x128xf32, #tpu.memory_space<vmem_shared>>
      tpu.wait_indirect_dma semaphore(%arg19 : memref<!tpu.dma_semaphore, #tpu.memory_space<semaphore_mem>>) src(%dma_wait3A_561 : memref<80x128xf32, #tpu.memory_space<vmem>>) dst(%dma_wait3A_571 : memref<256x128xf32, #tpu.memory_space<vmem_shared>>)
    } else {
    }
    "tpu.region"() ({
      %run_scoped3A = tpu.sem_alloc : memref<!tpu.dma_semaphore, #tpu.memory_space<semaphore_mem>>
      %dma_start3A = arith.constant 0 : i32
      %dma_start3A_545 = arith.constant 0 : i32
      %dma_start3A_546 = tpu.memref_slice %arg4[%arg0, %arg1, %dma_start3A, %dma_start3A_545] : memref<2x16x256x128xf32, #tpu.memory_space<hbm>> -> memref<1x1x256x128xf32, #tpu.memory_space<hbm>>
      %dma_start3A_547 = tpu.memref_squeeze %dma_start3A_546 : memref<1x1x256x128xf32, #tpu.memory_space<hbm>> -> memref<256x128xf32, #tpu.memory_space<hbm>>
      %dma_start3A_548 = arith.constant 0 : i32
      %dma_start3A_549 = arith.constant 0 : i32
      %dma_start3A_550 = tpu.memref_slice %arg20[%arg1, %dma_start3A_548, %dma_start3A_549] : memref<16x256x128xf32, #tpu.memory_space<vmem_shared>> -> memref<1x256x128xf32, #tpu.memory_space<vmem_shared>>
      %dma_start3A_551 = tpu.memref_squeeze %dma_start3A_550 : memref<1x256x128xf32, #tpu.memory_space<vmem_shared>> -> memref<256x128xf32, #tpu.memory_space<vmem_shared>>
      tpu.enqueue_dma source(%dma_start3A_551 : memref<256x128xf32, #tpu.memory_space<vmem_shared>>) target(%dma_start3A_547 : memref<256x128xf32, #tpu.memory_space<hbm>>) target_semaphore(%run_scoped3A : memref<!tpu.dma_semaphore, #tpu.memory_space<semaphore_mem>>)
      %dma_wait3A = arith.constant 0 : i32
      %dma_wait3A_552 = arith.constant 0 : i32
      %dma_wait3A_553 = tpu.memref_slice %arg4[%arg0, %arg1, %dma_wait3A, %dma_wait3A_552] : memref<2x16x256x128xf32, #tpu.memory_space<hbm>> -> memref<1x1x256x128xf32, #tpu.memory_space<hbm>>
      %dma_wait3A_554 = tpu.memref_squeeze %dma_wait3A_553 : memref<1x1x256x128xf32, #tpu.memory_space<hbm>> -> memref<256x128xf32, #tpu.memory_space<hbm>>
      %dma_wait3A_555 = arith.constant 0 : i32
      %dma_wait3A_556 = arith.constant 0 : i32
      %dma_wait3A_557 = tpu.memref_slice %arg20[%arg1, %dma_wait3A_555, %dma_wait3A_556] : memref<16x256x128xf32, #tpu.memory_space<vmem_shared>> -> memref<1x256x128xf32, #tpu.memory_space<vmem_shared>>
      %dma_wait3A_558 = tpu.memref_squeeze %dma_wait3A_557 : memref<1x256x128xf32, #tpu.memory_space<vmem_shared>> -> memref<256x128xf32, #tpu.memory_space<vmem_shared>>
      tpu.wait_dma2 semaphore(%run_scoped3A : memref<!tpu.dma_semaphore, #tpu.memory_space<semaphore_mem>>) src(%dma_wait3A_558 : memref<256x128xf32, #tpu.memory_space<vmem_shared>>) dst(%dma_wait3A_554 : memref<256x128xf32, #tpu.memory_space<hbm>>)
      tpu.yield
    }) : () -> ()
    "tpu.region"() ({
      %run_scoped3A = tpu.sem_alloc : memref<!tpu.dma_semaphore, #tpu.memory_space<semaphore_mem>>
      %dma_start3A = arith.constant 0 : i32
      %dma_start3A_545 = arith.constant 0 : i32
      %dma_start3A_546 = tpu.memref_slice %arg5[%arg0, %arg1, %dma_start3A, %dma_start3A_545] : memref<2x16x256x16xf32, #tpu.memory_space<hbm>> -> memref<1x1x256x16xf32, #tpu.memory_space<hbm>>
      %dma_start3A_547 = tpu.memref_squeeze %dma_start3A_546 : memref<1x1x256x16xf32, #tpu.memory_space<hbm>> -> memref<256x16xf32, #tpu.memory_space<hbm>>
      %dma_start3A_548 = arith.constant 0 : i32
      %dma_start3A_549 = arith.constant 0 : i32
      %dma_start3A_550 = tpu.memref_slice %arg5[%arg0, %arg1, %dma_start3A_548, %dma_start3A_549] : memref<2x16x256x16xf32, #tpu.memory_space<hbm>> -> memref<1x1x256x16xf32, #tpu.memory_space<hbm>>
      %dma_start3A_551 = tpu.memref_squeeze %dma_start3A_550 : memref<1x1x256x16xf32, #tpu.memory_space<hbm>> -> memref<256x16xf32, #tpu.memory_space<hbm>>
      tpu.enqueue_dma source(%arg12 : memref<256x16xf32, #tpu.memory_space<vmem>>) target(%dma_start3A_551 : memref<256x16xf32, #tpu.memory_space<hbm>>) target_semaphore(%run_scoped3A : memref<!tpu.dma_semaphore, #tpu.memory_space<semaphore_mem>>)
      %dma_wait3A = arith.constant 0 : i32
      %dma_wait3A_552 = arith.constant 0 : i32
      %dma_wait3A_553 = tpu.memref_slice %arg5[%arg0, %arg1, %dma_wait3A, %dma_wait3A_552] : memref<2x16x256x16xf32, #tpu.memory_space<hbm>> -> memref<1x1x256x16xf32, #tpu.memory_space<hbm>>
      %dma_wait3A_554 = tpu.memref_squeeze %dma_wait3A_553 : memref<1x1x256x16xf32, #tpu.memory_space<hbm>> -> memref<256x16xf32, #tpu.memory_space<hbm>>
      %dma_wait3A_555 = arith.constant 0 : i32
      %dma_wait3A_556 = arith.constant 0 : i32
      %dma_wait3A_557 = tpu.memref_slice %arg5[%arg0, %arg1, %dma_wait3A_555, %dma_wait3A_556] : memref<2x16x256x16xf32, #tpu.memory_space<hbm>> -> memref<1x1x256x16xf32, #tpu.memory_space<hbm>>
      %dma_wait3A_558 = tpu.memref_squeeze %dma_wait3A_557 : memref<1x1x256x16xf32, #tpu.memory_space<hbm>> -> memref<256x16xf32, #tpu.memory_space<hbm>>
      tpu.wait_dma2 semaphore(%run_scoped3A : memref<!tpu.dma_semaphore, #tpu.memory_space<semaphore_mem>>) src(%arg12 : memref<256x16xf32, #tpu.memory_space<vmem>>) dst(%dma_wait3A_558 : memref<256x16xf32, #tpu.memory_space<hbm>>)
      tpu.yield
    }) : () -> ()
    return
  }
}

module attributes {stable_mosaic.version = 14 : i64} {
  func.func @_tc_seg_body(%arg0: i32, %arg1: memref<1x1x2000xi32, #tpu.memory_space<vmem>>, %arg2: memref<2000x128xf32, #tpu.memory_space<vmem>>, %arg3: memref<256x128xf32, #tpu.memory_space<vmem>>, %arg4: memref<1x256xf32, #tpu.memory_space<vmem>>, %arg5: memref<256x128xf32, #tpu.memory_space<vmem>>, %arg6: memref<1x256xf32, #tpu.memory_space<vmem>>) attributes {dimension_semantics = [#tpu.dimension_semantics<arbitrary>], iteration_bounds = array<i64: 22>, scalar_prefetch = 0 : i64, scratch_operands = 2 : i64, tpu.core_type = #tpu.core_type<tc>, window_params = [{transform_indices = @transform_0, window_bounds = array<i64: 1, 1, 2000>}, {transform_indices = @transform_1, window_bounds = array<i64: 2000, 128>}, {pipeline_mode = #tpu.pipeline_mode<synchronous>, transform_indices = @transform_2, window_bounds = array<i64: 256, 128>}, {pipeline_mode = #tpu.pipeline_mode<synchronous>, transform_indices = @transform_3, window_bounds = array<i64: 1, 256>}]} {
    %eq3A = arith.constant 0 : i32
    %eq3A_0 = arith.cmpi eq, %arg0, %eq3A : i32
    %convert_element_type3A = arith.extui %eq3A_0 : i1 to i32
    %cond3A = arith.constant 0 : i32
    %cond3A_1 = arith.cmpi ne, %convert_element_type3A, %cond3A : i32
    scf.if %cond3A_1 {
      %broadcast_in_dim3A_33 = arith.constant 0.000000e+00 : f32
      %broadcast_in_dim3A_34 = vector.broadcast %broadcast_in_dim3A_33 : f32 to vector<256x128xf32>
      %swap3A_35 = arith.constant 0 : index
      %swap3A_36 = arith.constant 0 : index
      %swap3A_37 = vector.load %arg5[%swap3A_35, %swap3A_36] : memref<256x128xf32, #tpu.memory_space<vmem>>, vector<256x128xf32>
      tpu.vector_store %arg5[%swap3A_35, %swap3A_36], %broadcast_in_dim3A_34 {strides = array<i32>} : memref<256x128xf32, #tpu.memory_space<vmem>>, vector<256x128xf32>,
      %broadcast_in_dim3A_38 = arith.constant 0.000000e+00 : f32
      %broadcast_in_dim3A_39 = vector.broadcast %broadcast_in_dim3A_38 : f32 to vector<1x256xf32>
      %swap3A_40 = arith.constant 0 : index
      %swap3A_41 = arith.constant 0 : index
      %swap3A_42 = vector.load %arg6[%swap3A_40, %swap3A_41] : memref<1x256xf32, #tpu.memory_space<vmem>>, vector<1x256xf32>
      tpu.vector_store %arg6[%swap3A_40, %swap3A_41], %broadcast_in_dim3A_39 {strides = array<i32>} : memref<1x256xf32, #tpu.memory_space<vmem>>, vector<1x256xf32>,
    } else {
    }
    %get3A = arith.constant 0 : index
    %get3A_2 = arith.constant 0 : index
    %get3A_3 = arith.constant 0 : index
    %get3A_4 = vector.load %arg1[%get3A, %get3A_2, %get3A_3] : memref<1x1x2000xi32, #tpu.memory_space<vmem>>, vector<1x1x2000xi32>
    %get3A_5 = vector.shape_cast %get3A_4 : vector<1x1x2000xi32> to vector<2000xi32>
    %broadcast_in_dim3A = vector.shape_cast %get3A_5 : vector<2000xi32> to vector<2000x1xi32>
    %iota3A = tpu.iota {dimensions = array<i32: 1>} : vector<2000x256xi32>
    %eq3A_6 = vector.broadcast %broadcast_in_dim3A : vector<2000x1xi32> to vector<2000x256xi32>
    %eq3A_7 = arith.cmpi eq, %eq3A_6, %iota3A : vector<2000x256xi32>
    %convert_element_type3A_8 = arith.extui %eq3A_7 : vector<2000x256xi1> to vector<2000x256xi32>
    %convert_element_type3A_9 = arith.sitofp %convert_element_type3A_8 : vector<2000x256xi32> to vector<2000x256xf32>
    %get3A_10 = arith.constant 0 : index
    %get3A_11 = arith.constant 0 : index
    %get3A_12 = vector.load %arg5[%get3A_10, %get3A_11] : memref<256x128xf32, #tpu.memory_space<vmem>>, vector<256x128xf32>
    %get3A_13 = arith.constant 0 : index
    %get3A_14 = arith.constant 0 : index
    %get3A_15 = vector.load %arg2[%get3A_13, %get3A_14] : memref<2000x128xf32, #tpu.memory_space<vmem>>, vector<2000x128xf32>
    %dot_general3A = arith.constant dense<0.000000e+00> : vector<256x128xf32>
    %dot_general3A_16 = tpu.matmul %convert_element_type3A_9, %get3A_15, %dot_general3A {dimension_numbers = #tpu.dot_dimension_numbers<[0], [0], [1], [1], [0, 1, 1, 1], [], []>, transpose_lhs_hint = false} : vector<2000x256xf32>, vector<2000x128xf32>, vector<256x128xf32> -> vector<256x128xf32>
    %add3A = arith.addf %get3A_12, %dot_general3A_16 : vector<256x128xf32>
    %swap3A = arith.constant 0 : index
    %swap3A_17 = arith.constant 0 : index
    %swap3A_18 = vector.load %arg5[%swap3A, %swap3A_17] : memref<256x128xf32, #tpu.memory_space<vmem>>, vector<256x128xf32>
    tpu.vector_store %arg5[%swap3A, %swap3A_17], %add3A {strides = array<i32>} : memref<256x128xf32, #tpu.memory_space<vmem>>, vector<256x128xf32>,
    %get3A_19 = arith.constant 0 : index
    %get3A_20 = arith.constant 0 : index
    %get3A_21 = vector.load %arg6[%get3A_19, %get3A_20] : memref<1x256xf32, #tpu.memory_space<vmem>>, vector<1x256xf32>
    %reduce_sum3A = arith.constant dense<0.000000e+00> : vector<256xf32>
    %reduce_sum3A_22 = vector.multi_reduction <add>, %convert_element_type3A_9, %reduce_sum3A [0] : vector<2000x256xf32> to vector<256xf32>
    %broadcast_in_dim3A_23 = vector.shape_cast %reduce_sum3A_22 : vector<256xf32> to vector<1x256xf32>
    %add3A_24 = arith.addf %get3A_21, %broadcast_in_dim3A_23 : vector<1x256xf32>
    %swap3A_25 = arith.constant 0 : index
    %swap3A_26 = arith.constant 0 : index
    %swap3A_27 = vector.load %arg6[%swap3A_25, %swap3A_26] : memref<1x256xf32, #tpu.memory_space<vmem>>, vector<1x256xf32>
    tpu.vector_store %arg6[%swap3A_25, %swap3A_26], %add3A_24 {strides = array<i32>} : memref<1x256xf32, #tpu.memory_space<vmem>>, vector<1x256xf32>,
    %eq3A_28 = arith.constant 21 : i32
    %eq3A_29 = arith.cmpi eq, %arg0, %eq3A_28 : i32
    %convert_element_type3A_30 = arith.extui %eq3A_29 : i1 to i32
    %cond3A_31 = arith.constant 0 : i32
    %cond3A_32 = arith.cmpi ne, %convert_element_type3A_30, %cond3A_31 : i32
    scf.if %cond3A_32 {
      %get3A_33 = arith.constant 0 : index
      %get3A_34 = arith.constant 0 : index
      %get3A_35 = vector.load %arg5[%get3A_33, %get3A_34] : memref<256x128xf32, #tpu.memory_space<vmem>>, vector<256x128xf32>
      %swap3A_36 = arith.constant 0 : index
      %swap3A_37 = arith.constant 0 : index
      %swap3A_38 = vector.load %arg3[%swap3A_36, %swap3A_37] : memref<256x128xf32, #tpu.memory_space<vmem>>, vector<256x128xf32>
      tpu.vector_store %arg3[%swap3A_36, %swap3A_37], %get3A_35 {strides = array<i32>} : memref<256x128xf32, #tpu.memory_space<vmem>>, vector<256x128xf32>,
      %get3A_39 = arith.constant 0 : index
      %get3A_40 = arith.constant 0 : index
      %get3A_41 = vector.load %arg6[%get3A_39, %get3A_40] : memref<1x256xf32, #tpu.memory_space<vmem>>, vector<1x256xf32>
      %swap3A_42 = arith.constant 0 : index
      %swap3A_43 = arith.constant 0 : index
      %swap3A_44 = vector.load %arg4[%swap3A_42, %swap3A_43] : memref<1x256xf32, #tpu.memory_space<vmem>>, vector<1x256xf32>
      tpu.vector_store %arg4[%swap3A_42, %swap3A_43], %get3A_41 {strides = array<i32>} : memref<1x256xf32, #tpu.memory_space<vmem>>, vector<1x256xf32>,
    } else {
    }
    return
  }
  func.func @transform_0(%arg0: i32) -> (i32, i32, i32) {
    %c0_i32 = arith.constant 0 : i32
    %c0_i32_0 = arith.constant 0 : i32
    %c0_i32_1 = arith.constant 0 : i32
    return %arg0, %c0_i32, %c0_i32_0 : i32, i32, i32
  }
  func.func @transform_1(%arg0: i32) -> (i32, i32) {
    %add3A = arith.constant 28 : i32
    %add3A_0 = arith.addi %arg0, %add3A : i32
    %c0_i32 = arith.constant 0 : i32
    %c0_i32_1 = arith.constant 0 : i32
    return %add3A_0, %c0_i32 : i32, i32
  }
  func.func @transform_2(%arg0: i32) -> (i32, i32) {
    %c0_i32 = arith.constant 0 : i32
    %c0_i32_0 = arith.constant 0 : i32
    %c0_i32_1 = arith.constant 0 : i32
    return %c0_i32, %c0_i32_0 : i32, i32
  }
  func.func @transform_3(%arg0: i32) -> (i32, i32) {
    %c0_i32 = arith.constant 0 : i32
    %c0_i32_0 = arith.constant 0 : i32
    %c0_i32_1 = arith.constant 0 : i32
    return %c0_i32, %c0_i32_0 : i32, i32
  }
}

module attributes {stable_mosaic.version = 14 : i64} {
  func.func @_tc_body(%arg0: memref<32x256x128xf32, #tpu.memory_space<vmem>>, %arg1: memref<32x256x16xf32, #tpu.memory_space<vmem>>, %arg2: memref<256x128xf32, #tpu.memory_space<vmem>>, %arg3: memref<1x256xf32, #tpu.memory_space<vmem>>, %arg4: memref<256x128xf32, #tpu.memory_space<vmem>>, %arg5: memref<256x512xf32, #tpu.memory_space<vmem>>, %arg6: memref<1x512xf32, #tpu.memory_space<vmem>>, %arg7: memref<512x128xf32, #tpu.memory_space<vmem>>, %arg8: memref<1x128xf32, #tpu.memory_space<vmem>>, %arg9: memref<256x128xf32, #tpu.memory_space<vmem>>) attributes {dimension_semantics = [], scalar_prefetch = 0 : i64, scratch_operands = 0 : i64, tpu.core_type = #tpu.core_type<tc>} {
    %get3A = arith.constant 0 : index
    %get3A_0 = arith.constant 0 : index
    %get3A_1 = arith.constant 0 : index
    %get3A_2 = vector.load %arg0[%get3A, %get3A_0, %get3A_1] : memref<32x256x128xf32, #tpu.memory_space<vmem>>, vector<32x256x128xf32>
    %reduce_sum3A = arith.constant dense<0.000000e+00> : vector<256x128xf32>
    %reduce_sum3A_3 = vector.multi_reduction <add>, %get3A_2, %reduce_sum3A [0] : vector<32x256x128xf32> to vector<256x128xf32>
    %get3A_4 = arith.constant 0 : index
    %get3A_5 = arith.constant 0 : index
    %get3A_6 = vector.load %arg2[%get3A_4, %get3A_5] : memref<256x128xf32, #tpu.memory_space<vmem>>, vector<256x128xf32>
    %add3A = arith.addf %reduce_sum3A_3, %get3A_6 : vector<256x128xf32>
    %get3A_7 = arith.constant 0 : index
    %get3A_8 = arith.constant 0 : index
    %get3A_9 = arith.constant 0 : index
    %get3A_10 = vector.load %arg1[%get3A_7, %get3A_8, %get3A_9] : memref<32x256x16xf32, #tpu.memory_space<vmem>>, vector<32x256x16xf32>
    %reduce_sum3A_11 = arith.constant dense<0.000000e+00> : vector<256xf32>
    %reduce_sum3A_12 = vector.multi_reduction <add>, %get3A_10, %reduce_sum3A_11 [0, 2] : vector<32x256x16xf32> to vector<256xf32>
    %get3A_13 = arith.constant 0 : index
    %get3A_14 = arith.constant 0 : index
    %get3A_15 = vector.load %arg3[%get3A_13, %get3A_14] : memref<1x256xf32, #tpu.memory_space<vmem>>, vector<1x256xf32>
    %get3A_16 = vector.shape_cast %get3A_15 : vector<1x256xf32> to vector<256xf32>
    %add3A_17 = arith.addf %reduce_sum3A_12, %get3A_16 : vector<256xf32>
    %max3A = arith.constant 1.000000e+00 : f32
    %max3A_18 = vector.broadcast %max3A : f32 to vector<256xf32>
    %max3A_19 = arith.maximumf %add3A_17, %max3A_18 : vector<256xf32>
    %broadcast_in_dim3A = vector.shape_cast %max3A_19 : vector<256xf32> to vector<256x1xf32>
    %div3A = vector.broadcast %broadcast_in_dim3A : vector<256x1xf32> to vector<256x128xf32>
    %div3A_20 = arith.divf %add3A, %div3A : vector<256x128xf32>
    %get3A_21 = arith.constant 0 : index
    %get3A_22 = arith.constant 0 : index
    %get3A_23 = vector.load %arg4[%get3A_21, %get3A_22] : memref<256x128xf32, #tpu.memory_space<vmem>>, vector<256x128xf32>
    %get3A_24 = arith.constant 0 : index
    %get3A_25 = arith.constant 0 : index
    %get3A_26 = vector.load %arg5[%get3A_24, %get3A_25] : memref<256x512xf32, #tpu.memory_space<vmem>>, vector<128x512xf32>
    %dot_general3A = arith.constant dense<0.000000e+00> : vector<256x512xf32>
    %dot_general3A_27 = tpu.matmul %get3A_23, %get3A_26, %dot_general3A {dimension_numbers = #tpu.dot_dimension_numbers<[1], [0], [0], [1], [0, 0, 1, 1], [], []>, transpose_lhs_hint = false} : vector<256x128xf32>, vector<128x512xf32>, vector<256x512xf32> -> vector<256x512xf32>
    %get3A_28 = arith.constant 128 : index
    %get3A_29 = arith.constant 0 : index
    %get3A_30 = vector.load %arg5[%get3A_28, %get3A_29] : memref<256x512xf32, #tpu.memory_space<vmem>>, vector<128x512xf32>
    %dot_general3A_31 = arith.constant dense<0.000000e+00> : vector<256x512xf32>
    %dot_general3A_32 = tpu.matmul %div3A_20, %get3A_30, %dot_general3A_31 {dimension_numbers = #tpu.dot_dimension_numbers<[1], [0], [0], [1], [0, 0, 1, 1], [], []>, transpose_lhs_hint = false} : vector<256x128xf32>, vector<128x512xf32>, vector<256x512xf32> -> vector<256x512xf32>
    %add3A_33 = arith.addf %dot_general3A_27, %dot_general3A_32 : vector<256x512xf32>
    %get3A_34 = arith.constant 0 : index
    %get3A_35 = arith.constant 0 : index
    %get3A_36 = vector.load %arg6[%get3A_34, %get3A_35] : memref<1x512xf32, #tpu.memory_space<vmem>>, vector<1x512xf32>
    %add3A_37 = vector.broadcast %get3A_36 : vector<1x512xf32> to vector<256x512xf32>
    %add3A_38 = arith.addf %add3A_33, %add3A_37 : vector<256x512xf32>
    %ge3A = arith.constant 0.000000e+00 : f32
    %ge3A_39 = vector.broadcast %ge3A : f32 to vector<256x512xf32>
    %ge3A_40 = arith.cmpf oge, %add3A_38, %ge3A_39 : vector<256x512xf32>
    %mul3A = arith.constant 0.00999999977 : f32
    %mul3A_41 = vector.broadcast %mul3A : f32 to vector<256x512xf32>
    %mul3A_42 = arith.mulf %mul3A_41, %add3A_38 : vector<256x512xf32>
    %select_n3A = arith.select %ge3A_40, %add3A_38, %mul3A_42 : vector<256x512xi1>, vector<256x512xf32>
    %get3A_43 = arith.constant 0 : index
    %get3A_44 = arith.constant 0 : index
    %get3A_45 = vector.load %arg7[%get3A_43, %get3A_44] : memref<512x128xf32, #tpu.memory_space<vmem>>, vector<512x128xf32>
    %dot_general3A_46 = arith.constant dense<0.000000e+00> : vector<256x128xf32>
    %dot_general3A_47 = tpu.matmul %select_n3A, %get3A_45, %dot_general3A_46 {dimension_numbers = #tpu.dot_dimension_numbers<[1], [0], [0], [1], [0, 0, 1, 1], [], []>, transpose_lhs_hint = false} : vector<256x512xf32>, vector<512x128xf32>, vector<256x128xf32> -> vector<256x128xf32>
    %get3A_48 = arith.constant 0 : index
    %get3A_49 = arith.constant 0 : index
    %get3A_50 = vector.load %arg8[%get3A_48, %get3A_49] : memref<1x128xf32, #tpu.memory_space<vmem>>, vector<1x128xf32>
    %add3A_51 = vector.broadcast %get3A_50 : vector<1x128xf32> to vector<256x128xf32>
    %add3A_52 = arith.addf %dot_general3A_47, %add3A_51 : vector<256x128xf32>
    %swap3A = arith.constant 0 : index
    %swap3A_53 = arith.constant 0 : index
    %swap3A_54 = vector.load %arg9[%swap3A, %swap3A_53] : memref<256x128xf32, #tpu.memory_space<vmem>>, vector<256x128xf32>
    tpu.vector_store %arg9[%swap3A, %swap3A_53], %add3A_52 {strides = array<i32>} : memref<256x128xf32, #tpu.memory_space<vmem>>, vector<256x128xf32>,
    return
  }
}

</mosaic_0001>

<sc_bundles>
// kernel: kernel.5.cloned.1.call-start
scs
__scs_entry_jumppad:
0x0: {  	(pc) =	sbr.rel $0x88, $3  }
0x1: {  	(tag) =	ssettag $0x0;
	lr =	simm.s32 $0x1  }
0x2: {  	[smem:$0x3F9A] =	sst lr;
	_ =	strace $0xD0000000  }
0x3: {  	_ = 	snop  }
0x4: {  	_ = 	snop  }
0x5: {  	_ = 	snop  }
0x6: {  	_ = 	snop  }
0x7: {  	_ = 	snop  }
__scs_overlays_trampoline_lowered:
0x8: {  	[smem:$0x3FA9] =	sst s0  }
0x9: {  	[smem:$0x3FAA] =	sst s1  }
0xa: {  	[smem:$0x3FAB] =	sst s2  }
0xb: {  	[smem:$0x3FAC] =	sst s3  }
0xc: {  	[smem:$0x3FAD] =	sst s4  }
0xd: {  	[smem:$0x3FAE] =	sst s5  }
0xe: {  	[smem:$0x3FAF] =	sst s6  }
0xf: {  	[smem:$0x3FB0] =	sst s7  }
0x10: {  	[smem:$0x3FB1] =	sst s8  }
0x11: {  	[smem:$0x3FB2] =	sst s9;
	s0 =	simm.s32 @!p0 $0x0  }
0x12: {  	s1 =	sld [smem:$0x3F98];
	s0 =	simm.s32 @p0 $0x1  }
0x13: {  	[smem:$0x3FB3] =	sst s0;
	s0 =	simm.s32 @!p1 $0x0  }
0x14: {  	s2 =	sld [smem:$0x3F97];
	s0 =	simm.s32 @p1 $0x1  }
0x15: {  	[smem:$0x3FB4] =	sst s0;
	s0 =	simm.s32 @!p2 $0x0  }
0x16: {  	s3 =	sld [smem:$0x3FDB];
	s0 =	simm.s32 @p2 $0x1  }
0x17: {  	s4 =	simm.s32 $0x1BF5;
	[smem:$0x3FB6] =	sst s0  }
0x18: {  	s0 =	sld [smem:$0x3F99];
	_ =	swait.ge [sflag:s4], $0x0  }
0x19: {  	s7 =	sld [smem:$0x3F9A]  }
0x1a: {  	s8 =	sadd.s32 $0xFFFFE003, lr  }
0x1b: {  	s9 =	sadd.s32 $0xFFFFFEF7, lr;
	s5 =	simm.s32 $0xFFFFFFFF;
	p2 =	slt.u32 s8, $0xFFFFF086  }
0x1c: {  	p1 =	slt.u32 s9, $0xF7A;
	s5 =	simm.s32 @!p2 $0x0  }
0x1d: {  	s5 =	simm.s32 @p1 $0x1;
	p0 =	seq.s32 s7, s2  }
0x1e: {  	s7 =	smul.u32 @!p0 $0xF7A, s2;
	p2 =	seq.s32 @!p0 s5, $0x0  }
0x1f: {  	s9 =	smul.u32 $0xF7A, s1;
	s8 =	simm.s32 @!p0 $0x1BF5;
	p2 =	por !p2, p0  }
0x20: {  	[sflag:s8] =	ssyncset.s32 @!p0 $0xFFFFF086;
	s6 =	sadd.s32 @!p0 s3, s7;
	s7 =	simm.s32 @!p0 $0x108  }
0x21: {  	s3 =	sadd.s32 s3, s9;
	s6 =	sadd.s32 @!p0 $0x88, s6;
	s7 =	simm.s32 @p2 $0x1082  }
0x22: {  	[simem:s7], [sflag:s8] =	dma.local @!p0 [hbm:s6], $0xF7A  }
0x23: {  	s9 =	sor.u32 $0xD0000000, s2;
	s6 =	simm.s32 $0x108;
	_ =	swait.ge @!p0 [sflag:s8], $0x0  }
0x24: {  	s3 =	sadd.s32 $0x88, s3;
	s6 =	simm.s32 @!p1 $0x1082;
	[sflag:s4] =	ssyncset.s32 $0xFFFFF086  }
0x25: {  	[simem:s6], [sflag:s4] =	dma.local [hbm:s3], $0xF7A  }
0x26: {  	[smem:$0x3F9A] =	sst s1;
	(tag) =	ssettag s2;
	_ =	strace s9  }
0x27: {  	s1 =	sld [smem:$0x3FAA]  }
0x28: {  	s2 =	sld [smem:$0x3FAB]  }
0x29: {  	s4 =	sld [smem:$0x3FAD]  }
0x2a: {  	p0 =	seq.s32 s5, $0x0;
	s5 =	sld [smem:$0x3FAE]  }
0x2b: {  	s6 =	sld [smem:$0x3FAF]  }
0x2c: {  	s7 =	sld [smem:$0x3FB0]  }
0x2d: {  	s3 =	simm.s32 $0x108;
	s8 =	sld [smem:$0x3FB1]  }
0x2e: {  	s3 =	simm.s32 @!p0 $0x1082;
	s9 =	sld [smem:$0x3FB2]  }
0x2f: {  	lr =	sadd.s32 s0, s3;
	s0 =	sld [smem:$0x3FA9]  }
0x30: {  	s3 =	sld [smem:$0x3FAC]  }
0x31: {  	[smem:$0x3FB5] =	sst s10  }
0x32: {  	s10 =	sld [smem:$0x3FB3];
	_ =	sdelay $0x3  }
0x33: {  	p0 =	seq.s32 s10, $0x1;
	s10 =	sld [smem:$0x3FB5];
	_ =	sdelay $0x3  }
0x34: {  	[smem:$0x3FB5] =	sst s10  }
0x35: {  	s10 =	sld [smem:$0x3FB4];
	_ =	sdelay $0x3  }
0x36: {  	p1 =	seq.s32 s10, $0x1;
	s10 =	sld [smem:$0x3FB5];
	_ =	sdelay $0x3  }
0x37: {  	[smem:$0x3FB5] =	sst s10  }
0x38: {  	s10 =	sld [smem:$0x3FB6]  }
0x39: {  	_ = 	snop;
	(pc) =	sbr.ind lr, $3  }
0x3a: {  	_ = 	snop  }
0x3b: {  	_ = 	snop  }
0x3c: {  	p2 =	seq.s32 s10, $0x1;
	s10 =	sld [smem:$0x3FB5]  }
0x3d: {  	_ =	shalt  }
0x3e: {  	_ =	shalt  }
0x3f: {  	_ =	shalt  }
0x40: {  	_ =	shalt  }
0x41: {  	_ =	shalt  }
0x42: {  	_ =	shalt  }
0x43: {  	_ =	shalt  }
0x44: {  	_ =	shalt  }
0x45: {  	_ =	shalt  }
0x46: {  	_ =	shalt  }
0x47: {  	_ =	shalt  }
0x48: {  	_ =	shalt  }
0x49: {  	_ =	shalt  }
0x4a: {  	_ =	shalt  }
0x4b: {  	_ =	shalt  }
0x4c: {  	_ =	shalt  }
0x4d: {  	_ =	shalt  }
0x4e: {  	_ =	shalt  }
0x4f: {  	_ =	shalt  }
0x50: {  	_ =	shalt  }
0x51: {  	_ =	shalt  }
0x52: {  	_ =	shalt  }
0x53: {  	_ =	shalt  }
0x54: {  	_ =	shalt  }
0x55: {  	_ =	shalt  }
0x56: {  	_ =	shalt  }
0x57: {  	_ =	shalt  }
0x58: {  	_ =	shalt  }
0x59: {  	_ =	shalt  }
0x5a: {  	_ =	shalt  }
0x5b: {  	_ =	shalt  }
0x5c: {  	_ =	shalt  }
0x5d: {  	_ =	shalt  }
0x5e: {  	_ =	shalt  }
0x5f: {  	_ =	shalt  }
0x60: {  	_ =	shalt  }
0x61: {  	_ =	shalt  }
0x62: {  	_ =	shalt  }
0x63: {  	_ =	shalt  }
0x64: {  	_ =	shalt  }
0x65: {  	_ =	shalt  }
0x66: {  	_ =	shalt  }
0x67: {  	_ =	shalt  }
0x68: {  	_ =	shalt  }
0x69: {  	_ =	shalt  }
0x6a: {  	_ =	shalt  }
0x6b: {  	_ =	shalt  }
0x6c: {  	_ =	shalt  }
0x6d: {  	_ =	shalt  }
0x6e: {  	_ =	shalt  }
0x6f: {  	_ =	shalt  }
0x70: {  	_ =	shalt  }
0x71: {  	_ =	shalt  }
0x72: {  	_ =	shalt  }
0x73: {  	_ =	shalt  }
0x74: {  	_ =	shalt  }
0x75: {  	_ =	shalt  }
0x76: {  	_ =	shalt  }
0x77: {  	_ =	shalt  }
0x78: {  	_ =	shalt  }
0x79: {  	_ =	shalt  }
0x7a: {  	_ =	shalt  }
0x7b: {  	_ =	shalt  }
0x7c: {  	_ =	shalt  }
0x7d: {  	_ =	shalt  }
0x7e: {  	_ =	shalt  }
0x7f: {  	_ =	shalt  }
0x80: {  	_ =	shalt  }
0x81: {  	_ =	shalt  }
0x82: {  	_ =	shalt  }
0x83: {  	_ =	shalt  }
0x84: {  	_ =	shalt  }
0x85: {  	_ =	shalt  }
0x86: {  	_ =	shalt  }
0x87: {  	_ =	shalt  }
.Lfunc_end0:
.L_simem_size_0:
called_computation_lowered:
.L_overlay_start_0:
0x88: {  	s2 =	sld [smem:$0x3FD9]  }
0x89: {  	s3 =	sld [smem:$0x3FFE];
	_ =	sdelay $0x1  }
0x8a: {  	s1 =	srdreg.scid  }
0x8b: {  	s0 =	sand.u32 $0x1, s1  }
0x8c: {  	s17 =	sshll.u32 s0, $0xA;
	s2 =	sadd.s32 s3, s2  }
0x8d: {  	s2 =	sadd.s32 s2, s17  }
0x8e: {  	[smem:$0x3FC1] =	sst s2  }
0x8f: {  	_ = 	snop  }
0x90: {  	s2 =	sld [smem:$0x3FC9];
	(tm) =	ssettm $0x1  }
0x91: {  	s18 =	sld [smem:$0x3FFB];
	_ =	sdelay $0x3  }
0x92: {  	_ =	strace s18  }
0x93: {  	s3 =	sld [smem:$0x3FFC];
	_ =	sdelay $0x3  }
0x94: {  	_ =	strace s3  }
0x95: {  	s3 =	sld [smem:$0x3FFD];
	_ =	sdelay $0x3  }
0x96: {  	_ =	strace s3  }
0x97: {  	_ =	strace $0x8FFFFFFF  }
0x98: {  	s19 =	sld [smem:$0x3FDB];
	_ =	sdelay $0x1  }
0x99: {  	s4 =	simm.s32 $_scs_section_size  }
0x9a: {  	s5 =	simm.s32 $_size__tile_overlayer_lowered;
	s6 =	simm.s32 $_tile_overlayer_lowered  }
0x9b: {  	s22 =	simm.s32 $0x1BFF;
	s21 =	sshll.u32 s6, $0x1;
	s3 =	sadd.s32 s4, s19  }
0x9c: {  	s7 =	simm.s32 $0x0;
	s20 =	sshll.u32 s5, $0x1;
	s5 =	sadd.s32 s21, s3  }
0x9d: {  	[timem:s7], [sflag:s22] =	dma.local [hbm:s5], s20  }
0x9e: {  	_ =	swait.ge [sflag:s22], s20  }
0x9f: {  	s4 =	ssub.s32 $0x0, s20;
	[sflag:s22] =	ssyncset.done $0x0  }
0xa0: {  	[sflag:s22] =	ssyncadd.s32 s4;
	_ =	sdelay $0x1  }
0xa1: {  	s23 =	simm.s32 $0x1B8B  }
0xa2: {  	_ =	swait.ge [sflag:s23], $0x1  }
0xa3: {  	[sflag:s23] =	ssyncset.done $0x0  }
0xa4: {  	s25 =	simm.s32 $0x1B8E;
	s24 =	sld [smem:$0x3FFE];
	[sflag:s23] =	ssyncadd.s32 $0xFFFFFFFF  }
0xa5: {  	s26 =	simm.s32 $execute0_lowered;
	[smem:$0x3FD2] =	sst s25  }
0xa6: {  	s5 =	sshll.u32 s26, $0x1;
	_ =	strace $0x80000046;
	[dreg:$0x1] =	wrdreg $0xFFFFFFFF  }
0xa7: {  	s28 =	simm.s32 $_size_execute0_lowered;
	s3 =	sadd.s32 s3, s5;
	[dreg:$0x0] =	wrdreg $0x0  }
0xa8: {  	s5 =	sshll.u32 s28, $0x1;
	[dreg:$0x2] =	wrdreg s3  }
0xa9: {  	[dreg:$0x3] =	wrdreg s5  }
0xaa: {  	[dreg:$0x4] =	wrdreg $0xC0  }
0xab: {  	_ =	task [dreg:s7], $0x5FFFF  }
0xac: {  	[dreg:$0x1] =	wrdreg $0xFFFFFFFF  }
0xad: {  	[dreg:$0x0] =	wrdreg $0x60  }
0xae: {  	[dreg:$0x2] =	wrdreg s2  }
0xaf: {  	[dreg:$0x3] =	wrdreg s24  }
0xb0: {  	[dreg:$0x4] =	wrdreg $0x17B000  }
0xb1: {  	[dreg:$0x5] =	wrdreg $0x9  }
0xb2: {  	_ =	task.clear_ibuf [dreg:s7], $0x6FFFF;
	_ =	strace $0x90000046  }
0xb3: {  	s29 =	simm.s32 $0x9;
	_ =	strace $0x80000048  }
0xb4: {  	_ =	swait.ge [sflag:s29], $0x1  }
0xb5: {  	[sflag:s29] =	ssyncadd.s32 $0xFFFFFFFF  }
0xb6: {  	_ =	strace $0x90000048  }
0xb7: {  	_ =	sfence  }
0xb8: {  	s30 =	sld [smem:$0x0];
	_ =	sdelay $0x2  }
0xb9: {  	s31 =	sshll.u32 s1, $0xD;
	s1 =	sshrl.u32 s1, $0x2  }
0xba: {  	s3 =	sand.u32 $0x4000, s31;
	s1 =	sadd.s32 s1, s30  }
0xbb: {  	s0 =	sor.u32 s3, s0;
	s1 =	sshll.u32 s1, $0x11  }
0xbc: {  	s0 =	sor.u32 s1, s0  }
0xbd: {  	s0 =	sadd.s32 $0x8F2B, s0  }
0xbe: {  	[sflag:s0] =	ssyncadd.remote.s32 $0x1  }
0xbf: {  	_ =	sfence.sel $0xFFFF  }
0xc0: {  	[dreg:$0x0] =	wrdreg $0xFFFFFFFF;
	(pc) =	sbr.abs _section_cstart, $3  }
0xc1: {  	[dreg:$0x1] =	wrdreg $0xFFFFFFFF  }
0xc2: {  	_ =	task.clear_ibuf [dreg:s7], $0x2FFFF;
	_ =	strace $0x9FFFFFFF  }
0xc3: {  	(tm) =	ssettm $0x7FFFFFFF  }
tec
execute0_lowered:
.L_overlay_start_1:
0x0: {  	(tag) =	ssettag $0x1  }
0x1: {  	s0 =	rddreg [dreg:$0x0]  }
0x2: {  	s1 =	rddreg [dreg:$0x1]  }
0x3: {  	s3 =	rddreg [dreg:$0x2]  }
0x4: {  	s2 =	srdreg.scid;
	s14 =	stileid.u32  }
0x5: {  	s5 =	sand.u32 $0x1, s2;
	s2 =	simm.s32 $0x0;
	s4 =	sshll.u32 s14, $0xF  }
0x6: {  	s7 =	sadd.s32 $0x1800, s1;
	s9 =	sshll.u32 s14, $0x1;
	s13 =	smul.u32 $0x1400, s14  }
0x7: {  	s6 =	sshll.u32 s5, $0x13;
	[smem:$0x7FF] =	sst s2;
	s17 =	ssub.s32 $0x2, s5  }
0x8: {  	s3 =	sadd.s32 s4, s3;
	s6 =	sor.u32 s4, s6;
	_ =	strace $0x80000047  }
0x9: {  	s8 =	sshrl.u32 s17, $0x1;
	s4 =	sor.u32 s5, s9;
	s18 =	sadd.s32 $0x800, s3  }
0xa: {  	s19 =	sadd.s32 $0x1000, s3;
	s20 =	sadd.s32 $0x1800, s3;
	[dreg:$0x7] =	wrdreg s18  }
0xb: {  	s21 =	sadd.s32 $0x2000, s3;
	s22 =	sadd.s32 $0x2800, s3;
	[dreg:$0x8] =	wrdreg s19  }
0xc: {  	s23 =	sadd.s32 $0x3000, s3;
	s10 =	sadd.s32 $0x3800, s3;
	[dreg:$0x9] =	wrdreg s20  }
0xd: {  	s25 =	sadd.s32 $0x4000, s3;
	s9 =	sxor.u32 $0x13E, s9;
	[dreg:$0xa] =	wrdreg s21  }
0xe: {  	s28 =	sadd.s32 $0x5800, s3;
	s29 =	sadd.s32 $0x6000, s3;
	[dreg:$0xb] =	wrdreg s22  }
0xf: {  	s30 =	sadd.s32 $0x6800, s3;
	s31 =	sadd.s32 $0x7000, s3;
	[dreg:$0xc] =	wrdreg s23  }
0x10: {  	s6 =	sshrl.u32 s6, $0x3;
	s24 =	smul.u32 $0xA00, s4;
	[dreg:$0xd] =	wrdreg s10  }
0x11: {  	[dreg:$0xe] =	wrdreg s25;
	s26 =	sshll.u32 s4, $0x5;
	s11 =	sor.u32 $0x20, s4  }
0x12: {  	[dreg:$0x6] =	wrdreg s9;
	s20 =	sshll.u32 s14, $0x6;
	s23 =	simm.s32 $0xF080  }
0x13: {  	s25 =	simm.s32 $0x2800;
	s1 =	sadd.s32 s6, s1;
	s6 =	ssub.s32 s17, s8  }
0x14: {  	s15 =	sand.u32 $0x60, s26;
	s12 =	sadd.s32 s7, s26;
	s16 =	smul.u32 $0xA00, s11  }
0x15: {  	s11 =	sshll.u32 s11, $0x5;
	s17 =	smul.u32 $0xA00, s5;
	[dreg:$0x13] =	wrdreg s20  }
0x16: {  	s18 =	sor.u32 $0x1000, s26;
	s5 =	sshll.u32 s5, $0x5;
	[dreg:$0x5] =	wrdreg s23  }
0x17: {  	s21 =	sor.u32 $0xC00, s26;
	s10 =	sor.u32 $0x800, s26;
	[dreg:$0x4] =	wrdreg s25  }
0x18: {  	s8 =	sadd.s32 s0, s24;
	[dreg:$0x10] =	wrdreg s12;
	s11 =	sand.u32 $0x780, s11  }
0x19: {  	s19 =	sand.u32 $0x1380, s18;
	s5 =	sor.u32 s5, s20;
	s9 =	sand.u32 $0xF80, s21  }
0x1a: {  	s10 =	sand.u32 $0xB80, s10;
	s24 =	sadd.s32 $0x4800, s3;
	s26 =	sadd.s32 $0x4400, s1  }
0x1b: {  	s23 =	sadd.s32 $0x24400, s1;
	s1 =	simm.s32 $0x17300;
	[dreg:$0xf] =	wrdreg s8  }
0x1c: {  	s8 =	sadd.s32 s7, s15;
	s12 =	sadd.s32 s0, s16;
	s0 =	sadd.s32 s13, s0  }
0x1d: {  	s5 =	sand.u32 $0x60, s5;
	s22 =	sadd.s32 s9, s7;
	[dreg:$0x17] =	wrdreg s24  }
0x1e: {  	[dreg:$0x18] =	wrdreg s26;
	s24 =	smax.u32 s6, $0x1;
	s26 =	sadd.s32 $0x5000, s3  }
0x1f: {  	s6 =	simm.s32 $0xF000;
	s9 =	simm.s32 $0xF300;
	[dreg:$0x11] =	wrdreg s12  }
0x20: {  	s8 =	sadd.s32 s11, s8;
	s0 =	sadd.s32 s17, s0;
	s11 =	simm.s32 $0x0  }
0x21: {  	[dreg:$0x12] =	wrdreg s8;
	s8 =	sadd.s32 s19, s7;
	s7 =	sadd.s32 s10, s7  }
0x22: {  	s16 =	sadd.s32 $0x50000, s0;
	s0 =	sadd.s32 $0x7800, s3;
	s8 =	sadd.s32 s5, s8  }
0x23: {  	s10 =	simm.s32 $0x4;
	[dreg:$0x14] =	wrdreg s8;
	s8 =	sadd.s32 s5, s22  }
0x24: {  	s5 =	sadd.s32 s5, s7;
	s7 =	simm.s32 $0x1;
	[dreg:$0x15] =	wrdreg s8  }
0x25: {  	v0 =	vimm.f32 $0.0e+00;
	v1 =	vlaneseq.u32;
	v2 =	vimm.f32 $1.000000000e+00;
	[dreg:$0x16] =	wrdreg s5;
	s5 =	simm.s32 $0x7;
	s8 =	simm.s32 $0x50  }
.LBB2_1:
0x26: {  	[tilespmem:$0x17300] =	vst v0  }
0x27: {  	[tilespmem:$0x17310] =	vst v0  }
0x28: {  	[tilespmem:$0x17320] =	vst v0  }
0x29: {  	[tilespmem:$0x17330] =	vst v0  }
0x2a: {  	[tilespmem:$0x17340] =	vst v0  }
0x2b: {  	[tilespmem:$0x17350] =	vst v0  }
0x2c: {  	[tilespmem:$0x17360] =	vst v0  }
0x2d: {  	[tilespmem:$0x17370] =	vst v0  }
0x2e: {  	[tilespmem:$0x17380] =	vst v0  }
0x2f: {  	[tilespmem:$0x17390] =	vst v0  }
0x30: {  	[tilespmem:$0x173A0] =	vst v0  }
0x31: {  	[tilespmem:$0x173B0] =	vst v0  }
0x32: {  	[tilespmem:$0x173C0] =	vst v0  }
0x33: {  	[tilespmem:$0x173D0] =	vst v0  }
0x34: {  	[tilespmem:$0x173E0] =	vst v0  }
0x35: {  	[tilespmem:$0x173F0] =	vst v0  }
0x36: {  	[tilespmem:$0x17400] =	vst v0  }
0x37: {  	[tilespmem:$0x17410] =	vst v0  }
0x38: {  	[tilespmem:$0x17420] =	vst v0  }
0x39: {  	[tilespmem:$0x17430] =	vst v0  }
0x3a: {  	[tilespmem:$0x17440] =	vst v0  }
0x3b: {  	[tilespmem:$0x17450] =	vst v0  }
0x3c: {  	[tilespmem:$0x17460] =	vst v0  }
0x3d: {  	[tilespmem:$0x17470] =	vst v0  }
0x3e: {  	[tilespmem:$0x17480] =	vst v0  }
0x3f: {  	[tilespmem:$0x17490] =	vst v0  }
0x40: {  	[tilespmem:$0x174A0] =	vst v0  }
0x41: {  	[tilespmem:$0x174B0] =	vst v0  }
0x42: {  	[tilespmem:$0x174C0] =	vst v0  }
0x43: {  	[tilespmem:$0x174D0] =	vst v0  }
0x44: {  	[tilespmem:$0x174E0] =	vst v0  }
0x45: {  	[tilespmem:$0x174F0] =	vst v0  }
0x46: {  	[tilespmem:$0x17500] =	vst v0  }
0x47: {  	[tilespmem:$0x17510] =	vst v0  }
0x48: {  	[tilespmem:$0x17520] =	vst v0  }
0x49: {  	[tilespmem:$0x17530] =	vst v0  }
0x4a: {  	[tilespmem:$0x17540] =	vst v0  }
0x4b: {  	[tilespmem:$0x17550] =	vst v0  }
0x4c: {  	[tilespmem:$0x17560] =	vst v0  }
0x4d: {  	[tilespmem:$0x17570] =	vst v0  }
0x4e: {  	[tilespmem:$0x17580] =	vst v0  }
0x4f: {  	[tilespmem:$0x17590] =	vst v0  }
0x50: {  	[tilespmem:$0x175A0] =	vst v0  }
0x51: {  	[tilespmem:$0x175B0] =	vst v0  }
0x52: {  	[tilespmem:$0x175C0] =	vst v0  }
0x53: {  	[tilespmem:$0x175D0] =	vst v0  }
0x54: {  	[tilespmem:$0x175E0] =	vst v0  }
0x55: {  	[tilespmem:$0x175F0] =	vst v0  }
0x56: {  	[tilespmem:$0x17600] =	vst v0  }
0x57: {  	[tilespmem:$0x17610] =	vst v0  }
0x58: {  	[tilespmem:$0x17620] =	vst v0  }
0x59: {  	[tilespmem:$0x17630] =	vst v0  }
0x5a: {  	[tilespmem:$0x17640] =	vst v0  }
0x5b: {  	[tilespmem:$0x17650] =	vst v0  }
0x5c: {  	[tilespmem:$0x17660] =	vst v0  }
0x5d: {  	[tilespmem:$0x17670] =	vst v0  }
0x5e: {  	[tilespmem:$0x17680] =	vst v0  }
0x5f: {  	[tilespmem:$0x17690] =	vst v0  }
0x60: {  	[tilespmem:$0x176A0] =	vst v0  }
0x61: {  	[tilespmem:$0x176B0] =	vst v0  }
0x62: {  	[tilespmem:$0x176C0] =	vst v0  }
0x63: {  	[tilespmem:$0x176D0] =	vst v0  }
0x64: {  	[tilespmem:$0x176E0] =	vst v0  }
0x65: {  	[tilespmem:$0x176F0] =	vst v0  }
0x66: {  	[tilespmem:$0x17700] =	vst v0  }
0x67: {  	[tilespmem:$0x17710] =	vst v0  }
0x68: {  	[tilespmem:$0x17720] =	vst v0  }
0x69: {  	[tilespmem:$0x17730] =	vst v0  }
0x6a: {  	[tilespmem:$0x17740] =	vst v0  }
0x6b: {  	[tilespmem:$0x17750] =	vst v0  }
0x6c: {  	[tilespmem:$0x17760] =	vst v0  }
0x6d: {  	[tilespmem:$0x17770] =	vst v0  }
0x6e: {  	[tilespmem:$0x17780] =	vst v0  }
0x6f: {  	[tilespmem:$0x17790] =	vst v0  }
0x70: {  	[tilespmem:$0x177A0] =	vst v0  }
0x71: {  	[tilespmem:$0x177B0] =	vst v0  }
0x72: {  	[tilespmem:$0x177C0] =	vst v0  }
0x73: {  	[tilespmem:$0x177D0] =	vst v0  }
0x74: {  	[tilespmem:$0x177E0] =	vst v0  }
0x75: {  	[tilespmem:$0x177F0] =	vst v0  }
0x76: {  	[tilespmem:$0x17800] =	vst v0  }
0x77: {  	[tilespmem:$0x17810] =	vst v0  }
0x78: {  	[tilespmem:$0x17820] =	vst v0  }
0x79: {  	[tilespmem:$0x17830] =	vst v0  }
0x7a: {  	[tilespmem:$0x17840] =	vst v0  }
0x7b: {  	[tilespmem:$0x17850] =	vst v0  }
0x7c: {  	[tilespmem:$0x17860] =	vst v0  }
0x7d: {  	[tilespmem:$0x17870] =	vst v0  }
0x7e: {  	[tilespmem:$0x17880] =	vst v0  }
0x7f: {  	[tilespmem:$0x17890] =	vst v0  }
0x80: {  	[tilespmem:$0x178A0] =	vst v0  }
0x81: {  	[tilespmem:$0x178B0] =	vst v0  }
0x82: {  	[tilespmem:$0x178C0] =	vst v0  }
0x83: {  	[tilespmem:$0x178D0] =	vst v0  }
0x84: {  	[tilespmem:$0x178E0] =	vst v0  }
0x85: {  	[tilespmem:$0x178F0] =	vst v0  }
0x86: {  	[tilespmem:$0x17900] =	vst v0  }
0x87: {  	[tilespmem:$0x17910] =	vst v0  }
0x88: {  	[tilespmem:$0x17920] =	vst v0  }
0x89: {  	[tilespmem:$0x17930] =	vst v0  }
0x8a: {  	[tilespmem:$0x17940] =	vst v0  }
0x8b: {  	[tilespmem:$0x17950] =	vst v0  }
0x8c: {  	[tilespmem:$0x17960] =	vst v0  }
0x8d: {  	[tilespmem:$0x17970] =	vst v0  }
0x8e: {  	[tilespmem:$0x17980] =	vst v0  }
0x8f: {  	[tilespmem:$0x17990] =	vst v0  }
0x90: {  	[tilespmem:$0x179A0] =	vst v0  }
0x91: {  	[tilespmem:$0x179B0] =	vst v0  }
0x92: {  	[tilespmem:$0x179C0] =	vst v0  }
0x93: {  	[tilespmem:$0x179D0] =	vst v0  }
0x94: {  	[tilespmem:$0x179E0] =	vst v0  }
0x95: {  	[tilespmem:$0x179F0] =	vst v0  }
0x96: {  	[tilespmem:$0x17A00] =	vst v0  }
0x97: {  	[tilespmem:$0x17A10] =	vst v0  }
0x98: {  	[tilespmem:$0x17A20] =	vst v0  }
0x99: {  	[tilespmem:$0x17A30] =	vst v0  }
0x9a: {  	[tilespmem:$0x17A40] =	vst v0  }
0x9b: {  	[tilespmem:$0x17A50] =	vst v0  }
0x9c: {  	[tilespmem:$0x17A60] =	vst v0  }
0x9d: {  	[tilespmem:$0x17A70] =	vst v0  }
0x9e: {  	[tilespmem:$0x17A80] =	vst v0  }
0x9f: {  	[tilespmem:$0x17A90] =	vst v0  }
0xa0: {  	[tilespmem:$0x17AA0] =	vst v0  }
0xa1: {  	[tilespmem:$0x17AB0] =	vst v0  }
0xa2: {  	[tilespmem:$0x17AC0] =	vst v0  }
0xa3: {  	[tilespmem:$0x17AD0] =	vst v0  }
0xa4: {  	[tilespmem:$0x17AE0] =	vst v0  }
0xa5: {  	[tilespmem:$0x17AF0] =	vst v0;
	s12 =	simm.s32 $0x200;
	s15 =	simm.s32 $0x0  }
.LBB2_2:
0xa6: {  	p0 =	sne.s32 s12, $0x1FE00;
	[tilespmem:s15+$0xF300] =	vst v0;
	s15 =	smov.u32 s12;
	s12 =	sadd.s32 $0x200, s12  }
.Ltmp0:
0xa7: {  	(pc) =	sbr.rel @p0 .LBB2_2-.Ltmp0, $2  }
0xa8: {  	_ =	sdelay $0x2  }
0xa9: {  	s15 =	sshra.s32 s15, $0x2  }
0xaa: {  	[tilespmem:s15+$0xF300] =	vst v0  }
0xab: {  	[spmem:s3] =	stream.linear.scatter [tilespmem:s1], [sflag:$0x7], $0x800, $0x38;
	[tilespmem:$0x1FB00] =	vst v63  }
0xac: {  	_ =	swait.ge [sflag:s5], $0x800  }
0xad: {  	[sflag:s5] =	ssyncset.done $0x0  }
0xae: {  	s12 =	rddreg [dreg:$0x7];
	[sflag:s5] =	ssyncadd.s32 $0xFFFFF800  }
0xaf: {  	[spmem:s12] =	stream.linear.scatter [tilespmem:s1], [sflag:$0x7], $0x800, $0x38;
	[tilespmem:$0x1FB00] =	vst v63  }
0xb0: {  	_ =	swait.ge [sflag:s5], $0x800  }
0xb1: {  	[sflag:s5] =	ssyncset.done $0x0  }
0xb2: {  	s22 =	rddreg [dreg:$0x8];
	[sflag:s5] =	ssyncadd.s32 $0xFFFFF800  }
0xb3: {  	[spmem:s22] =	stream.linear.scatter [tilespmem:s1], [sflag:$0x7], $0x800, $0x38;
	[tilespmem:$0x1FB00] =	vst v63  }
0xb4: {  	_ =	swait.ge [sflag:s5], $0x800  }
0xb5: {  	[sflag:s5] =	ssyncset.done $0x0  }
0xb6: {  	s25 =	rddreg [dreg:$0x9];
	[sflag:s5] =	ssyncadd.s32 $0xFFFFF800  }
0xb7: {  	[spmem:s25] =	stream.linear.scatter [tilespmem:s1], [sflag:$0x7], $0x800, $0x38;
	[tilespmem:$0x1FB00] =	vst v63  }
0xb8: {  	_ =	swait.ge [sflag:s5], $0x800  }
0xb9: {  	[sflag:s5] =	ssyncset.done $0x0  }
0xba: {  	s13 =	rddreg [dreg:$0xa];
	[sflag:s5] =	ssyncadd.s32 $0xFFFFF800  }
0xbb: {  	[spmem:s13] =	stream.linear.scatter [tilespmem:s1], [sflag:$0x7], $0x800, $0x38;
	[tilespmem:$0x1FB00] =	vst v63  }
0xbc: {  	_ =	swait.ge [sflag:s5], $0x800  }
0xbd: {  	[sflag:s5] =	ssyncset.done $0x0  }
0xbe: {  	s14 =	rddreg [dreg:$0xb];
	[sflag:s5] =	ssyncadd.s32 $0xFFFFF800  }
0xbf: {  	[spmem:s14] =	stream.linear.scatter [tilespmem:s1], [sflag:$0x7], $0x800, $0x38;
	[tilespmem:$0x1FB00] =	vst v63  }
0xc0: {  	_ =	swait.ge [sflag:s5], $0x800  }
0xc1: {  	[sflag:s5] =	ssyncset.done $0x0  }
0xc2: {  	s15 =	rddreg [dreg:$0xc];
	[sflag:s5] =	ssyncadd.s32 $0xFFFFF800  }
0xc3: {  	[spmem:s15] =	stream.linear.scatter [tilespmem:s1], [sflag:$0x7], $0x800, $0x38;
	[tilespmem:$0x1FB00] =	vst v63  }
0xc4: {  	_ =	swait.ge [sflag:s5], $0x800  }
0xc5: {  	[sflag:s5] =	ssyncset.done $0x0  }
0xc6: {  	s17 =	rddreg [dreg:$0xd];
	[sflag:s5] =	ssyncadd.s32 $0xFFFFF800  }
0xc7: {  	[spmem:s17] =	stream.linear.scatter [tilespmem:s1], [sflag:$0x7], $0x800, $0x38;
	[tilespmem:$0x1FB00] =	vst v63  }
0xc8: {  	_ =	swait.ge [sflag:s5], $0x800  }
0xc9: {  	[sflag:s5] =	ssyncset.done $0x0  }
0xca: {  	s18 =	rddreg [dreg:$0xe];
	[sflag:s5] =	ssyncadd.s32 $0xFFFFF800  }
0xcb: {  	[spmem:s18] =	stream.linear.scatter [tilespmem:s1], [sflag:$0x7], $0x800, $0x38;
	[tilespmem:$0x1FB00] =	vst v63  }
0xcc: {  	_ =	swait.ge [sflag:s5], $0x800  }
0xcd: {  	[sflag:s5] =	ssyncset.done $0x0  }
0xce: {  	s19 =	rddreg [dreg:$0x17];
	[sflag:s5] =	ssyncadd.s32 $0xFFFFF800  }
0xcf: {  	[spmem:s19] =	stream.linear.scatter [tilespmem:s1], [sflag:$0x7], $0x800, $0x38;
	[tilespmem:$0x1FB00] =	vst v63  }
0xd0: {  	_ =	swait.ge [sflag:s5], $0x800  }
0xd1: {  	[sflag:s5] =	ssyncset.done $0x0  }
0xd2: {  	[sflag:s5] =	ssyncadd.s32 $0xFFFFF800  }
0xd3: {  	[spmem:s26] =	stream.linear.scatter [tilespmem:s1], [sflag:$0x7], $0x800, $0x38;
	[tilespmem:$0x1FB00] =	vst v63  }
0xd4: {  	_ =	swait.ge [sflag:s5], $0x800  }
0xd5: {  	[sflag:s5] =	ssyncset.done $0x0  }
0xd6: {  	[sflag:s5] =	ssyncadd.s32 $0xFFFFF800  }
0xd7: {  	[spmem:s28] =	stream.linear.scatter [tilespmem:s1], [sflag:$0x7], $0x800, $0x38;
	[tilespmem:$0x1FB00] =	vst v63  }
0xd8: {  	_ =	swait.ge [sflag:s5], $0x800  }
0xd9: {  	[sflag:s5] =	ssyncset.done $0x0  }
0xda: {  	[sflag:s5] =	ssyncadd.s32 $0xFFFFF800  }
0xdb: {  	[spmem:s29] =	stream.linear.scatter [tilespmem:s1], [sflag:$0x7], $0x800, $0x38;
	[tilespmem:$0x1FB00] =	vst v63  }
0xdc: {  	_ =	swait.ge [sflag:s5], $0x800  }
0xdd: {  	[sflag:s5] =	ssyncset.done $0x0  }
0xde: {  	[sflag:s5] =	ssyncadd.s32 $0xFFFFF800  }
0xdf: {  	[spmem:s30] =	stream.linear.scatter [tilespmem:s1], [sflag:$0x7], $0x800, $0x38;
	[tilespmem:$0x1FB00] =	vst v63  }
0xe0: {  	_ =	swait.ge [sflag:s5], $0x800  }
0xe1: {  	[sflag:s5] =	ssyncset.done $0x0  }
0xe2: {  	[sflag:s5] =	ssyncadd.s32 $0xFFFFF800  }
0xe3: {  	[spmem:s31] =	stream.linear.scatter [tilespmem:s1], [sflag:$0x7], $0x800, $0x38;
	[tilespmem:$0x1FB00] =	vst v63  }
0xe4: {  	_ =	swait.ge [sflag:s5], $0x800  }
0xe5: {  	[sflag:s5] =	ssyncset.done $0x0  }
0xe6: {  	[sflag:s5] =	ssyncadd.s32 $0xFFFFF800  }
0xe7: {  	[spmem:s0] =	stream.linear.scatter [tilespmem:s1], [sflag:$0x7], $0x800, $0x38;
	[tilespmem:$0x1FB00] =	vst v63  }
0xe8: {  	_ =	swait.ge [sflag:s5], $0x800  }
0xe9: {  	s13 =	rddreg [dreg:$0xf]  }
0xea: {  	[sflag:s5] =	ssyncset.done $0x0;
	s20 =	rddreg [dreg:$0x10]  }
0xeb: {  	s12 =	simm.s32 $0x0;
	s21 =	rddreg [dreg:$0x11];
	[sflag:s5] =	ssyncadd.s32 $0xFFFFF800  }
0xec: {  	[tilespmem:s12], [sflag:$0x1] =	stream.linear.gather [hbm4b:s13+s12], $0x5000, $0x38;
	[tilespmem:$0x1FB00] =	vst v63  }
0xed: {  	s22 =	rddreg [dreg:$0x12]  }
0xee: {  	[tilespmem:s6], [sflag:$0x1] =	stream.linear.gather [hbm4b:s20+s12], $0x100, $0x38;
	[tilespmem:$0x1FB00] =	vst v63  }
0xef: {  	s14 =	simm.s32 $0x5000;
	s19 =	rddreg [dreg:$0x15]  }
0xf0: {  	[tilespmem:s14], [sflag:$0x2] =	stream.linear.gather [hbm4b:s21+s12], $0x5000, $0x38;
	[tilespmem:$0x1FB00] =	vst v63  }
0xf1: {  	s25 =	simm.s32 $0xF100;
	s18 =	rddreg [dreg:$0x14]  }
0xf2: {  	[tilespmem:s25], [sflag:$0x2] =	stream.linear.gather [hbm4b:s22+s12], $0x100, $0x38;
	[tilespmem:$0x1FB00] =	vst v63  }
0xf3: {  	s20 =	rddreg [dreg:$0x16];
	s25 =	smov.u32 s16  }
.LBB2_4:
0xf4: {  	_ =	swait.ge [sflag:s7], $0x5000  }
0xf5: {  	[sflag:s7] =	ssyncset.done $0x0  }
0xf6: {  	[sflag:s7] =	ssyncadd.s32 $0xFFFFB000  }
0xf7: {  	_ =	swait.ge [sflag:s7], $0x100  }
0xf8: {  	[sflag:s7] =	ssyncset.done $0x0  }
0xf9: {  	s15 =	rddreg [dreg:$0x4];
	[sflag:s7] =	ssyncadd.s32 $0xFFFFFF00  }
0xfa: {  	[spmem:s3] =	stream.indirect.scatter.add.f32 [tilespmem:s2], [sflag:$0x4], $0x80, s6, s8, $0xb8;
	[tilespmem:$0x1FB00] =	vst v63  }
0xfb: {  	p0 =	seq.s32 s12, $0x0;
	s17 =	rddreg [dreg:$0x5]  }
0xfc: {  	[spmem:s3] =	stream.indirect.scatter.add.f32 [tilespmem:s15], [sflag:$0x4], $0x80, s17, s8, $0xb8;
	[tilespmem:$0x1FB00] =	vst v63  }
0xfd: {  	s17 =	simm.s32 @!p0 $0x6  }
0xfe: {  	_ =	swait.ge @!p0 [sflag:s17], $0x2800  }
0xff: {  	[sflag:s17] =	ssyncset.done @!p0 $0x0  }
0x100: {  	[sflag:s17] =	ssyncadd.s32 @!p0 $0xFFFFD800  }
0x101: {  	s15 =	sadd.s32 s12, s4;
	_ =	swait.ge @!p0 [sflag:s17], $0x2800  }
0x102: {  	s21 =	sadd.s32 $0x40, s15;
	[sflag:s17] =	ssyncset.done @!p0 $0x0  }
0x103: {  	[sflag:s17] =	ssyncadd.s32 @!p0 $0xFFFFD800;
	p0 =	sgt.u32 s21, $0x15D  }
0x104: {  	s17 =	sadd.s32 @!p0 $0xFFFD8000, s25;
	s14 =	simm.s32 @!p0 $0x0;
	s21 =	simm.s32 @!p0 $0xA000  }
0x105: {  	[tilespmem:s21], [sflag:$0x3] =	stream.linear.gather @!p0 [hbm4b:s17+s14], $0x5000, $0x38;
	[tilespmem:$0x1FB00] =	vst v63  }
0x106: {  	s17 =	simm.s32 @!p0 $0xF200  }
0x107: {  	[tilespmem:s17], [sflag:$0x3] =	stream.linear.gather @!p0 [hbm4b:s20+s14], $0x100, $0x38;
	[tilespmem:$0x1FB00] =	vst v63  }
0x108: {  	v3 =	vld [tilespmem:$0xF000];
	_ =	sdelay $0x4  }
0x109: {  	v3 =	vshll.u32 v3, $0x7  }
0x10a: {  	v3 =	vor.u32 v1, v3;
	_ =	sdelay $0x4  }
0x10b: {  	[tilespmem:v3+s9+$0x0] =	vst.idx.add.f32.msk $0xffff, v2  }
0x10c: {  	v3 =	vld [tilespmem:$0xF010];
	_ =	sdelay $0x4  }
0x10d: {  	v3 =	vshll.u32 v3, $0x7  }
0x10e: {  	v3 =	vor.u32 v1, v3;
	_ =	sdelay $0x4  }
0x10f: {  	[tilespmem:v3+s9+$0x0] =	vst.idx.add.f32.msk $0xffff, v2  }
0x110: {  	v3 =	vld [tilespmem:$0xF020];
	_ =	sdelay $0x4  }
0x111: {  	v3 =	vshll.u32 v3, $0x7  }
0x112: {  	v3 =	vor.u32 v1, v3;
	_ =	sdelay $0x4  }
0x113: {  	[tilespmem:v3+s9+$0x0] =	vst.idx.add.f32.msk $0xffff, v2  }
0x114: {  	v3 =	vld [tilespmem:$0xF030];
	_ =	sdelay $0x4  }
0x115: {  	v3 =	vshll.u32 v3, $0x7  }
0x116: {  	v3 =	vor.u32 v1, v3;
	_ =	sdelay $0x4  }
0x117: {  	[tilespmem:v3+s9+$0x0] =	vst.idx.add.f32.msk $0xffff, v2  }
0x118: {  	v3 =	vld [tilespmem:$0xF040];
	_ =	sdelay $0x4  }
0x119: {  	v3 =	vshll.u32 v3, $0x7  }
0x11a: {  	v3 =	vor.u32 v1, v3;
	_ =	sdelay $0x4  }
0x11b: {  	[tilespmem:v3+s9+$0x0] =	vst.idx.add.f32.msk $0xffff, v2  }
0x11c: {  	v3 =	vld [tilespmem:$0xF080];
	_ =	sdelay $0x4  }
0x11d: {  	v3 =	vshll.u32 v3, $0x7  }
0x11e: {  	v3 =	vor.u32 v1, v3;
	_ =	sdelay $0x4  }
0x11f: {  	[tilespmem:v3+s9+$0x0] =	vst.idx.add.f32.msk $0xffff, v2  }
0x120: {  	v3 =	vld [tilespmem:$0xF090];
	_ =	sdelay $0x4  }
0x121: {  	v3 =	vshll.u32 v3, $0x7  }
0x122: {  	v3 =	vor.u32 v1, v3;
	_ =	sdelay $0x4  }
0x123: {  	[tilespmem:v3+s9+$0x0] =	vst.idx.add.f32.msk $0xffff, v2  }
0x124: {  	v3 =	vld [tilespmem:$0xF0A0];
	_ =	sdelay $0x4  }
0x125: {  	v3 =	vshll.u32 v3, $0x7  }
0x126: {  	v3 =	vor.u32 v1, v3;
	_ =	sdelay $0x4  }
0x127: {  	[tilespmem:v3+s9+$0x0] =	vst.idx.add.f32.msk $0xffff, v2  }
0x128: {  	v3 =	vld [tilespmem:$0xF0B0];
	_ =	sdelay $0x4  }
0x129: {  	v3 =	vshll.u32 v3, $0x7  }
0x12a: {  	v3 =	vor.u32 v1, v3;
	_ =	sdelay $0x4  }
0x12b: {  	[tilespmem:v3+s9+$0x0] =	vst.idx.add.f32.msk $0xffff, v2  }
0x12c: {  	v3 =	vld [tilespmem:$0xF0C0];
	_ =	sdelay $0x4  }
0x12d: {  	v3 =	vshll.u32 v3, $0x7  }
0x12e: {  	v3 =	vor.u32 v1, v3;
	_ =	sdelay $0x2  }
0x12f: {  	s13 =	rddreg [dreg:$0x6]  }
0x130: {  	p1 =	sge.u32 s12, s13  }
0x131: {  	s14 =	simm.s32 @!p1 $0x2;
	[tilespmem:v3+s9+$0x0] =	vst.idx.add.f32.msk $0xffff, v2  }
0x132: {  	_ =	swait.ge @!p1 [sflag:s14], $0x5000  }
0x133: {  	[sflag:s14] =	ssyncset.done @!p1 $0x0  }
0x134: {  	[sflag:s14] =	ssyncadd.s32 @!p1 $0xFFFFB000  }
0x135: {  	_ =	swait.ge @!p1 [sflag:s14], $0x100  }
0x136: {  	s13 =	simm.s32 @!p1 $0xF100;
	[sflag:s14] =	ssyncset.done @!p1 $0x0  }
0x137: {  	s22 =	simm.s32 @!p1 $0x5000;
	[sflag:s14] =	ssyncadd.s32 @!p1 $0xFFFFFF00;
	s14 =	simm.s32 @!p1 $0x50  }
0x138: {  	[spmem:s3] =	stream.indirect.scatter.add.f32 @!p1 [tilespmem:s22], [sflag:$0x5], $0x80, s13, s14, $0xb8;
	[tilespmem:$0x1FB00] =	vst v63  }
0x139: {  	s13 =	simm.s32 @!p1 $0xF180;
	s22 =	simm.s32 @!p1 $0x7800  }
0x13a: {  	[spmem:s3] =	stream.indirect.scatter.add.f32 @!p1 [tilespmem:s22], [sflag:$0x5], $0x80, s13, s14, $0xb8;
	[tilespmem:$0x1FB00] =	vst v63  }
0x13b: {  	_ =	swait.ge [sflag:s10], $0x2800  }
0x13c: {  	[sflag:s10] =	ssyncset.done $0x0  }
0x13d: {  	[sflag:s10] =	ssyncadd.s32 $0xFFFFD800  }
0x13e: {  	s14 =	sadd.s32 $0x60, s15;
	_ =	swait.ge [sflag:s10], $0x2800  }
0x13f: {  	p2 =	sgt.u32 s14, $0x15D;
	[sflag:s10] =	ssyncset.done $0x0  }
0x140: {  	s13 =	sadd.s32 @!p2 $0xFFFEC000, s25;
	s14 =	simm.s32 @!p2 $0x0;
	[sflag:s10] =	ssyncadd.s32 $0xFFFFD800  }
0x141: {  	[tilespmem:s14], [sflag:$0x1] =	stream.linear.gather @!p2 [hbm4b:s13+s14], $0x5000, $0x38;
	[tilespmem:$0x1FB00] =	vst v63  }
0x142: {  	s13 =	simm.s32 @!p2 $0xF000  }
0x143: {  	[tilespmem:s13], [sflag:$0x1] =	stream.linear.gather @!p2 [hbm4b:s19+s14], $0x100, $0x38;
	[tilespmem:$0x1FB00] =	vst v63  }
0x144: {  	v3 =	vld @!p1 [tilespmem:$0xF100];
	_ =	sdelay $0x4  }
0x145: {  	v4 =	vlaneseq.u32 @!p1;
	v3 =	vshll.u32 @!p1 v3, $0x7  }
0x146: {  	v3 =	vor.u32 @!p1 v4, v3;
	_ =	sdelay $0x3  }
0x147: {  	v5 =	vimm.f32 @!p1 $1.000000000e+00;
	s13 =	simm.s32 @!p1 $0xF300  }
0x148: {  	[tilespmem:v3+s13+$0x0] =	vst.idx.add.f32.msk @!p1 $0xffff, v5  }
0x149: {  	v3 =	vld @!p1 [tilespmem:$0xF110];
	_ =	sdelay $0x4  }
0x14a: {  	v3 =	vshll.u32 @!p1 v3, $0x7  }
0x14b: {  	v3 =	vor.u32 @!p1 v4, v3;
	_ =	sdelay $0x4  }
0x14c: {  	[tilespmem:v3+s13+$0x0] =	vst.idx.add.f32.msk @!p1 $0xffff, v5  }
0x14d: {  	v3 =	vld @!p1 [tilespmem:$0xF120];
	_ =	sdelay $0x4  }
0x14e: {  	v3 =	vshll.u32 @!p1 v3, $0x7  }
0x14f: {  	v3 =	vor.u32 @!p1 v4, v3;
	_ =	sdelay $0x4  }
0x150: {  	[tilespmem:v3+s13+$0x0] =	vst.idx.add.f32.msk @!p1 $0xffff, v5  }
0x151: {  	v3 =	vld @!p1 [tilespmem:$0xF130];
	_ =	sdelay $0x4  }
0x152: {  	v3 =	vshll.u32 @!p1 v3, $0x7  }
0x153: {  	v3 =	vor.u32 @!p1 v4, v3;
	_ =	sdelay $0x4  }
0x154: {  	[tilespmem:v3+s13+$0x0] =	vst.idx.add.f32.msk @!p1 $0xffff, v5  }
0x155: {  	v3 =	vld @!p1 [tilespmem:$0xF140];
	_ =	sdelay $0x4  }
0x156: {  	v3 =	vshll.u32 @!p1 v3, $0x7  }
0x157: {  	v3 =	vor.u32 @!p1 v4, v3;
	_ =	sdelay $0x4  }
0x158: {  	[tilespmem:v3+s13+$0x0] =	vst.idx.add.f32.msk @!p1 $0xffff, v5  }
0x159: {  	v3 =	vld @!p1 [tilespmem:$0xF180];
	_ =	sdelay $0x4  }
0x15a: {  	v3 =	vshll.u32 @!p1 v3, $0x7  }
0x15b: {  	v3 =	vor.u32 @!p1 v4, v3;
	_ =	sdelay $0x4  }
0x15c: {  	[tilespmem:v3+s13+$0x0] =	vst.idx.add.f32.msk @!p1 $0xffff, v5  }
0x15d: {  	v3 =	vld @!p1 [tilespmem:$0xF190];
	_ =	sdelay $0x4  }
0x15e: {  	v3 =	vshll.u32 @!p1 v3, $0x7  }
0x15f: {  	v3 =	vor.u32 @!p1 v4, v3;
	_ =	sdelay $0x4  }
0x160: {  	[tilespmem:v3+s13+$0x0] =	vst.idx.add.f32.msk @!p1 $0xffff, v5  }
0x161: {  	v3 =	vld @!p1 [tilespmem:$0xF1A0];
	_ =	sdelay $0x4  }
0x162: {  	v3 =	vshll.u32 @!p1 v3, $0x7  }
0x163: {  	v3 =	vor.u32 @!p1 v4, v3;
	_ =	sdelay $0x4  }
0x164: {  	[tilespmem:v3+s13+$0x0] =	vst.idx.add.f32.msk @!p1 $0xffff, v5  }
0x165: {  	v3 =	vld @!p1 [tilespmem:$0xF1B0];
	_ =	sdelay $0x4  }
0x166: {  	v3 =	vshll.u32 @!p1 v3, $0x7  }
0x167: {  	v3 =	vor.u32 @!p1 v4, v3;
	_ =	sdelay $0x4  }
0x168: {  	[tilespmem:v3+s13+$0x0] =	vst.idx.add.f32.msk @!p1 $0xffff, v5  }
0x169: {  	v3 =	vld @!p1 [tilespmem:$0xF1C0];
	_ =	sdelay $0x4  }
0x16a: {  	v3 =	vshll.u32 @!p1 v3, $0x7  }
0x16b: {  	v3 =	vor.u32 @!p1 v4, v3;
	_ =	sdelay $0x4  }
0x16c: {  	[tilespmem:v3+s13+$0x0] =	vst.idx.add.f32.msk @!p1 $0xffff, v5;
	s13 =	simm.s32 @!p0 $0x3  }
0x16d: {  	_ =	swait.ge @!p0 [sflag:s13], $0x5000  }
0x16e: {  	[sflag:s13] =	ssyncset.done @!p0 $0x0  }
0x16f: {  	[sflag:s13] =	ssyncadd.s32 @!p0 $0xFFFFB000  }
0x170: {  	_ =	swait.ge @!p0 [sflag:s13], $0x100  }
0x171: {  	[sflag:s13] =	ssyncset.done @!p0 $0x0  }
0x172: {  	[sflag:s13] =	ssyncadd.s32 @!p0 $0xFFFFFF00;
	s13 =	simm.s32 @!p0 $0x50  }
0x173: {  	[spmem:s3] =	stream.indirect.scatter.add.f32 @!p0 [tilespmem:s21], [sflag:$0x6], $0x80, s17, s13, $0xb8;
	[tilespmem:$0x1FB00] =	vst v63  }
0x174: {  	s14 =	simm.s32 @!p0 $0xF280;
	s17 =	simm.s32 @!p0 $0xC800  }
0x175: {  	[spmem:s3] =	stream.indirect.scatter.add.f32 @!p0 [tilespmem:s17], [sflag:$0x6], $0x80, s14, s13, $0xb8;
	[tilespmem:$0x1FB00] =	vst v63  }
0x176: {  	s13 =	simm.s32 @!p1 $0x5  }
0x177: {  	_ =	swait.ge @!p1 [sflag:s13], $0x2800  }
0x178: {  	[sflag:s13] =	ssyncset.done @!p1 $0x0  }
0x179: {  	[sflag:s13] =	ssyncadd.s32 @!p1 $0xFFFFD800  }
0x17a: {  	s22 =	sadd.s32 $0x80, s15;
	_ =	swait.ge @!p1 [sflag:s13], $0x2800  }
0x17b: {  	p2 =	sgt.u32 s22, $0x15D;
	[sflag:s13] =	ssyncset.done @!p1 $0x0  }
0x17c: {  	s14 =	simm.s32 @!p2 $0x5000;
	[sflag:s13] =	ssyncadd.s32 @!p1 $0xFFFFD800;
	s13 =	simm.s32 @!p2 $0x0  }
0x17d: {  	[tilespmem:s14], [sflag:$0x2] =	stream.linear.gather @!p2 [hbm4b:s25+s13], $0x5000, $0x38;
	[tilespmem:$0x1FB00] =	vst v63  }
0x17e: {  	s14 =	simm.s32 @!p2 $0xF100  }
0x17f: {  	[tilespmem:s14], [sflag:$0x2] =	stream.linear.gather @!p2 [hbm4b:s18+s13], $0x100, $0x38;
	[tilespmem:$0x1FB00] =	vst v63  }
0x180: {  	v3 =	vld @!p0 [tilespmem:$0xF200];
	_ =	sdelay $0x4  }
0x181: {  	v4 =	vlaneseq.u32 @!p0;
	v3 =	vshll.u32 @!p0 v3, $0x7  }
0x182: {  	v3 =	vor.u32 @!p0 v4, v3;
	_ =	sdelay $0x3  }
0x183: {  	v5 =	vimm.f32 @!p0 $1.000000000e+00;
	s13 =	simm.s32 @!p0 $0xF300  }
0x184: {  	[tilespmem:v3+s13+$0x0] =	vst.idx.add.f32.msk @!p0 $0xffff, v5  }
0x185: {  	v3 =	vld @!p0 [tilespmem:$0xF210];
	_ =	sdelay $0x4  }
0x186: {  	v3 =	vshll.u32 @!p0 v3, $0x7  }
0x187: {  	v3 =	vor.u32 @!p0 v4, v3;
	_ =	sdelay $0x4  }
0x188: {  	[tilespmem:v3+s13+$0x0] =	vst.idx.add.f32.msk @!p0 $0xffff, v5  }
0x189: {  	v3 =	vld @!p0 [tilespmem:$0xF220];
	_ =	sdelay $0x4  }
0x18a: {  	v3 =	vshll.u32 @!p0 v3, $0x7  }
0x18b: {  	v3 =	vor.u32 @!p0 v4, v3;
	_ =	sdelay $0x4  }
0x18c: {  	[tilespmem:v3+s13+$0x0] =	vst.idx.add.f32.msk @!p0 $0xffff, v5  }
0x18d: {  	v3 =	vld @!p0 [tilespmem:$0xF230];
	_ =	sdelay $0x4  }
0x18e: {  	v3 =	vshll.u32 @!p0 v3, $0x7  }
0x18f: {  	v3 =	vor.u32 @!p0 v4, v3;
	_ =	sdelay $0x4  }
0x190: {  	[tilespmem:v3+s13+$0x0] =	vst.idx.add.f32.msk @!p0 $0xffff, v5  }
0x191: {  	v3 =	vld @!p0 [tilespmem:$0xF240];
	_ =	sdelay $0x4  }
0x192: {  	v3 =	vshll.u32 @!p0 v3, $0x7  }
0x193: {  	v3 =	vor.u32 @!p0 v4, v3;
	_ =	sdelay $0x4  }
0x194: {  	[tilespmem:v3+s13+$0x0] =	vst.idx.add.f32.msk @!p0 $0xffff, v5  }
0x195: {  	v3 =	vld @!p0 [tilespmem:$0xF280];
	_ =	sdelay $0x4  }
0x196: {  	v3 =	vshll.u32 @!p0 v3, $0x7  }
0x197: {  	v3 =	vor.u32 @!p0 v4, v3;
	_ =	sdelay $0x4  }
0x198: {  	[tilespmem:v3+s13+$0x0] =	vst.idx.add.f32.msk @!p0 $0xffff, v5  }
0x199: {  	v3 =	vld @!p0 [tilespmem:$0xF290];
	_ =	sdelay $0x4  }
0x19a: {  	v3 =	vshll.u32 @!p0 v3, $0x7  }
0x19b: {  	v3 =	vor.u32 @!p0 v4, v3;
	_ =	sdelay $0x4  }
0x19c: {  	[tilespmem:v3+s13+$0x0] =	vst.idx.add.f32.msk @!p0 $0xffff, v5  }
0x19d: {  	v3 =	vld @!p0 [tilespmem:$0xF2A0];
	_ =	sdelay $0x4  }
0x19e: {  	v3 =	vshll.u32 @!p0 v3, $0x7  }
0x19f: {  	v3 =	vor.u32 @!p0 v4, v3;
	_ =	sdelay $0x4  }
0x1a0: {  	[tilespmem:v3+s13+$0x0] =	vst.idx.add.f32.msk @!p0 $0xffff, v5  }
0x1a1: {  	v3 =	vld @!p0 [tilespmem:$0xF2B0];
	_ =	sdelay $0x4  }
0x1a2: {  	v3 =	vshll.u32 @!p0 v3, $0x7  }
0x1a3: {  	v3 =	vor.u32 @!p0 v4, v3;
	_ =	sdelay $0x4  }
0x1a4: {  	[tilespmem:v3+s13+$0x0] =	vst.idx.add.f32.msk @!p0 $0xffff, v5  }
0x1a5: {  	v3 =	vld @!p0 [tilespmem:$0xF2C0];
	_ =	sdelay $0x4  }
0x1a6: {  	s12 =	sadd.s32 $0x60, s12;
	v3 =	vshll.u32 @!p0 v3, $0x7  }
0x1a7: {  	p1 =	sne.s32 s12, $0x180;
	v3 =	vor.u32 @!p0 v4, v3  }
.Ltmp1:
0x1a8: {  	_ = 	snop;
	(pc) =	sbr.rel @p1 .LBB2_4-.Ltmp1, $3  }
0x1a9: {  	_ =	sdelay $0x1  }
0x1aa: {  	s20 =	sadd.s32 $0xC00, s20  }
0x1ab: {  	s19 =	sadd.s32 $0xC00, s19;
	s25 =	sadd.s32 $0x3C000, s25;
	s18 =	sadd.s32 $0xC00, s18;
	[tilespmem:v3+s13+$0x0] =	vst.idx.add.f32.msk @!p0 $0xffff, v5  }
0x1ac: {  	s12 =	rddreg [dreg:$0x13]  }
0x1ad: {  	s13 =	sshrl.u32 s3, $0x3;
	s14 =	rddreg [dreg:$0x18];
	s12 =	sor.u32 $0x1C07, s12  }
0x1ae: {  	[hbm:s14], [sflag:s12] =	dma.local [spmem:s13], $0x1000  }
0x1af: {  	s11 =	sadd.s32 $0x1, s11;
	_ =	swait.ge [sflag:s5], $0x1000  }
0x1b0: {  	p0 =	sne.s32 s11, s24;
	[sflag:s5] =	ssyncset.done $0x0  }
.Ltmp2:
0x1b1: {  	[sflag:s5] =	ssyncadd.s32 $0xFFFFF000;
	(pc) =	sbr.rel @p0 .LBB2_1-.Ltmp2, $4  }
0x1b2: {  	[hbm4b:s23+s2] =	stream.linear.scatter [tilespmem:s9], [sflag:$0x7], $0x8000, $0x38;
	[tilespmem:$0x1FB00] =	vst v63  }
0x1b3: {  	_ =	swait.ge [sflag:s5], $0x8000  }
0x1b4: {  	[sflag:s5] =	ssyncset.done $0x0  }
0x1b5: {  	[sflag:s5] =	ssyncadd.s32 $0xFFFF8000  }
0x1b6: {  	_ =	sfence.sel $0x180000  }
0x1b7: {  	[bflag:$0x0] =	sbarrier.arrive $0xFFFF  }
0x1b8: {  	_ =	strace $0x90000047  }
0x1b9: {  	s0 =	stileid.u32;
	[bflag:$0x2] =	sbarrier.arrive $0xFFFF  }
0x1ba: {  	p0 =	sne.s32 s0, $0x0;
	s0 =	rddreg [dreg:$0x3]  }
0x1bb: {  	s0 =	sadd.s32 @!p0 $0x100000, s0  }
0x1bc: {  	[sflag:s0] =	ssyncadd.tile.s32 @!p0 $0x1;
	_ =	shalt  }
.Lfunc_end2:
_tile_overlayer_lowered:
.L_overlay_start_2:
0x1bd: {  	(tag) =	ssettag $0x2  }
0x1be: {  	s0 =	rddreg [dreg:$0x0];
	s2 =	stileid.u32  }
0x1bf: {  	s1 =	rddreg [dreg:$0x1];
	p0 =	sne.s32 s2, $0x0  }
0x1c0: {  	s3 =	rddreg [dreg:$0x2];
	[bflag:$0x3] =	sbarrier.arrive $0xFFFF;
	s2 =	simm.s32 @!p0 $0x1C07  }
0x1c1: {  	[timem:s3], [sflag:s2] =	dma.local @!p0 [hbm:s0], s1  }
0x1c2: {  	s0 =	simm.s32 @!p0 $0x7  }
0x1c3: {  	_ =	swait.ge @!p0 [sflag:s0], s1  }
0x1c4: {  	s1 =	ssub.s32 @!p0 $0x0, s1;
	[sflag:s0] =	ssyncset.done @!p0 $0x0  }
0x1c5: {  	[sflag:s0] =	ssyncadd.s32 @!p0 s1  }
0x1c6: {  	[bflag:$0x3] =	sbarrier.arrive $0xFFFF  }
0x1c7: {  	_ =	shalt  }

</sc_bundles>
